<compile_context>
chip_gen: v7x
topology: tpu7x:2x2x1
jax: 0.10.2.dev20260603
libtpu: 0.0.44.dev20260713+nightly
codegen_flags: <defaults>
</compile_context>

<pallas_src>
import functools

import jax
import jax.numpy as jnp
from jax import lax
from jax.experimental import pallas as pl
from jax.experimental.pallas import tpu as pltpu
from jax.experimental.pallas import tpu_sc as plsc

_GRID_SIZE = 5
_SPLINE_ORDER = 3
_NB = _GRID_SIZE + _SPLINE_ORDER
_H = 2.0 / _GRID_SIZE
_G0 = -1.0 - _SPLINE_ORDER * _H
_NKNOTS = _GRID_SIZE + 2 * _SPLINE_ORDER + 1
_EPS = 1e-5


def _bspline_bases(y):
    g = [_G0 + _H * j for j in range(_NKNOTS)]
    b = [((y >= g[j]) & (y < g[j + 1])).astype(y.dtype) for j in range(_NKNOTS - 1)]
    for k in range(1, _SPLINE_ORDER + 1):
        inv = 1.0 / (_H * k)
        nb = []
        for j in range(len(b) - 1):
            left = (y - g[j]) * inv
            right = (g[j + k + 1] - y) * inv
            nb.append(left * b[j] + right * b[j + 1])
        b = nb
    return b


def _kan_core(y, bwt_ref, sw_ref):
    acc = jnp.dot(y * jax.nn.sigmoid(y), bwt_ref[...],
                  preferred_element_type=jnp.float32)
    bases = _bspline_bases(y)
    for b in range(_NB):
        acc = acc + jnp.dot(bases[b], sw_ref[b],
                            preferred_element_type=jnp.float32)
    return acc


def _accum_stats(stats_ref, h):
    st = jnp.concatenate(
        [jnp.sum(h, axis=0, keepdims=True),
         jnp.sum(h * h, axis=0, keepdims=True)], axis=0)

    @pl.when(pl.program_id(0) == 0)
    def _():
        stats_ref[...] = st

    @pl.when(pl.program_id(0) != 0)
    def _():
        stats_ref[...] = stats_ref[...] + st


def _bn_affine(stats_ref, gamma_ref, beta_ref, n):
    mu = stats_ref[0:1, :] * (1.0 / n)
    ex2 = stats_ref[1:2, :] * (1.0 / n)
    var = ex2 - mu * mu
    scale = gamma_ref[...] * lax.rsqrt(var + _EPS)
    shift = beta_ref[...] - mu * scale
    return scale, shift



def _layer1_body(x_ref, aa_ref, ab_ref, bwt_ref, sw_ref, h_ref, stats_ref):
    y = x_ref[...] + aa_ref[0] + ab_ref[0]
    h = _kan_core(y, bwt_ref, sw_ref)
    h_ref[...] = jnp.concatenate(
        [h, jnp.zeros_like(h)], axis=1)
    _accum_stats(stats_ref, h)


def _bn1_body(h_ref, stats_ref, gamma_ref, beta_ref, out_ref, *, n, dh):
    scale, shift = _bn_affine(stats_ref, gamma_ref, beta_ref, n)
    hn = scale * h_ref[...][:, :dh] + shift
    out_ref[...] = jnp.concatenate([hn, jnp.zeros_like(hn)], axis=1)


def _layer2_body(hn_ref, aa_ref, ab_ref, bwt_ref, sw_ref,
                 h2_ref, stats2_ref, *, dh):
    y = (hn_ref[...] + aa_ref[0] + ab_ref[0])[:, :dh]
    h2 = _kan_core(y, bwt_ref, sw_ref)
    h2_ref[...] = h2
    _accum_stats(stats2_ref, h2)


def _layer3_body(h_ref, stats2_ref, gamma_ref, beta_ref, bwt_ref, sw_ref,
                 out_ref, *, n):
    scale, shift = _bn_affine(stats2_ref, gamma_ref, beta_ref, n)
    y = scale * h_ref[...] + shift
    h3 = _kan_core(y, bwt_ref, sw_ref)
    m = jnp.max(h3, axis=1, keepdims=True)
    e = jnp.exp(h3 - m)
    lse = jnp.log(jnp.sum(e, axis=1, keepdims=True))
    out_ref[...] = h3 - m - lse


def _whole(shape):
    return pl.BlockSpec(shape, lambda i: (0,) * len(shape))



_K = 80


def _sc_segsum(xmat, src, dst, zeros):
    n, d = xmat.shape
    e = src.shape[0]
    info = plsc.get_sparse_core_info()
    nc, ns = info.num_cores, info.num_subcores
    nw = nc * ns
    ew = e // nw
    nchunk = ew // _K
    rpt = (n // ns) // 8 * 8
    tail = n - rpt * ns

    mesh = plsc.VectorSubcoreMesh(core_axis_name="c", subcore_axis_name="s")

    @functools.partial(
        pl.kernel, mesh=mesh,
        out_type=jax.ShapeDtypeStruct((nc, n, d), jnp.float32),
        scratch_types=[
            pltpu.VMEM((_K,), jnp.int32),
            pltpu.VMEM((_K,), jnp.int32),
            pltpu.VMEM((_K, d), jnp.float32),
            pltpu.VMEM_SHARED((n, d), jnp.float32),
            pltpu.SemaphoreType.DMA,
        ])
    def seg_kernel(x_hbm, src_hbm, dst_hbm, z_hbm, out_hbm,
                   sidx, didx, rows, acc_sh, sem):
        c = lax.axis_index("c")
        s = lax.axis_index("s")
        wid = s * nc + c
        r0 = s * rpt
        is_last = s == (ns - 1)

        pltpu.sync_copy(z_hbm.at[pl.ds(r0, rpt)], acc_sh.at[pl.ds(r0, rpt)])
        if tail:
            @pl.when(is_last)
            def _():
                pltpu.sync_copy(z_hbm.at[pl.ds(rpt * ns, tail)],
                                acc_sh.at[pl.ds(rpt * ns, tail)])
        plsc.subcore_barrier()

        base = wid * ew

        def body(i, carry):
            off = pl.multiple_of(base + i * _K, 8)
            pltpu.sync_copy(src_hbm.at[pl.ds(off, _K)], sidx)
            pltpu.async_copy(x_hbm.at[sidx], rows, sem).wait()
            pltpu.sync_copy(dst_hbm.at[pl.ds(off, _K)], didx)
            pltpu.sync_copy(rows, acc_sh.at[didx], add=True)
            return carry

        lax.fori_loop(0, nchunk, body, 0)
        plsc.subcore_barrier()

        pltpu.sync_copy(acc_sh.at[pl.ds(r0, rpt)],
                        out_hbm.at[c, pl.ds(r0, rpt)])
        if tail:
            @pl.when(is_last)
            def _():
                pltpu.sync_copy(acc_sh.at[pl.ds(rpt * ns, tail)],
                                out_hbm.at[c, pl.ds(rpt * ns, tail)])

    return seg_kernel(xmat, src, dst, zeros)



def kernel(x, edge_index, batch, base_w1, spline_w1, bn1_gamma, bn1_beta,
           base_w2, spline_w2, bn2_gamma, bn2_beta, base_w3, spline_w3):
    del batch
    n, d_in = x.shape
    dh = base_w2.shape[1]
    c_out = base_w3.shape[0]
    src = edge_index[0]
    dst = edge_index[1]

    zeros_in = jnp.zeros((n, d_in), jnp.float32)

    bwt1 = base_w1.T
    swt1 = jnp.transpose(spline_w1, (2, 1, 0))
    bwt2 = base_w2.T
    swt2 = jnp.transpose(spline_w2, (2, 1, 0))
    bwt3 = base_w3.T
    swt3 = jnp.transpose(spline_w3, (2, 1, 0))
    g1 = bn1_gamma.reshape(1, dh)
    b1 = bn1_beta.reshape(1, dh)
    g2 = bn2_gamma.reshape(1, dh)
    b2 = bn2_beta.reshape(1, dh)

    agg1 = _sc_segsum(x, src, dst, zeros_in)

    tn = 400
    grid = (n // tn,)

    def stacked(d):
        return pl.BlockSpec((1, tn, d), lambda i: (0, i, 0))

    def stacked1(d):
        return pl.BlockSpec((1, tn, d), lambda i: (1, i, 0))

    h1, st1 = pl.pallas_call(
        _layer1_body,
        grid=grid,
        in_specs=[
            pl.BlockSpec((tn, d_in), lambda i: (i, 0)),
            stacked(d_in), stacked1(d_in),
            _whole(bwt1.shape), _whole(swt1.shape),
        ],
        out_specs=[
            pl.BlockSpec((tn, 2 * dh), lambda i: (i, 0)),
            pl.BlockSpec((2, dh), lambda i: (0, 0)),
        ],
        out_shape=[
            jax.ShapeDtypeStruct((n, 2 * dh), jnp.float32),
            jax.ShapeDtypeStruct((2, dh), jnp.float32),
        ],
    )(x, agg1, agg1, bwt1, swt1)

    h1n = pl.pallas_call(
        functools.partial(_bn1_body, n=n, dh=dh),
        grid=grid,
        in_specs=[
            pl.BlockSpec((tn, 2 * dh), lambda i: (i, 0)),
            _whole((2, dh)), _whole((1, dh)), _whole((1, dh)),
        ],
        out_specs=pl.BlockSpec((tn, 2 * dh), lambda i: (i, 0)),
        out_shape=jax.ShapeDtypeStruct((n, 2 * dh), jnp.float32),
    )(h1, st1, g1, b1)

    agg2 = _sc_segsum(h1n, src, dst, zeros_in)

    h2, st2 = pl.pallas_call(
        functools.partial(_layer2_body, dh=dh),
        grid=grid,
        in_specs=[
            pl.BlockSpec((tn, 2 * dh), lambda i: (i, 0)),
            stacked(2 * dh), stacked1(2 * dh),
            _whole(bwt2.shape), _whole(swt2.shape),
        ],
        out_specs=[
            pl.BlockSpec((tn, dh), lambda i: (i, 0)),
            pl.BlockSpec((2, dh), lambda i: (0, 0)),
        ],
        out_shape=[
            jax.ShapeDtypeStruct((n, dh), jnp.float32),
            jax.ShapeDtypeStruct((2, dh), jnp.float32),
        ],
    )(h1n, agg2, agg2, bwt2, swt2)

    out = pl.pallas_call(
        functools.partial(_layer3_body, n=n),
        grid=grid,
        in_specs=[
            pl.BlockSpec((tn, dh), lambda i: (i, 0)),
            _whole((2, dh)), _whole((1, dh)), _whole((1, dh)),
            _whole(bwt3.shape), _whole(swt3.shape),
        ],
        out_specs=pl.BlockSpec((tn, c_out), lambda i: (i, 0)),
        out_shape=jax.ShapeDtypeStruct((n, c_out), jnp.float32),
    )(h2, st2, g2, b2, bwt3, swt3)

    return out

# --- scband reference (transcript-rebuilt; emitter-appended) ---
"""Pipeline reference for scband-kagin-cls-36051955483208 (READ-ONLY COPY).

The authoritative reference and input builder live on the scoring server;
editing this copy changes nothing except your own understanding.
"""

import jax, jax.numpy as jnp
import numpy as np

GRID_SIZE = 5
SPLINE_ORDER = 3


def make_grid(in_features, grid_size=GRID_SIZE, spline_order=SPLINE_ORDER, grid_range=(-1.0, 1.0)):
    h = (grid_range[1] - grid_range[0]) / grid_size
    g = jnp.arange(-spline_order, grid_size + spline_order + 1, dtype=jnp.float32) * h + grid_range[0]
    return jnp.tile(g[None, :], (in_features, 1))


def b_splines(x, grid, spline_order=SPLINE_ORDER):
    # x: [N, in], grid: [in, G + 2k + 1] -> [N, in, G + k]
    xe = x[:, :, None]
    bases = ((xe >= grid[None, :, :-1]) & (xe < grid[None, :, 1:])).astype(x.dtype)
    for k in range(1, spline_order + 1):
        left = (xe - grid[None, :, : -(k + 1)]) / (grid[None, :, k:-1] - grid[None, :, : -(k + 1)])
        right = (grid[None, :, k + 1:] - xe) / (grid[None, :, k + 1:] - grid[None, :, 1:-k])
        bases = left * bases[:, :, :-1] + right * bases[:, :, 1:]
    return bases


def kan_linear(x, base_w, spline_w, grid):
    # efficient-KAN KANLinear: base branch + spline branch (scaler folded into spline_w)
    base = jax.nn.silu(x) @ base_w.T
    spl = b_splines(x, grid).reshape(x.shape[0], -1) @ spline_w.reshape(spline_w.shape[0], -1).T
    return base + spl


def batchnorm(x, gamma, beta, eps=1e-5):
    mu = jnp.mean(x, axis=0)
    var = jnp.var(x, axis=0)  # biased, as torch BN uses for normalization
    return (x - mu) / jnp.sqrt(var + eps) * gamma + beta


def gin_conv(x, edge_index, base_w, spline_w, grid):
    # GINConv with eps=0: mlp((1+eps)*x + sum_{j in N(i)} x_j)
    src, dst = edge_index[0], edge_index[1]
    msg = x[src]
    agg = jax.ops.segment_sum(msg, dst, num_segments=x.shape[0])
    return kan_linear(x + agg, base_w, spline_w, grid)


def setup_inputs(seed: int = 0) -> dict:
    key = jax.random.key(seed)
    ks = jax.random.split(key, 10)
    N, E, D_IN, D_H, C = 10000, 320000, 128, 64, 40
    B = GRID_SIZE + SPLINE_ORDER
    x = jax.random.normal(ks[0], (N, D_IN), dtype=jnp.float32)
    edge_index = jax.random.randint(ks[1], (2, E), 0, N, dtype=jnp.int32)
    batch = jnp.zeros((N,), dtype=jnp.int32)
    base_w1 = jax.random.normal(ks[2], (D_H, D_IN), dtype=jnp.float32) / np.sqrt(D_IN)
    spline_w1 = jax.random.normal(ks[3], (D_H, D_IN, B), dtype=jnp.float32) * (0.1 / np.sqrt(D_IN))
    base_w2 = jax.random.normal(ks[4], (D_H, D_H), dtype=jnp.float32) / np.sqrt(D_H)
    spline_w2 = jax.random.normal(ks[5], (D_H, D_H, B), dtype=jnp.float32) * (0.1 / np.sqrt(D_H))
    base_w3 = jax.random.normal(ks[6], (C, D_H), dtype=jnp.float32) / np.sqrt(D_H)
    spline_w3 = jax.random.normal(ks[7], (C, D_H, B), dtype=jnp.float32) * (0.1 / np.sqrt(D_H))
    return {
        'x': x, 'edge_index': edge_index, 'batch': batch,
        'base_w1': base_w1, 'spline_w1': spline_w1,
        'bn1_gamma': jnp.ones((D_H,), jnp.float32), 'bn1_beta': jnp.zeros((D_H,), jnp.float32),
        'base_w2': base_w2, 'spline_w2': spline_w2,
        'bn2_gamma': jnp.ones((D_H,), jnp.float32), 'bn2_beta': jnp.zeros((D_H,), jnp.float32),
        'base_w3': base_w3, 'spline_w3': spline_w3,
    }


def reference(x, edge_index, batch, base_w1, spline_w1, bn1_gamma, bn1_beta,
              base_w2, spline_w2, bn2_gamma, bn2_beta, base_w3, spline_w3):
    # node_level=True path; dropout p=0.0 -> identity
    grid1 = make_grid(x.shape[1])
    grid2 = make_grid(base_w2.shape[1])
    grid3 = make_grid(base_w3.shape[1])
    h = gin_conv(x, edge_index, base_w1, spline_w1, grid1)
    h = batchnorm(h, bn1_gamma, bn1_beta)
    h = gin_conv(h, edge_index, base_w2, spline_w2, grid2)
    h = batchnorm(h, bn2_gamma, bn2_beta)
    h = kan_linear(h, base_w3, spline_w3, grid3)
    return jax.nn.log_softmax(h, axis=1)

if __name__ == "__main__":
    import jax
    _d = setup_inputs()
    print(jax.jit(kernel)(*tuple(_d.values())))

</pallas_src>

<mosaic_0001>
#map = affine_map<(d0, d1) -> (0, 0)>
#map1 = affine_map<(d0, d1) -> (0)>
#map2 = affine_map<(d0, d1) -> (0, 0, 0)>
module attributes {stable_mosaic.version = 14 : i64} {
  func.func @seg_kernel(%arg0: i32, %arg1: i32, %arg2: memref<10000x128xf32, #tpu.memory_space<hbm>>, %arg3: memref<320000xi32, #tpu.memory_space<hbm>>, %arg4: memref<320000xi32, #tpu.memory_space<hbm>>, %arg5: memref<10000x128xf32, #tpu.memory_space<hbm>>, %arg6: memref<2x10000x128xf32, #tpu.memory_space<hbm>>, %arg7: memref<80xi32, #tpu.memory_space<vmem>>, %arg8: memref<80xi32, #tpu.memory_space<vmem>>, %arg9: memref<80x128xf32, #tpu.memory_space<vmem>>, %arg10: memref<10000x128xf32, #tpu.memory_space<vmem_shared>>, %arg11: memref<!tpu.dma_semaphore, #tpu.memory_space<semaphore_mem>>) attributes {dimension_semantics = [#tpu.dimension_semantics<core_parallel>, #tpu.dimension_semantics<subcore_parallel>], iteration_bounds = array<i64: 2, 16>, scalar_prefetch = 0 : i64, scratch_operands = 5 : i64, tpu.core_type = #tpu.core_type<sc_vector_subcore>, window_params = [{transform_indices = #map}, {transform_indices = #map1}, {transform_indices = #map1}, {transform_indices = #map}, {transform_indices = #map2}]} {
    %mul3A = arith.constant 2 : i32
    %mul3A_0 = arith.muli %arg1, %mul3A : i32
    %add3A = arith.addi %mul3A_0, %arg0 : i32
    %mul3A_1 = arith.constant 624 : i32
    %mul3A_2 = arith.muli %arg1, %mul3A_1 : i32
    %eq3A = arith.constant 15 : i32
    %eq3A_3 = arith.cmpi eq, %arg1, %eq3A : i32
    "tpu.region"() ({
      %run_scoped3A = tpu.sem_alloc : memref<!tpu.dma_semaphore, #tpu.memory_space<semaphore_mem>>
      %dma_start3A = arith.constant 0 : i32
      %dma_start3A_16 = tpu.memref_slice %arg10[%mul3A_2, %dma_start3A] : memref<10000x128xf32, #tpu.memory_space<vmem_shared>> -> memref<624x128xf32, #tpu.memory_space<vmem_shared>>
      %dma_start3A_17 = arith.constant 0 : i32
      %dma_start3A_18 = tpu.memref_slice %arg5[%mul3A_2, %dma_start3A_17] : memref<10000x128xf32, #tpu.memory_space<hbm>> -> memref<624x128xf32, #tpu.memory_space<hbm>>
      tpu.enqueue_dma source(%dma_start3A_18 : memref<624x128xf32, #tpu.memory_space<hbm>>) target(%dma_start3A_16 : memref<624x128xf32, #tpu.memory_space<vmem_shared>>) target_semaphore(%run_scoped3A : memref<!tpu.dma_semaphore, #tpu.memory_space<semaphore_mem>>)
      %dma_wait3A = arith.constant 0 : i32
      %dma_wait3A_19 = tpu.memref_slice %arg10[%mul3A_2, %dma_wait3A] : memref<10000x128xf32, #tpu.memory_space<vmem_shared>> -> memref<624x128xf32, #tpu.memory_space<vmem_shared>>
      %dma_wait3A_20 = arith.constant 0 : i32
      %dma_wait3A_21 = tpu.memref_slice %arg5[%mul3A_2, %dma_wait3A_20] : memref<10000x128xf32, #tpu.memory_space<hbm>> -> memref<624x128xf32, #tpu.memory_space<hbm>>
      tpu.wait_dma2 semaphore(%run_scoped3A : memref<!tpu.dma_semaphore, #tpu.memory_space<semaphore_mem>>) src(%dma_wait3A_21 : memref<624x128xf32, #tpu.memory_space<hbm>>) dst(%dma_wait3A_19 : memref<624x128xf32, #tpu.memory_space<vmem_shared>>)
      tpu.yield
    }) : () -> ()
    %convert_element_type3A = arith.extui %eq3A_3 : i1 to i32
    %cond3A = arith.constant 0 : i32
    %cond3A_4 = arith.cmpi ne, %convert_element_type3A, %cond3A : i32
    scf.if %cond3A_4 {
      "tpu.region"() ({
        %run_scoped3A = tpu.sem_alloc : memref<!tpu.dma_semaphore, #tpu.memory_space<semaphore_mem>>
        %dma_start3A = arith.constant 9984 : i32
        %dma_start3A_16 = arith.constant 0 : i32
        %dma_start3A_17 = tpu.memref_slice %arg10[%dma_start3A, %dma_start3A_16] : memref<10000x128xf32, #tpu.memory_space<vmem_shared>> -> memref<16x128xf32, #tpu.memory_space<vmem_shared>>
        %dma_start3A_18 = arith.constant 9984 : i32
        %dma_start3A_19 = arith.constant 0 : i32
        %dma_start3A_20 = tpu.memref_slice %arg5[%dma_start3A_18, %dma_start3A_19] : memref<10000x128xf32, #tpu.memory_space<hbm>> -> memref<16x128xf32, #tpu.memory_space<hbm>>
        tpu.enqueue_dma source(%dma_start3A_20 : memref<16x128xf32, #tpu.memory_space<hbm>>) target(%dma_start3A_17 : memref<16x128xf32, #tpu.memory_space<vmem_shared>>) target_semaphore(%run_scoped3A : memref<!tpu.dma_semaphore, #tpu.memory_space<semaphore_mem>>)
        %dma_wait3A = arith.constant 9984 : i32
        %dma_wait3A_21 = arith.constant 0 : i32
        %dma_wait3A_22 = tpu.memref_slice %arg10[%dma_wait3A, %dma_wait3A_21] : memref<10000x128xf32, #tpu.memory_space<vmem_shared>> -> memref<16x128xf32, #tpu.memory_space<vmem_shared>>
        %dma_wait3A_23 = arith.constant 9984 : i32
        %dma_wait3A_24 = arith.constant 0 : i32
        %dma_wait3A_25 = tpu.memref_slice %arg5[%dma_wait3A_23, %dma_wait3A_24] : memref<10000x128xf32, #tpu.memory_space<hbm>> -> memref<16x128xf32, #tpu.memory_space<hbm>>
        tpu.wait_dma2 semaphore(%run_scoped3A : memref<!tpu.dma_semaphore, #tpu.memory_space<semaphore_mem>>) src(%dma_wait3A_25 : memref<16x128xf32, #tpu.memory_space<hbm>>) dst(%dma_wait3A_22 : memref<16x128xf32, #tpu.memory_space<vmem_shared>>)
        tpu.yield
      }) : () -> ()
    } else {
    }
    %barrier3A = arith.constant 0 : index
    tpu.barrier barrier_id(%barrier3A)
    %mul3A_5 = arith.constant 10000 : i32
    %mul3A_6 = arith.muli %add3A, %mul3A_5 : i32
    %scan3A = arith.constant 0 : i32
    %scan3A_7 = arith.constant 0 : i32
    %scan3A_8 = arith.constant 125 : i32
    %scan3A_9 = arith.addi %scan3A_7, %scan3A_8 : i32
    %scan3A_10 = arith.constant 1 : i32
    scf.for %scan3A_16 = %scan3A_7 to %scan3A_9 step %scan3A_10  : i32 {
      %mul3A_17 = arith.constant 80 : i32
      %mul3A_18 = arith.muli %scan3A_16, %mul3A_17 : i32
      %add3A_19 = arith.addi %mul3A_6, %mul3A_18 : i32
      %multiple_of3A = tpu.assume_multiple %add3A_19, 8 : i32
      "tpu.region"() ({
        %run_scoped3A = tpu.sem_alloc : memref<!tpu.dma_semaphore, #tpu.memory_space<semaphore_mem>>
        %dma_start3A_24 = tpu.memref_slice %arg3[%multiple_of3A] : memref<320000xi32, #tpu.memory_space<hbm>> -> memref<80xi32, #tpu.memory_space<hbm>>
        %dma_start3A_25 = tpu.memref_slice %arg3[%multiple_of3A] : memref<320000xi32, #tpu.memory_space<hbm>> -> memref<80xi32, #tpu.memory_space<hbm>>
        tpu.enqueue_dma source(%dma_start3A_25 : memref<80xi32, #tpu.memory_space<hbm>>) target(%arg7 : memref<80xi32, #tpu.memory_space<vmem>>) target_semaphore(%run_scoped3A : memref<!tpu.dma_semaphore, #tpu.memory_space<semaphore_mem>>)
        %dma_wait3A_26 = tpu.memref_slice %arg3[%multiple_of3A] : memref<320000xi32, #tpu.memory_space<hbm>> -> memref<80xi32, #tpu.memory_space<hbm>>
        %dma_wait3A_27 = tpu.memref_slice %arg3[%multiple_of3A] : memref<320000xi32, #tpu.memory_space<hbm>> -> memref<80xi32, #tpu.memory_space<hbm>>
        tpu.wait_dma2 semaphore(%run_scoped3A : memref<!tpu.dma_semaphore, #tpu.memory_space<semaphore_mem>>) src(%dma_wait3A_27 : memref<80xi32, #tpu.memory_space<hbm>>) dst(%arg7 : memref<80xi32, #tpu.memory_space<vmem>>)
        tpu.yield
      }) : () -> ()
      %dma_start3A = arith.constant 0 : i32
      %dma_start3A_20 = arith.constant 0 : i32
      %dma_start3A_21 = tpu.memref_slice %arg2[%dma_start3A, %dma_start3A_20] : memref<10000x128xf32, #tpu.memory_space<hbm>> -> memref<10000x128xf32, #tpu.memory_space<hbm>>
      tpu.enqueue_indirect_dma source(%dma_start3A_21 : memref<10000x128xf32, #tpu.memory_space<hbm>>) target(%arg9 : memref<80x128xf32, #tpu.memory_space<vmem>>) offsets(%arg7 : memref<80xi32, #tpu.memory_space<vmem>>) semaphore(%arg11 : memref<!tpu.dma_semaphore, #tpu.memory_space<semaphore_mem>>)
      %dma_wait3A = arith.constant 0 : i32
      %dma_wait3A_22 = arith.constant 0 : i32
      %dma_wait3A_23 = tpu.memref_slice %arg2[%dma_wait3A, %dma_wait3A_22] : memref<10000x128xf32, #tpu.memory_space<hbm>> -> memref<10000x128xf32, #tpu.memory_space<hbm>>
      tpu.wait_indirect_dma semaphore(%arg11 : memref<!tpu.dma_semaphore, #tpu.memory_space<semaphore_mem>>) src(%dma_wait3A_23 : memref<10000x128xf32, #tpu.memory_space<hbm>>) dst(%arg9 : memref<80x128xf32, #tpu.memory_space<vmem>>)
      "tpu.region"() ({
        %run_scoped3A = tpu.sem_alloc : memref<!tpu.dma_semaphore, #tpu.memory_space<semaphore_mem>>
        %dma_start3A_24 = tpu.memref_slice %arg4[%multiple_of3A] : memref<320000xi32, #tpu.memory_space<hbm>> -> memref<80xi32, #tpu.memory_space<hbm>>
        %dma_start3A_25 = tpu.memref_slice %arg4[%multiple_of3A] : memref<320000xi32, #tpu.memory_space<hbm>> -> memref<80xi32, #tpu.memory_space<hbm>>
        tpu.enqueue_dma source(%dma_start3A_25 : memref<80xi32, #tpu.memory_space<hbm>>) target(%arg8 : memref<80xi32, #tpu.memory_space<vmem>>) target_semaphore(%run_scoped3A : memref<!tpu.dma_semaphore, #tpu.memory_space<semaphore_mem>>)
        %dma_wait3A_26 = tpu.memref_slice %arg4[%multiple_of3A] : memref<320000xi32, #tpu.memory_space<hbm>> -> memref<80xi32, #tpu.memory_space<hbm>>
        %dma_wait3A_27 = tpu.memref_slice %arg4[%multiple_of3A] : memref<320000xi32, #tpu.memory_space<hbm>> -> memref<80xi32, #tpu.memory_space<hbm>>
        tpu.wait_dma2 semaphore(%run_scoped3A : memref<!tpu.dma_semaphore, #tpu.memory_space<semaphore_mem>>) src(%dma_wait3A_27 : memref<80xi32, #tpu.memory_space<hbm>>) dst(%arg8 : memref<80xi32, #tpu.memory_space<vmem>>)
        tpu.yield
      }) : () -> ()
      "tpu.region"() ({
        %run_scoped3A = tpu.sem_alloc : memref<!tpu.dma_semaphore, #tpu.memory_space<semaphore_mem>>
        %dma_start3A_24 = arith.constant 0 : i32
        %dma_start3A_25 = arith.constant 0 : i32
        %dma_start3A_26 = tpu.memref_slice %arg10[%dma_start3A_24, %dma_start3A_25] : memref<10000x128xf32, #tpu.memory_space<vmem_shared>> -> memref<10000x128xf32, #tpu.memory_space<vmem_shared>>
        tpu.enqueue_indirect_dma source(%arg9 : memref<80x128xf32, #tpu.memory_space<vmem>>) target(%dma_start3A_26 : memref<10000x128xf32, #tpu.memory_space<vmem_shared>>) offsets(%arg8 : memref<80xi32, #tpu.memory_space<vmem>>) semaphore(%run_scoped3A : memref<!tpu.dma_semaphore, #tpu.memory_space<semaphore_mem>>) {add = true}
        %dma_wait3A_27 = arith.constant 0 : i32
        %dma_wait3A_28 = arith.constant 0 : i32
        %dma_wait3A_29 = tpu.memref_slice %arg10[%dma_wait3A_27, %dma_wait3A_28] : memref<10000x128xf32, #tpu.memory_space<vmem_shared>> -> memref<10000x128xf32, #tpu.memory_space<vmem_shared>>
        tpu.wait_indirect_dma semaphore(%run_scoped3A : memref<!tpu.dma_semaphore, #tpu.memory_space<semaphore_mem>>) src(%arg9 : memref<80x128xf32, #tpu.memory_space<vmem>>) dst(%dma_wait3A_29 : memref<10000x128xf32, #tpu.memory_space<vmem_shared>>)
        tpu.yield
      }) : () -> ()
    }
    %scan3A_11 = arith.constant 125 : i32
    %barrier3A_12 = arith.constant 0 : index
    tpu.barrier barrier_id(%barrier3A_12)
    "tpu.region"() ({
      %run_scoped3A = tpu.sem_alloc : memref<!tpu.dma_semaphore, #tpu.memory_space<semaphore_mem>>
      %dma_start3A = arith.constant 0 : i32
      %dma_start3A_16 = tpu.memref_slice %arg6[%arg0, %mul3A_2, %dma_start3A] : memref<2x10000x128xf32, #tpu.memory_space<hbm>> -> memref<1x624x128xf32, #tpu.memory_space<hbm>>
      %dma_start3A_17 = tpu.memref_squeeze %dma_start3A_16 : memref<1x624x128xf32, #tpu.memory_space<hbm>> -> memref<624x128xf32, #tpu.memory_space<hbm>>
      %dma_start3A_18 = arith.constant 0 : i32
      %dma_start3A_19 = tpu.memref_slice %arg10[%mul3A_2, %dma_start3A_18] : memref<10000x128xf32, #tpu.memory_space<vmem_shared>> -> memref<624x128xf32, #tpu.memory_space<vmem_shared>>
      tpu.enqueue_dma source(%dma_start3A_19 : memref<624x128xf32, #tpu.memory_space<vmem_shared>>) target(%dma_start3A_17 : memref<624x128xf32, #tpu.memory_space<hbm>>) target_semaphore(%run_scoped3A : memref<!tpu.dma_semaphore, #tpu.memory_space<semaphore_mem>>)
      %dma_wait3A = arith.constant 0 : i32
      %dma_wait3A_20 = tpu.memref_slice %arg6[%arg0, %mul3A_2, %dma_wait3A] : memref<2x10000x128xf32, #tpu.memory_space<hbm>> -> memref<1x624x128xf32, #tpu.memory_space<hbm>>
      %dma_wait3A_21 = tpu.memref_squeeze %dma_wait3A_20 : memref<1x624x128xf32, #tpu.memory_space<hbm>> -> memref<624x128xf32, #tpu.memory_space<hbm>>
      %dma_wait3A_22 = arith.constant 0 : i32
      %dma_wait3A_23 = tpu.memref_slice %arg10[%mul3A_2, %dma_wait3A_22] : memref<10000x128xf32, #tpu.memory_space<vmem_shared>> -> memref<624x128xf32, #tpu.memory_space<vmem_shared>>
      tpu.wait_dma2 semaphore(%run_scoped3A : memref<!tpu.dma_semaphore, #tpu.memory_space<semaphore_mem>>) src(%dma_wait3A_23 : memref<624x128xf32, #tpu.memory_space<vmem_shared>>) dst(%dma_wait3A_21 : memref<624x128xf32, #tpu.memory_space<hbm>>)
      tpu.yield
    }) : () -> ()
    %convert_element_type3A_13 = arith.extui %eq3A_3 : i1 to i32
    %cond3A_14 = arith.constant 0 : i32
    %cond3A_15 = arith.cmpi ne, %convert_element_type3A_13, %cond3A_14 : i32
    scf.if %cond3A_15 {
      "tpu.region"() ({
        %run_scoped3A = tpu.sem_alloc : memref<!tpu.dma_semaphore, #tpu.memory_space<semaphore_mem>>
        %dma_start3A = arith.constant 9984 : i32
        %dma_start3A_16 = arith.constant 0 : i32
        %dma_start3A_17 = tpu.memref_slice %arg6[%arg0, %dma_start3A, %dma_start3A_16] : memref<2x10000x128xf32, #tpu.memory_space<hbm>> -> memref<1x16x128xf32, #tpu.memory_space<hbm>>
        %dma_start3A_18 = tpu.memref_squeeze %dma_start3A_17 : memref<1x16x128xf32, #tpu.memory_space<hbm>> -> memref<16x128xf32, #tpu.memory_space<hbm>>
        %dma_start3A_19 = arith.constant 9984 : i32
        %dma_start3A_20 = arith.constant 0 : i32
        %dma_start3A_21 = tpu.memref_slice %arg10[%dma_start3A_19, %dma_start3A_20] : memref<10000x128xf32, #tpu.memory_space<vmem_shared>> -> memref<16x128xf32, #tpu.memory_space<vmem_shared>>
        tpu.enqueue_dma source(%dma_start3A_21 : memref<16x128xf32, #tpu.memory_space<vmem_shared>>) target(%dma_start3A_18 : memref<16x128xf32, #tpu.memory_space<hbm>>) target_semaphore(%run_scoped3A : memref<!tpu.dma_semaphore, #tpu.memory_space<semaphore_mem>>)
        %dma_wait3A = arith.constant 9984 : i32
        %dma_wait3A_22 = arith.constant 0 : i32
        %dma_wait3A_23 = tpu.memref_slice %arg6[%arg0, %dma_wait3A, %dma_wait3A_22] : memref<2x10000x128xf32, #tpu.memory_space<hbm>> -> memref<1x16x128xf32, #tpu.memory_space<hbm>>
        %dma_wait3A_24 = tpu.memref_squeeze %dma_wait3A_23 : memref<1x16x128xf32, #tpu.memory_space<hbm>> -> memref<16x128xf32, #tpu.memory_space<hbm>>
        %dma_wait3A_25 = arith.constant 9984 : i32
        %dma_wait3A_26 = arith.constant 0 : i32
        %dma_wait3A_27 = tpu.memref_slice %arg10[%dma_wait3A_25, %dma_wait3A_26] : memref<10000x128xf32, #tpu.memory_space<vmem_shared>> -> memref<16x128xf32, #tpu.memory_space<vmem_shared>>
        tpu.wait_dma2 semaphore(%run_scoped3A : memref<!tpu.dma_semaphore, #tpu.memory_space<semaphore_mem>>) src(%dma_wait3A_27 : memref<16x128xf32, #tpu.memory_space<vmem_shared>>) dst(%dma_wait3A_24 : memref<16x128xf32, #tpu.memory_space<hbm>>)
        tpu.yield
      }) : () -> ()
    } else {
    }
    return
  }
}

#map = affine_map<(d0, d1) -> (0, 0)>
#map1 = affine_map<(d0, d1) -> (0)>
#map2 = affine_map<(d0, d1) -> (0, 0, 0)>
module attributes {stable_mosaic.version = 14 : i64} {
  func.func @seg_kernel(%arg0: i32, %arg1: i32, %arg2: memref<10000x128xf32, #tpu.memory_space<hbm>>, %arg3: memref<320000xi32, #tpu.memory_space<hbm>>, %arg4: memref<320000xi32, #tpu.memory_space<hbm>>, %arg5: memref<10000x128xf32, #tpu.memory_space<hbm>>, %arg6: memref<2x10000x128xf32, #tpu.memory_space<hbm>>, %arg7: memref<80xi32, #tpu.memory_space<vmem>>, %arg8: memref<80xi32, #tpu.memory_space<vmem>>, %arg9: memref<80x128xf32, #tpu.memory_space<vmem>>, %arg10: memref<10000x128xf32, #tpu.memory_space<vmem_shared>>, %arg11: memref<!tpu.dma_semaphore, #tpu.memory_space<semaphore_mem>>) attributes {dimension_semantics = [#tpu.dimension_semantics<core_parallel>, #tpu.dimension_semantics<subcore_parallel>], iteration_bounds = array<i64: 2, 16>, scalar_prefetch = 0 : i64, scratch_operands = 5 : i64, tpu.core_type = #tpu.core_type<sc_vector_subcore>, window_params = [{transform_indices = #map}, {transform_indices = #map1}, {transform_indices = #map1}, {transform_indices = #map}, {transform_indices = #map2}]} {
    %mul3A = arith.constant 2 : i32
    %mul3A_0 = arith.muli %arg1, %mul3A : i32
    %add3A = arith.addi %mul3A_0, %arg0 : i32
    %mul3A_1 = arith.constant 624 : i32
    %mul3A_2 = arith.muli %arg1, %mul3A_1 : i32
    %eq3A = arith.constant 15 : i32
    %eq3A_3 = arith.cmpi eq, %arg1, %eq3A : i32
    "tpu.region"() ({
      %run_scoped3A = tpu.sem_alloc : memref<!tpu.dma_semaphore, #tpu.memory_space<semaphore_mem>>
      %dma_start3A = arith.constant 0 : i32
      %dma_start3A_16 = tpu.memref_slice %arg10[%mul3A_2, %dma_start3A] : memref<10000x128xf32, #tpu.memory_space<vmem_shared>> -> memref<624x128xf32, #tpu.memory_space<vmem_shared>>
      %dma_start3A_17 = arith.constant 0 : i32
      %dma_start3A_18 = tpu.memref_slice %arg5[%mul3A_2, %dma_start3A_17] : memref<10000x128xf32, #tpu.memory_space<hbm>> -> memref<624x128xf32, #tpu.memory_space<hbm>>
      tpu.enqueue_dma source(%dma_start3A_18 : memref<624x128xf32, #tpu.memory_space<hbm>>) target(%dma_start3A_16 : memref<624x128xf32, #tpu.memory_space<vmem_shared>>) target_semaphore(%run_scoped3A : memref<!tpu.dma_semaphore, #tpu.memory_space<semaphore_mem>>)
      %dma_wait3A = arith.constant 0 : i32
      %dma_wait3A_19 = tpu.memref_slice %arg10[%mul3A_2, %dma_wait3A] : memref<10000x128xf32, #tpu.memory_space<vmem_shared>> -> memref<624x128xf32, #tpu.memory_space<vmem_shared>>
      %dma_wait3A_20 = arith.constant 0 : i32
      %dma_wait3A_21 = tpu.memref_slice %arg5[%mul3A_2, %dma_wait3A_20] : memref<10000x128xf32, #tpu.memory_space<hbm>> -> memref<624x128xf32, #tpu.memory_space<hbm>>
      tpu.wait_dma2 semaphore(%run_scoped3A : memref<!tpu.dma_semaphore, #tpu.memory_space<semaphore_mem>>) src(%dma_wait3A_21 : memref<624x128xf32, #tpu.memory_space<hbm>>) dst(%dma_wait3A_19 : memref<624x128xf32, #tpu.memory_space<vmem_shared>>)
      tpu.yield
    }) : () -> ()
    %convert_element_type3A = arith.extui %eq3A_3 : i1 to i32
    %cond3A = arith.constant 0 : i32
    %cond3A_4 = arith.cmpi ne, %convert_element_type3A, %cond3A : i32
    scf.if %cond3A_4 {
      "tpu.region"() ({
        %run_scoped3A = tpu.sem_alloc : memref<!tpu.dma_semaphore, #tpu.memory_space<semaphore_mem>>
        %dma_start3A = arith.constant 9984 : i32
        %dma_start3A_16 = arith.constant 0 : i32
        %dma_start3A_17 = tpu.memref_slice %arg10[%dma_start3A, %dma_start3A_16] : memref<10000x128xf32, #tpu.memory_space<vmem_shared>> -> memref<16x128xf32, #tpu.memory_space<vmem_shared>>
        %dma_start3A_18 = arith.constant 9984 : i32
        %dma_start3A_19 = arith.constant 0 : i32
        %dma_start3A_20 = tpu.memref_slice %arg5[%dma_start3A_18, %dma_start3A_19] : memref<10000x128xf32, #tpu.memory_space<hbm>> -> memref<16x128xf32, #tpu.memory_space<hbm>>
        tpu.enqueue_dma source(%dma_start3A_20 : memref<16x128xf32, #tpu.memory_space<hbm>>) target(%dma_start3A_17 : memref<16x128xf32, #tpu.memory_space<vmem_shared>>) target_semaphore(%run_scoped3A : memref<!tpu.dma_semaphore, #tpu.memory_space<semaphore_mem>>)
        %dma_wait3A = arith.constant 9984 : i32
        %dma_wait3A_21 = arith.constant 0 : i32
        %dma_wait3A_22 = tpu.memref_slice %arg10[%dma_wait3A, %dma_wait3A_21] : memref<10000x128xf32, #tpu.memory_space<vmem_shared>> -> memref<16x128xf32, #tpu.memory_space<vmem_shared>>
        %dma_wait3A_23 = arith.constant 9984 : i32
        %dma_wait3A_24 = arith.constant 0 : i32
        %dma_wait3A_25 = tpu.memref_slice %arg5[%dma_wait3A_23, %dma_wait3A_24] : memref<10000x128xf32, #tpu.memory_space<hbm>> -> memref<16x128xf32, #tpu.memory_space<hbm>>
        tpu.wait_dma2 semaphore(%run_scoped3A : memref<!tpu.dma_semaphore, #tpu.memory_space<semaphore_mem>>) src(%dma_wait3A_25 : memref<16x128xf32, #tpu.memory_space<hbm>>) dst(%dma_wait3A_22 : memref<16x128xf32, #tpu.memory_space<vmem_shared>>)
        tpu.yield
      }) : () -> ()
    } else {
    }
    %barrier3A = arith.constant 0 : index
    tpu.barrier barrier_id(%barrier3A)
    %mul3A_5 = arith.constant 10000 : i32
    %mul3A_6 = arith.muli %add3A, %mul3A_5 : i32
    %scan3A = arith.constant 0 : i32
    %scan3A_7 = arith.constant 0 : i32
    %scan3A_8 = arith.constant 125 : i32
    %scan3A_9 = arith.addi %scan3A_7, %scan3A_8 : i32
    %scan3A_10 = arith.constant 1 : i32
    scf.for %scan3A_16 = %scan3A_7 to %scan3A_9 step %scan3A_10  : i32 {
      %mul3A_17 = arith.constant 80 : i32
      %mul3A_18 = arith.muli %scan3A_16, %mul3A_17 : i32
      %add3A_19 = arith.addi %mul3A_6, %mul3A_18 : i32
      %multiple_of3A = tpu.assume_multiple %add3A_19, 8 : i32
      "tpu.region"() ({
        %run_scoped3A = tpu.sem_alloc : memref<!tpu.dma_semaphore, #tpu.memory_space<semaphore_mem>>
        %dma_start3A_24 = tpu.memref_slice %arg3[%multiple_of3A] : memref<320000xi32, #tpu.memory_space<hbm>> -> memref<80xi32, #tpu.memory_space<hbm>>
        %dma_start3A_25 = tpu.memref_slice %arg3[%multiple_of3A] : memref<320000xi32, #tpu.memory_space<hbm>> -> memref<80xi32, #tpu.memory_space<hbm>>
        tpu.enqueue_dma source(%dma_start3A_25 : memref<80xi32, #tpu.memory_space<hbm>>) target(%arg7 : memref<80xi32, #tpu.memory_space<vmem>>) target_semaphore(%run_scoped3A : memref<!tpu.dma_semaphore, #tpu.memory_space<semaphore_mem>>)
        %dma_wait3A_26 = tpu.memref_slice %arg3[%multiple_of3A] : memref<320000xi32, #tpu.memory_space<hbm>> -> memref<80xi32, #tpu.memory_space<hbm>>
        %dma_wait3A_27 = tpu.memref_slice %arg3[%multiple_of3A] : memref<320000xi32, #tpu.memory_space<hbm>> -> memref<80xi32, #tpu.memory_space<hbm>>
        tpu.wait_dma2 semaphore(%run_scoped3A : memref<!tpu.dma_semaphore, #tpu.memory_space<semaphore_mem>>) src(%dma_wait3A_27 : memref<80xi32, #tpu.memory_space<hbm>>) dst(%arg7 : memref<80xi32, #tpu.memory_space<vmem>>)
        tpu.yield
      }) : () -> ()
      %dma_start3A = arith.constant 0 : i32
      %dma_start3A_20 = arith.constant 0 : i32
      %dma_start3A_21 = tpu.memref_slice %arg2[%dma_start3A, %dma_start3A_20] : memref<10000x128xf32, #tpu.memory_space<hbm>> -> memref<10000x128xf32, #tpu.memory_space<hbm>>
      tpu.enqueue_indirect_dma source(%dma_start3A_21 : memref<10000x128xf32, #tpu.memory_space<hbm>>) target(%arg9 : memref<80x128xf32, #tpu.memory_space<vmem>>) offsets(%arg7 : memref<80xi32, #tpu.memory_space<vmem>>) semaphore(%arg11 : memref<!tpu.dma_semaphore, #tpu.memory_space<semaphore_mem>>)
      %dma_wait3A = arith.constant 0 : i32
      %dma_wait3A_22 = arith.constant 0 : i32
      %dma_wait3A_23 = tpu.memref_slice %arg2[%dma_wait3A, %dma_wait3A_22] : memref<10000x128xf32, #tpu.memory_space<hbm>> -> memref<10000x128xf32, #tpu.memory_space<hbm>>
      tpu.wait_indirect_dma semaphore(%arg11 : memref<!tpu.dma_semaphore, #tpu.memory_space<semaphore_mem>>) src(%dma_wait3A_23 : memref<10000x128xf32, #tpu.memory_space<hbm>>) dst(%arg9 : memref<80x128xf32, #tpu.memory_space<vmem>>)
      "tpu.region"() ({
        %run_scoped3A = tpu.sem_alloc : memref<!tpu.dma_semaphore, #tpu.memory_space<semaphore_mem>>
        %dma_start3A_24 = tpu.memref_slice %arg4[%multiple_of3A] : memref<320000xi32, #tpu.memory_space<hbm>> -> memref<80xi32, #tpu.memory_space<hbm>>
        %dma_start3A_25 = tpu.memref_slice %arg4[%multiple_of3A] : memref<320000xi32, #tpu.memory_space<hbm>> -> memref<80xi32, #tpu.memory_space<hbm>>
        tpu.enqueue_dma source(%dma_start3A_25 : memref<80xi32, #tpu.memory_space<hbm>>) target(%arg8 : memref<80xi32, #tpu.memory_space<vmem>>) target_semaphore(%run_scoped3A : memref<!tpu.dma_semaphore, #tpu.memory_space<semaphore_mem>>)
        %dma_wait3A_26 = tpu.memref_slice %arg4[%multiple_of3A] : memref<320000xi32, #tpu.memory_space<hbm>> -> memref<80xi32, #tpu.memory_space<hbm>>
        %dma_wait3A_27 = tpu.memref_slice %arg4[%multiple_of3A] : memref<320000xi32, #tpu.memory_space<hbm>> -> memref<80xi32, #tpu.memory_space<hbm>>
        tpu.wait_dma2 semaphore(%run_scoped3A : memref<!tpu.dma_semaphore, #tpu.memory_space<semaphore_mem>>) src(%dma_wait3A_27 : memref<80xi32, #tpu.memory_space<hbm>>) dst(%arg8 : memref<80xi32, #tpu.memory_space<vmem>>)
        tpu.yield
      }) : () -> ()
      "tpu.region"() ({
        %run_scoped3A = tpu.sem_alloc : memref<!tpu.dma_semaphore, #tpu.memory_space<semaphore_mem>>
        %dma_start3A_24 = arith.constant 0 : i32
        %dma_start3A_25 = arith.constant 0 : i32
        %dma_start3A_26 = tpu.memref_slice %arg10[%dma_start3A_24, %dma_start3A_25] : memref<10000x128xf32, #tpu.memory_space<vmem_shared>> -> memref<10000x128xf32, #tpu.memory_space<vmem_shared>>
        tpu.enqueue_indirect_dma source(%arg9 : memref<80x128xf32, #tpu.memory_space<vmem>>) target(%dma_start3A_26 : memref<10000x128xf32, #tpu.memory_space<vmem_shared>>) offsets(%arg8 : memref<80xi32, #tpu.memory_space<vmem>>) semaphore(%run_scoped3A : memref<!tpu.dma_semaphore, #tpu.memory_space<semaphore_mem>>) {add = true}
        %dma_wait3A_27 = arith.constant 0 : i32
        %dma_wait3A_28 = arith.constant 0 : i32
        %dma_wait3A_29 = tpu.memref_slice %arg10[%dma_wait3A_27, %dma_wait3A_28] : memref<10000x128xf32, #tpu.memory_space<vmem_shared>> -> memref<10000x128xf32, #tpu.memory_space<vmem_shared>>
        tpu.wait_indirect_dma semaphore(%run_scoped3A : memref<!tpu.dma_semaphore, #tpu.memory_space<semaphore_mem>>) src(%arg9 : memref<80x128xf32, #tpu.memory_space<vmem>>) dst(%dma_wait3A_29 : memref<10000x128xf32, #tpu.memory_space<vmem_shared>>)
        tpu.yield
      }) : () -> ()
    }
    %scan3A_11 = arith.constant 125 : i32
    %barrier3A_12 = arith.constant 0 : index
    tpu.barrier barrier_id(%barrier3A_12)
    "tpu.region"() ({
      %run_scoped3A = tpu.sem_alloc : memref<!tpu.dma_semaphore, #tpu.memory_space<semaphore_mem>>
      %dma_start3A = arith.constant 0 : i32
      %dma_start3A_16 = tpu.memref_slice %arg6[%arg0, %mul3A_2, %dma_start3A] : memref<2x10000x128xf32, #tpu.memory_space<hbm>> -> memref<1x624x128xf32, #tpu.memory_space<hbm>>
      %dma_start3A_17 = tpu.memref_squeeze %dma_start3A_16 : memref<1x624x128xf32, #tpu.memory_space<hbm>> -> memref<624x128xf32, #tpu.memory_space<hbm>>
      %dma_start3A_18 = arith.constant 0 : i32
      %dma_start3A_19 = tpu.memref_slice %arg10[%mul3A_2, %dma_start3A_18] : memref<10000x128xf32, #tpu.memory_space<vmem_shared>> -> memref<624x128xf32, #tpu.memory_space<vmem_shared>>
      tpu.enqueue_dma source(%dma_start3A_19 : memref<624x128xf32, #tpu.memory_space<vmem_shared>>) target(%dma_start3A_17 : memref<624x128xf32, #tpu.memory_space<hbm>>) target_semaphore(%run_scoped3A : memref<!tpu.dma_semaphore, #tpu.memory_space<semaphore_mem>>)
      %dma_wait3A = arith.constant 0 : i32
      %dma_wait3A_20 = tpu.memref_slice %arg6[%arg0, %mul3A_2, %dma_wait3A] : memref<2x10000x128xf32, #tpu.memory_space<hbm>> -> memref<1x624x128xf32, #tpu.memory_space<hbm>>
      %dma_wait3A_21 = tpu.memref_squeeze %dma_wait3A_20 : memref<1x624x128xf32, #tpu.memory_space<hbm>> -> memref<624x128xf32, #tpu.memory_space<hbm>>
      %dma_wait3A_22 = arith.constant 0 : i32
      %dma_wait3A_23 = tpu.memref_slice %arg10[%mul3A_2, %dma_wait3A_22] : memref<10000x128xf32, #tpu.memory_space<vmem_shared>> -> memref<624x128xf32, #tpu.memory_space<vmem_shared>>
      tpu.wait_dma2 semaphore(%run_scoped3A : memref<!tpu.dma_semaphore, #tpu.memory_space<semaphore_mem>>) src(%dma_wait3A_23 : memref<624x128xf32, #tpu.memory_space<vmem_shared>>) dst(%dma_wait3A_21 : memref<624x128xf32, #tpu.memory_space<hbm>>)
      tpu.yield
    }) : () -> ()
    %convert_element_type3A_13 = arith.extui %eq3A_3 : i1 to i32
    %cond3A_14 = arith.constant 0 : i32
    %cond3A_15 = arith.cmpi ne, %convert_element_type3A_13, %cond3A_14 : i32
    scf.if %cond3A_15 {
      "tpu.region"() ({
        %run_scoped3A = tpu.sem_alloc : memref<!tpu.dma_semaphore, #tpu.memory_space<semaphore_mem>>
        %dma_start3A = arith.constant 9984 : i32
        %dma_start3A_16 = arith.constant 0 : i32
        %dma_start3A_17 = tpu.memref_slice %arg6[%arg0, %dma_start3A, %dma_start3A_16] : memref<2x10000x128xf32, #tpu.memory_space<hbm>> -> memref<1x16x128xf32, #tpu.memory_space<hbm>>
        %dma_start3A_18 = tpu.memref_squeeze %dma_start3A_17 : memref<1x16x128xf32, #tpu.memory_space<hbm>> -> memref<16x128xf32, #tpu.memory_space<hbm>>
        %dma_start3A_19 = arith.constant 9984 : i32
        %dma_start3A_20 = arith.constant 0 : i32
        %dma_start3A_21 = tpu.memref_slice %arg10[%dma_start3A_19, %dma_start3A_20] : memref<10000x128xf32, #tpu.memory_space<vmem_shared>> -> memref<16x128xf32, #tpu.memory_space<vmem_shared>>
        tpu.enqueue_dma source(%dma_start3A_21 : memref<16x128xf32, #tpu.memory_space<vmem_shared>>) target(%dma_start3A_18 : memref<16x128xf32, #tpu.memory_space<hbm>>) target_semaphore(%run_scoped3A : memref<!tpu.dma_semaphore, #tpu.memory_space<semaphore_mem>>)
        %dma_wait3A = arith.constant 9984 : i32
        %dma_wait3A_22 = arith.constant 0 : i32
        %dma_wait3A_23 = tpu.memref_slice %arg6[%arg0, %dma_wait3A, %dma_wait3A_22] : memref<2x10000x128xf32, #tpu.memory_space<hbm>> -> memref<1x16x128xf32, #tpu.memory_space<hbm>>
        %dma_wait3A_24 = tpu.memref_squeeze %dma_wait3A_23 : memref<1x16x128xf32, #tpu.memory_space<hbm>> -> memref<16x128xf32, #tpu.memory_space<hbm>>
        %dma_wait3A_25 = arith.constant 9984 : i32
        %dma_wait3A_26 = arith.constant 0 : i32
        %dma_wait3A_27 = tpu.memref_slice %arg10[%dma_wait3A_25, %dma_wait3A_26] : memref<10000x128xf32, #tpu.memory_space<vmem_shared>> -> memref<16x128xf32, #tpu.memory_space<vmem_shared>>
        tpu.wait_dma2 semaphore(%run_scoped3A : memref<!tpu.dma_semaphore, #tpu.memory_space<semaphore_mem>>) src(%dma_wait3A_27 : memref<16x128xf32, #tpu.memory_space<vmem_shared>>) dst(%dma_wait3A_24 : memref<16x128xf32, #tpu.memory_space<hbm>>)
        tpu.yield
      }) : () -> ()
    } else {
    }
    return
  }
}

module attributes {stable_mosaic.version = 14 : i64} {
  func.func @_bn1_body(%arg0: i32, %arg1: memref<400x128xf32, #tpu.memory_space<vmem>>, %arg2: memref<2x64xf32, #tpu.memory_space<vmem>>, %arg3: memref<1x64xf32, #tpu.memory_space<vmem>>, %arg4: memref<1x64xf32, #tpu.memory_space<vmem>>, %arg5: memref<400x128xf32, #tpu.memory_space<vmem>>) attributes {dimension_semantics = [#tpu.dimension_semantics<arbitrary>], iteration_bounds = array<i64: 25>, scalar_prefetch = 0 : i64, scratch_operands = 0 : i64, tpu.core_type = #tpu.core_type<tc>, window_params = [{transform_indices = @transform_0, window_bounds = array<i64: 400, 128>}, {pipeline_mode = #tpu.pipeline_mode<synchronous>, transform_indices = @transform_1, window_bounds = array<i64: 2, 64>}, {pipeline_mode = #tpu.pipeline_mode<synchronous>, transform_indices = @transform_2, window_bounds = array<i64: 1, 64>}, {pipeline_mode = #tpu.pipeline_mode<synchronous>, transform_indices = @transform_3, window_bounds = array<i64: 1, 64>}, {transform_indices = @transform_4, window_bounds = array<i64: 400, 128>}]} {
    %get3A = arith.constant 0 : index
    %get3A_0 = arith.constant 0 : index
    %get3A_1 = vector.load %arg2[%get3A, %get3A_0] : memref<2x64xf32, #tpu.memory_space<vmem>>, vector<1x64xf32>
    %mul3A = arith.constant 9.99999974E-5 : f32
    %mul3A_2 = vector.broadcast %mul3A : f32 to vector<1x64xf32>
    %mul3A_3 = arith.mulf %get3A_1, %mul3A_2 : vector<1x64xf32>
    %get3A_4 = arith.constant 1 : index
    %get3A_5 = arith.constant 0 : index
    %get3A_6 = vector.load %arg2[%get3A_4, %get3A_5] : memref<2x64xf32, #tpu.memory_space<vmem>>, vector<1x64xf32>
    %mul3A_7 = arith.constant 9.99999974E-5 : f32
    %mul3A_8 = vector.broadcast %mul3A_7 : f32 to vector<1x64xf32>
    %mul3A_9 = arith.mulf %get3A_6, %mul3A_8 : vector<1x64xf32>
    %mul3A_10 = arith.mulf %mul3A_3, %mul3A_3 : vector<1x64xf32>
    %sub3A = arith.subf %mul3A_9, %mul3A_10 : vector<1x64xf32>
    %get3A_11 = arith.constant 0 : index
    %get3A_12 = arith.constant 0 : index
    %get3A_13 = vector.load %arg3[%get3A_11, %get3A_12] : memref<1x64xf32, #tpu.memory_space<vmem>>, vector<1x64xf32>
    %add3A = arith.constant 9.99999974E-6 : f32
    %add3A_14 = vector.broadcast %add3A : f32 to vector<1x64xf32>
    %add3A_15 = arith.addf %sub3A, %add3A_14 : vector<1x64xf32>
    %rsqrt3A = math.rsqrt %add3A_15 : vector<1x64xf32>
    %mul3A_16 = arith.mulf %get3A_13, %rsqrt3A : vector<1x64xf32>
    %get3A_17 = arith.constant 0 : index
    %get3A_18 = arith.constant 0 : index
    %get3A_19 = vector.load %arg4[%get3A_17, %get3A_18] : memref<1x64xf32, #tpu.memory_space<vmem>>, vector<1x64xf32>
    %mul3A_20 = arith.mulf %mul3A_3, %mul3A_16 : vector<1x64xf32>
    %sub3A_21 = arith.subf %get3A_19, %mul3A_20 : vector<1x64xf32>
    %get3A_22 = arith.constant 0 : index
    %get3A_23 = arith.constant 0 : index
    %get3A_24 = vector.load %arg1[%get3A_22, %get3A_23] : memref<400x128xf32, #tpu.memory_space<vmem>>, vector<400x128xf32>
    %slice3A = vector.extract_strided_slice %get3A_24 {offsets = [0, 0], sizes = [400, 64], strides = [1, 1]} : vector<400x128xf32> to vector<400x64xf32>
    %mul3A_25 = vector.broadcast %mul3A_16 : vector<1x64xf32> to vector<400x64xf32>
    %mul3A_26 = arith.mulf %mul3A_25, %slice3A : vector<400x64xf32>
    %add3A_27 = vector.broadcast %sub3A_21 : vector<1x64xf32> to vector<400x64xf32>
    %add3A_28 = arith.addf %mul3A_26, %add3A_27 : vector<400x64xf32>
    %broadcast_in_dim3A = arith.constant 0.000000e+00 : f32
    %broadcast_in_dim3A_29 = vector.broadcast %broadcast_in_dim3A : f32 to vector<400x64xf32>
    %concatenate3A = tpu.concatenate %add3A_28, %broadcast_in_dim3A_29 in 1 : vector<400x64xf32>, vector<400x64xf32> -> vector<400x128xf32>
    %swap3A = arith.constant 0 : index
    %swap3A_30 = arith.constant 0 : index
    %swap3A_31 = vector.load %arg5[%swap3A, %swap3A_30] : memref<400x128xf32, #tpu.memory_space<vmem>>, vector<400x128xf32>
    tpu.vector_store %arg5[%swap3A, %swap3A_30], %concatenate3A {strides = array<i32>} : memref<400x128xf32, #tpu.memory_space<vmem>>, vector<400x128xf32>,
    return
  }
  func.func @transform_0(%arg0: i32) -> (i32, i32) {
    %c0_i32 = arith.constant 0 : i32
    %c0_i32_0 = arith.constant 0 : i32
    return %arg0, %c0_i32 : i32, i32
  }
  func.func @transform_1(%arg0: i32) -> (i32, i32) {
    %c0_i32 = arith.constant 0 : i32
    %c0_i32_0 = arith.constant 0 : i32
    %c0_i32_1 = arith.constant 0 : i32
    return %c0_i32, %c0_i32_0 : i32, i32
  }
  func.func @transform_2(%arg0: i32) -> (i32, i32) {
    %c0_i32 = arith.constant 0 : i32
    %c0_i32_0 = arith.constant 0 : i32
    %c0_i32_1 = arith.constant 0 : i32
    return %c0_i32, %c0_i32_0 : i32, i32
  }
  func.func @transform_3(%arg0: i32) -> (i32, i32) {
    %c0_i32 = arith.constant 0 : i32
    %c0_i32_0 = arith.constant 0 : i32
    %c0_i32_1 = arith.constant 0 : i32
    return %c0_i32, %c0_i32_0 : i32, i32
  }
  func.func @transform_4(%arg0: i32) -> (i32, i32) {
    %c0_i32 = arith.constant 0 : i32
    %c0_i32_0 = arith.constant 0 : i32
    return %arg0, %c0_i32 : i32, i32
  }
}

module attributes {stable_mosaic.version = 14 : i64} {
  func.func @_layer3_body(%arg0: i32, %arg1: memref<400x64xf32, #tpu.memory_space<vmem>>, %arg2: memref<2x64xf32, #tpu.memory_space<vmem>>, %arg3: memref<1x64xf32, #tpu.memory_space<vmem>>, %arg4: memref<1x64xf32, #tpu.memory_space<vmem>>, %arg5: memref<64x40xf32, #tpu.memory_space<vmem>>, %arg6: memref<8x64x40xf32, #tpu.memory_space<vmem>>, %arg7: memref<400x40xf32, #tpu.memory_space<vmem>>) attributes {dimension_semantics = [#tpu.dimension_semantics<arbitrary>], iteration_bounds = array<i64: 25>, scalar_prefetch = 0 : i64, scratch_operands = 0 : i64, tpu.core_type = #tpu.core_type<tc>, window_params = [{transform_indices = @transform_0, window_bounds = array<i64: 400, 64>}, {pipeline_mode = #tpu.pipeline_mode<synchronous>, transform_indices = @transform_1, window_bounds = array<i64: 2, 64>}, {pipeline_mode = #tpu.pipeline_mode<synchronous>, transform_indices = @transform_2, window_bounds = array<i64: 1, 64>}, {pipeline_mode = #tpu.pipeline_mode<synchronous>, transform_indices = @transform_3, window_bounds = array<i64: 1, 64>}, {pipeline_mode = #tpu.pipeline_mode<synchronous>, transform_indices = @transform_4, window_bounds = array<i64: 64, 40>}, {pipeline_mode = #tpu.pipeline_mode<synchronous>, transform_indices = @transform_5, window_bounds = array<i64: 8, 64, 40>}, {transform_indices = @transform_6, window_bounds = array<i64: 400, 40>}]} {
    %get3A = arith.constant 0 : index
    %get3A_0 = arith.constant 0 : index
    %get3A_1 = vector.load %arg2[%get3A, %get3A_0] : memref<2x64xf32, #tpu.memory_space<vmem>>, vector<1x64xf32>
    %mul3A = arith.constant 9.99999974E-5 : f32
    %mul3A_2 = vector.broadcast %mul3A : f32 to vector<1x64xf32>
    %mul3A_3 = arith.mulf %get3A_1, %mul3A_2 : vector<1x64xf32>
    %get3A_4 = arith.constant 1 : index
    %get3A_5 = arith.constant 0 : index
    %get3A_6 = vector.load %arg2[%get3A_4, %get3A_5] : memref<2x64xf32, #tpu.memory_space<vmem>>, vector<1x64xf32>
    %mul3A_7 = arith.constant 9.99999974E-5 : f32
    %mul3A_8 = vector.broadcast %mul3A_7 : f32 to vector<1x64xf32>
    %mul3A_9 = arith.mulf %get3A_6, %mul3A_8 : vector<1x64xf32>
    %mul3A_10 = arith.mulf %mul3A_3, %mul3A_3 : vector<1x64xf32>
    %sub3A = arith.subf %mul3A_9, %mul3A_10 : vector<1x64xf32>
    %get3A_11 = arith.constant 0 : index
    %get3A_12 = arith.constant 0 : index
    %get3A_13 = vector.load %arg3[%get3A_11, %get3A_12] : memref<1x64xf32, #tpu.memory_space<vmem>>, vector<1x64xf32>
    %add3A = arith.constant 9.99999974E-6 : f32
    %add3A_14 = vector.broadcast %add3A : f32 to vector<1x64xf32>
    %add3A_15 = arith.addf %sub3A, %add3A_14 : vector<1x64xf32>
    %rsqrt3A = math.rsqrt %add3A_15 : vector<1x64xf32>
    %mul3A_16 = arith.mulf %get3A_13, %rsqrt3A : vector<1x64xf32>
    %get3A_17 = arith.constant 0 : index
    %get3A_18 = arith.constant 0 : index
    %get3A_19 = vector.load %arg4[%get3A_17, %get3A_18] : memref<1x64xf32, #tpu.memory_space<vmem>>, vector<1x64xf32>
    %mul3A_20 = arith.mulf %mul3A_3, %mul3A_16 : vector<1x64xf32>
    %sub3A_21 = arith.subf %get3A_19, %mul3A_20 : vector<1x64xf32>
    %get3A_22 = arith.constant 0 : index
    %get3A_23 = arith.constant 0 : index
    %get3A_24 = vector.load %arg1[%get3A_22, %get3A_23] : memref<400x64xf32, #tpu.memory_space<vmem>>, vector<400x64xf32>
    %mul3A_25 = vector.broadcast %mul3A_16 : vector<1x64xf32> to vector<400x64xf32>
    %mul3A_26 = arith.mulf %mul3A_25, %get3A_24 : vector<400x64xf32>
    %add3A_27 = vector.broadcast %sub3A_21 : vector<1x64xf32> to vector<400x64xf32>
    %add3A_28 = arith.addf %mul3A_26, %add3A_27 : vector<400x64xf32>
    %logistic3A = arith.negf %add3A_28 : vector<400x64xf32>
    %logistic3A_29 = math.exp %logistic3A : vector<400x64xf32>
    %logistic3A_30 = arith.constant 1.000000e+00 : f32
    %logistic3A_31 = vector.broadcast %logistic3A_30 : f32 to vector<400x64xf32>
    %logistic3A_32 = arith.addf %logistic3A_31, %logistic3A_29 : vector<400x64xf32>
    %logistic3A_33 = arith.divf %logistic3A_31, %logistic3A_32 : vector<400x64xf32>
    %mul3A_34 = arith.mulf %add3A_28, %logistic3A_33 : vector<400x64xf32>
    %get3A_35 = arith.constant 0 : index
    %get3A_36 = arith.constant 0 : index
    %get3A_37 = vector.load %arg5[%get3A_35, %get3A_36] : memref<64x40xf32, #tpu.memory_space<vmem>>, vector<64x40xf32>
    %dot_general3A = arith.constant dense<0.000000e+00> : vector<400x40xf32>
    %dot_general3A_38 = tpu.matmul %mul3A_34, %get3A_37, %dot_general3A {dimension_numbers = #tpu.dot_dimension_numbers<[1], [0], [0], [1], [0, 0, 1, 1], [], []>, transpose_lhs_hint = false} : vector<400x64xf32>, vector<64x40xf32>, vector<400x40xf32> -> vector<400x40xf32>
    %ge3A = arith.constant -2.200000e+00 : f32
    %ge3A_39 = vector.broadcast %ge3A : f32 to vector<400x64xf32>
    %ge3A_40 = arith.cmpf oge, %add3A_28, %ge3A_39 : vector<400x64xf32>
    %lt3A = arith.constant -1.800000e+00 : f32
    %lt3A_41 = vector.broadcast %lt3A : f32 to vector<400x64xf32>
    %lt3A_42 = arith.cmpf olt, %add3A_28, %lt3A_41 : vector<400x64xf32>
    %and3A = arith.andi %ge3A_40, %lt3A_42 : vector<400x64xi1>
    %convert_element_type3A = arith.extui %and3A : vector<400x64xi1> to vector<400x64xi32>
    %convert_element_type3A_43 = arith.sitofp %convert_element_type3A : vector<400x64xi32> to vector<400x64xf32>
    %ge3A_44 = arith.constant -1.800000e+00 : f32
    %ge3A_45 = vector.broadcast %ge3A_44 : f32 to vector<400x64xf32>
    %ge3A_46 = arith.cmpf oge, %add3A_28, %ge3A_45 : vector<400x64xf32>
    %lt3A_47 = arith.constant -1.400000e+00 : f32
    %lt3A_48 = vector.broadcast %lt3A_47 : f32 to vector<400x64xf32>
    %lt3A_49 = arith.cmpf olt, %add3A_28, %lt3A_48 : vector<400x64xf32>
    %and3A_50 = arith.andi %ge3A_46, %lt3A_49 : vector<400x64xi1>
    %convert_element_type3A_51 = arith.extui %and3A_50 : vector<400x64xi1> to vector<400x64xi32>
    %convert_element_type3A_52 = arith.sitofp %convert_element_type3A_51 : vector<400x64xi32> to vector<400x64xf32>
    %ge3A_53 = arith.constant -1.400000e+00 : f32
    %ge3A_54 = vector.broadcast %ge3A_53 : f32 to vector<400x64xf32>
    %ge3A_55 = arith.cmpf oge, %add3A_28, %ge3A_54 : vector<400x64xf32>
    %lt3A_56 = arith.constant -1.000000e+00 : f32
    %lt3A_57 = vector.broadcast %lt3A_56 : f32 to vector<400x64xf32>
    %lt3A_58 = arith.cmpf olt, %add3A_28, %lt3A_57 : vector<400x64xf32>
    %and3A_59 = arith.andi %ge3A_55, %lt3A_58 : vector<400x64xi1>
    %convert_element_type3A_60 = arith.extui %and3A_59 : vector<400x64xi1> to vector<400x64xi32>
    %convert_element_type3A_61 = arith.sitofp %convert_element_type3A_60 : vector<400x64xi32> to vector<400x64xf32>
    %ge3A_62 = arith.constant -1.000000e+00 : f32
    %ge3A_63 = vector.broadcast %ge3A_62 : f32 to vector<400x64xf32>
    %ge3A_64 = arith.cmpf oge, %add3A_28, %ge3A_63 : vector<400x64xf32>
    %lt3A_65 = arith.constant -6.000000e-01 : f32
    %lt3A_66 = vector.broadcast %lt3A_65 : f32 to vector<400x64xf32>
    %lt3A_67 = arith.cmpf olt, %add3A_28, %lt3A_66 : vector<400x64xf32>
    %and3A_68 = arith.andi %ge3A_64, %lt3A_67 : vector<400x64xi1>
    %convert_element_type3A_69 = arith.extui %and3A_68 : vector<400x64xi1> to vector<400x64xi32>
    %convert_element_type3A_70 = arith.sitofp %convert_element_type3A_69 : vector<400x64xi32> to vector<400x64xf32>
    %ge3A_71 = arith.constant -6.000000e-01 : f32
    %ge3A_72 = vector.broadcast %ge3A_71 : f32 to vector<400x64xf32>
    %ge3A_73 = arith.cmpf oge, %add3A_28, %ge3A_72 : vector<400x64xf32>
    %lt3A_74 = arith.constant -2.000000e-01 : f32
    %lt3A_75 = vector.broadcast %lt3A_74 : f32 to vector<400x64xf32>
    %lt3A_76 = arith.cmpf olt, %add3A_28, %lt3A_75 : vector<400x64xf32>
    %and3A_77 = arith.andi %ge3A_73, %lt3A_76 : vector<400x64xi1>
    %convert_element_type3A_78 = arith.extui %and3A_77 : vector<400x64xi1> to vector<400x64xi32>
    %convert_element_type3A_79 = arith.sitofp %convert_element_type3A_78 : vector<400x64xi32> to vector<400x64xf32>
    %ge3A_80 = arith.constant -2.000000e-01 : f32
    %ge3A_81 = vector.broadcast %ge3A_80 : f32 to vector<400x64xf32>
    %ge3A_82 = arith.cmpf oge, %add3A_28, %ge3A_81 : vector<400x64xf32>
    %lt3A_83 = arith.constant 2.000000e-01 : f32
    %lt3A_84 = vector.broadcast %lt3A_83 : f32 to vector<400x64xf32>
    %lt3A_85 = arith.cmpf olt, %add3A_28, %lt3A_84 : vector<400x64xf32>
    %and3A_86 = arith.andi %ge3A_82, %lt3A_85 : vector<400x64xi1>
    %convert_element_type3A_87 = arith.extui %and3A_86 : vector<400x64xi1> to vector<400x64xi32>
    %convert_element_type3A_88 = arith.sitofp %convert_element_type3A_87 : vector<400x64xi32> to vector<400x64xf32>
    %ge3A_89 = arith.constant 2.000000e-01 : f32
    %ge3A_90 = vector.broadcast %ge3A_89 : f32 to vector<400x64xf32>
    %ge3A_91 = arith.cmpf oge, %add3A_28, %ge3A_90 : vector<400x64xf32>
    %lt3A_92 = arith.constant 6.000000e-01 : f32
    %lt3A_93 = vector.broadcast %lt3A_92 : f32 to vector<400x64xf32>
    %lt3A_94 = arith.cmpf olt, %add3A_28, %lt3A_93 : vector<400x64xf32>
    %and3A_95 = arith.andi %ge3A_91, %lt3A_94 : vector<400x64xi1>
    %convert_element_type3A_96 = arith.extui %and3A_95 : vector<400x64xi1> to vector<400x64xi32>
    %convert_element_type3A_97 = arith.sitofp %convert_element_type3A_96 : vector<400x64xi32> to vector<400x64xf32>
    %ge3A_98 = arith.constant 6.000000e-01 : f32
    %ge3A_99 = vector.broadcast %ge3A_98 : f32 to vector<400x64xf32>
    %ge3A_100 = arith.cmpf oge, %add3A_28, %ge3A_99 : vector<400x64xf32>
    %lt3A_101 = arith.constant 1.000000e+00 : f32
    %lt3A_102 = vector.broadcast %lt3A_101 : f32 to vector<400x64xf32>
    %lt3A_103 = arith.cmpf olt, %add3A_28, %lt3A_102 : vector<400x64xf32>
    %and3A_104 = arith.andi %ge3A_100, %lt3A_103 : vector<400x64xi1>
    %convert_element_type3A_105 = arith.extui %and3A_104 : vector<400x64xi1> to vector<400x64xi32>
    %convert_element_type3A_106 = arith.sitofp %convert_element_type3A_105 : vector<400x64xi32> to vector<400x64xf32>
    %ge3A_107 = arith.constant 1.000000e+00 : f32
    %ge3A_108 = vector.broadcast %ge3A_107 : f32 to vector<400x64xf32>
    %ge3A_109 = arith.cmpf oge, %add3A_28, %ge3A_108 : vector<400x64xf32>
    %lt3A_110 = arith.constant 1.400000e+00 : f32
    %lt3A_111 = vector.broadcast %lt3A_110 : f32 to vector<400x64xf32>
    %lt3A_112 = arith.cmpf olt, %add3A_28, %lt3A_111 : vector<400x64xf32>
    %and3A_113 = arith.andi %ge3A_109, %lt3A_112 : vector<400x64xi1>
    %convert_element_type3A_114 = arith.extui %and3A_113 : vector<400x64xi1> to vector<400x64xi32>
    %convert_element_type3A_115 = arith.sitofp %convert_element_type3A_114 : vector<400x64xi32> to vector<400x64xf32>
    %ge3A_116 = arith.constant 1.400000e+00 : f32
    %ge3A_117 = vector.broadcast %ge3A_116 : f32 to vector<400x64xf32>
    %ge3A_118 = arith.cmpf oge, %add3A_28, %ge3A_117 : vector<400x64xf32>
    %lt3A_119 = arith.constant 1.800000e+00 : f32
    %lt3A_120 = vector.broadcast %lt3A_119 : f32 to vector<400x64xf32>
    %lt3A_121 = arith.cmpf olt, %add3A_28, %lt3A_120 : vector<400x64xf32>
    %and3A_122 = arith.andi %ge3A_118, %lt3A_121 : vector<400x64xi1>
    %convert_element_type3A_123 = arith.extui %and3A_122 : vector<400x64xi1> to vector<400x64xi32>
    %convert_element_type3A_124 = arith.sitofp %convert_element_type3A_123 : vector<400x64xi32> to vector<400x64xf32>
    %ge3A_125 = arith.constant 1.800000e+00 : f32
    %ge3A_126 = vector.broadcast %ge3A_125 : f32 to vector<400x64xf32>
    %ge3A_127 = arith.cmpf oge, %add3A_28, %ge3A_126 : vector<400x64xf32>
    %lt3A_128 = arith.constant 2.200000e+00 : f32
    %lt3A_129 = vector.broadcast %lt3A_128 : f32 to vector<400x64xf32>
    %lt3A_130 = arith.cmpf olt, %add3A_28, %lt3A_129 : vector<400x64xf32>
    %and3A_131 = arith.andi %ge3A_127, %lt3A_130 : vector<400x64xi1>
    %convert_element_type3A_132 = arith.extui %and3A_131 : vector<400x64xi1> to vector<400x64xi32>
    %convert_element_type3A_133 = arith.sitofp %convert_element_type3A_132 : vector<400x64xi32> to vector<400x64xf32>
    %sub3A_134 = arith.constant -2.200000e+00 : f32
    %sub3A_135 = vector.broadcast %sub3A_134 : f32 to vector<400x64xf32>
    %sub3A_136 = arith.subf %add3A_28, %sub3A_135 : vector<400x64xf32>
    %mul3A_137 = arith.constant 2.500000e+00 : f32
    %mul3A_138 = vector.broadcast %mul3A_137 : f32 to vector<400x64xf32>
    %mul3A_139 = arith.mulf %sub3A_136, %mul3A_138 : vector<400x64xf32>
    %sub3A_140 = arith.constant -1.400000e+00 : f32
    %sub3A_141 = vector.broadcast %sub3A_140 : f32 to vector<400x64xf32>
    %sub3A_142 = arith.subf %sub3A_141, %add3A_28 : vector<400x64xf32>
    %mul3A_143 = arith.constant 2.500000e+00 : f32
    %mul3A_144 = vector.broadcast %mul3A_143 : f32 to vector<400x64xf32>
    %mul3A_145 = arith.mulf %sub3A_142, %mul3A_144 : vector<400x64xf32>
    %mul3A_146 = arith.mulf %mul3A_139, %convert_element_type3A_43 : vector<400x64xf32>
    %mul3A_147 = arith.mulf %mul3A_145, %convert_element_type3A_52 : vector<400x64xf32>
    %add3A_148 = arith.addf %mul3A_146, %mul3A_147 : vector<400x64xf32>
    %sub3A_149 = arith.constant -1.800000e+00 : f32
    %sub3A_150 = vector.broadcast %sub3A_149 : f32 to vector<400x64xf32>
    %sub3A_151 = arith.subf %add3A_28, %sub3A_150 : vector<400x64xf32>
    %mul3A_152 = arith.constant 2.500000e+00 : f32
    %mul3A_153 = vector.broadcast %mul3A_152 : f32 to vector<400x64xf32>
    %mul3A_154 = arith.mulf %sub3A_151, %mul3A_153 : vector<400x64xf32>
    %sub3A_155 = arith.constant -1.000000e+00 : f32
    %sub3A_156 = vector.broadcast %sub3A_155 : f32 to vector<400x64xf32>
    %sub3A_157 = arith.subf %sub3A_156, %add3A_28 : vector<400x64xf32>
    %mul3A_158 = arith.constant 2.500000e+00 : f32
    %mul3A_159 = vector.broadcast %mul3A_158 : f32 to vector<400x64xf32>
    %mul3A_160 = arith.mulf %sub3A_157, %mul3A_159 : vector<400x64xf32>
    %mul3A_161 = arith.mulf %mul3A_154, %convert_element_type3A_52 : vector<400x64xf32>
    %mul3A_162 = arith.mulf %mul3A_160, %convert_element_type3A_61 : vector<400x64xf32>
    %add3A_163 = arith.addf %mul3A_161, %mul3A_162 : vector<400x64xf32>
    %sub3A_164 = arith.constant -1.400000e+00 : f32
    %sub3A_165 = vector.broadcast %sub3A_164 : f32 to vector<400x64xf32>
    %sub3A_166 = arith.subf %add3A_28, %sub3A_165 : vector<400x64xf32>
    %mul3A_167 = arith.constant 2.500000e+00 : f32
    %mul3A_168 = vector.broadcast %mul3A_167 : f32 to vector<400x64xf32>
    %mul3A_169 = arith.mulf %sub3A_166, %mul3A_168 : vector<400x64xf32>
    %sub3A_170 = arith.constant -6.000000e-01 : f32
    %sub3A_171 = vector.broadcast %sub3A_170 : f32 to vector<400x64xf32>
    %sub3A_172 = arith.subf %sub3A_171, %add3A_28 : vector<400x64xf32>
    %mul3A_173 = arith.constant 2.500000e+00 : f32
    %mul3A_174 = vector.broadcast %mul3A_173 : f32 to vector<400x64xf32>
    %mul3A_175 = arith.mulf %sub3A_172, %mul3A_174 : vector<400x64xf32>
    %mul3A_176 = arith.mulf %mul3A_169, %convert_element_type3A_61 : vector<400x64xf32>
    %mul3A_177 = arith.mulf %mul3A_175, %convert_element_type3A_70 : vector<400x64xf32>
    %add3A_178 = arith.addf %mul3A_176, %mul3A_177 : vector<400x64xf32>
    %sub3A_179 = arith.constant -1.000000e+00 : f32
    %sub3A_180 = vector.broadcast %sub3A_179 : f32 to vector<400x64xf32>
    %sub3A_181 = arith.subf %add3A_28, %sub3A_180 : vector<400x64xf32>
    %mul3A_182 = arith.constant 2.500000e+00 : f32
    %mul3A_183 = vector.broadcast %mul3A_182 : f32 to vector<400x64xf32>
    %mul3A_184 = arith.mulf %sub3A_181, %mul3A_183 : vector<400x64xf32>
    %sub3A_185 = arith.constant -2.000000e-01 : f32
    %sub3A_186 = vector.broadcast %sub3A_185 : f32 to vector<400x64xf32>
    %sub3A_187 = arith.subf %sub3A_186, %add3A_28 : vector<400x64xf32>
    %mul3A_188 = arith.constant 2.500000e+00 : f32
    %mul3A_189 = vector.broadcast %mul3A_188 : f32 to vector<400x64xf32>
    %mul3A_190 = arith.mulf %sub3A_187, %mul3A_189 : vector<400x64xf32>
    %mul3A_191 = arith.mulf %mul3A_184, %convert_element_type3A_70 : vector<400x64xf32>
    %mul3A_192 = arith.mulf %mul3A_190, %convert_element_type3A_79 : vector<400x64xf32>
    %add3A_193 = arith.addf %mul3A_191, %mul3A_192 : vector<400x64xf32>
    %sub3A_194 = arith.constant -6.000000e-01 : f32
    %sub3A_195 = vector.broadcast %sub3A_194 : f32 to vector<400x64xf32>
    %sub3A_196 = arith.subf %add3A_28, %sub3A_195 : vector<400x64xf32>
    %mul3A_197 = arith.constant 2.500000e+00 : f32
    %mul3A_198 = vector.broadcast %mul3A_197 : f32 to vector<400x64xf32>
    %mul3A_199 = arith.mulf %sub3A_196, %mul3A_198 : vector<400x64xf32>
    %sub3A_200 = arith.constant 2.000000e-01 : f32
    %sub3A_201 = vector.broadcast %sub3A_200 : f32 to vector<400x64xf32>
    %sub3A_202 = arith.subf %sub3A_201, %add3A_28 : vector<400x64xf32>
    %mul3A_203 = arith.constant 2.500000e+00 : f32
    %mul3A_204 = vector.broadcast %mul3A_203 : f32 to vector<400x64xf32>
    %mul3A_205 = arith.mulf %sub3A_202, %mul3A_204 : vector<400x64xf32>
    %mul3A_206 = arith.mulf %mul3A_199, %convert_element_type3A_79 : vector<400x64xf32>
    %mul3A_207 = arith.mulf %mul3A_205, %convert_element_type3A_88 : vector<400x64xf32>
    %add3A_208 = arith.addf %mul3A_206, %mul3A_207 : vector<400x64xf32>
    %sub3A_209 = arith.constant -2.000000e-01 : f32
    %sub3A_210 = vector.broadcast %sub3A_209 : f32 to vector<400x64xf32>
    %sub3A_211 = arith.subf %add3A_28, %sub3A_210 : vector<400x64xf32>
    %mul3A_212 = arith.constant 2.500000e+00 : f32
    %mul3A_213 = vector.broadcast %mul3A_212 : f32 to vector<400x64xf32>
    %mul3A_214 = arith.mulf %sub3A_211, %mul3A_213 : vector<400x64xf32>
    %sub3A_215 = arith.constant 6.000000e-01 : f32
    %sub3A_216 = vector.broadcast %sub3A_215 : f32 to vector<400x64xf32>
    %sub3A_217 = arith.subf %sub3A_216, %add3A_28 : vector<400x64xf32>
    %mul3A_218 = arith.constant 2.500000e+00 : f32
    %mul3A_219 = vector.broadcast %mul3A_218 : f32 to vector<400x64xf32>
    %mul3A_220 = arith.mulf %sub3A_217, %mul3A_219 : vector<400x64xf32>
    %mul3A_221 = arith.mulf %mul3A_214, %convert_element_type3A_88 : vector<400x64xf32>
    %mul3A_222 = arith.mulf %mul3A_220, %convert_element_type3A_97 : vector<400x64xf32>
    %add3A_223 = arith.addf %mul3A_221, %mul3A_222 : vector<400x64xf32>
    %sub3A_224 = arith.constant 2.000000e-01 : f32
    %sub3A_225 = vector.broadcast %sub3A_224 : f32 to vector<400x64xf32>
    %sub3A_226 = arith.subf %add3A_28, %sub3A_225 : vector<400x64xf32>
    %mul3A_227 = arith.constant 2.500000e+00 : f32
    %mul3A_228 = vector.broadcast %mul3A_227 : f32 to vector<400x64xf32>
    %mul3A_229 = arith.mulf %sub3A_226, %mul3A_228 : vector<400x64xf32>
    %sub3A_230 = arith.constant 1.000000e+00 : f32
    %sub3A_231 = vector.broadcast %sub3A_230 : f32 to vector<400x64xf32>
    %sub3A_232 = arith.subf %sub3A_231, %add3A_28 : vector<400x64xf32>
    %mul3A_233 = arith.constant 2.500000e+00 : f32
    %mul3A_234 = vector.broadcast %mul3A_233 : f32 to vector<400x64xf32>
    %mul3A_235 = arith.mulf %sub3A_232, %mul3A_234 : vector<400x64xf32>
    %mul3A_236 = arith.mulf %mul3A_229, %convert_element_type3A_97 : vector<400x64xf32>
    %mul3A_237 = arith.mulf %mul3A_235, %convert_element_type3A_106 : vector<400x64xf32>
    %add3A_238 = arith.addf %mul3A_236, %mul3A_237 : vector<400x64xf32>
    %sub3A_239 = arith.constant 6.000000e-01 : f32
    %sub3A_240 = vector.broadcast %sub3A_239 : f32 to vector<400x64xf32>
    %sub3A_241 = arith.subf %add3A_28, %sub3A_240 : vector<400x64xf32>
    %mul3A_242 = arith.constant 2.500000e+00 : f32
    %mul3A_243 = vector.broadcast %mul3A_242 : f32 to vector<400x64xf32>
    %mul3A_244 = arith.mulf %sub3A_241, %mul3A_243 : vector<400x64xf32>
    %sub3A_245 = arith.constant 1.400000e+00 : f32
    %sub3A_246 = vector.broadcast %sub3A_245 : f32 to vector<400x64xf32>
    %sub3A_247 = arith.subf %sub3A_246, %add3A_28 : vector<400x64xf32>
    %mul3A_248 = arith.constant 2.500000e+00 : f32
    %mul3A_249 = vector.broadcast %mul3A_248 : f32 to vector<400x64xf32>
    %mul3A_250 = arith.mulf %sub3A_247, %mul3A_249 : vector<400x64xf32>
    %mul3A_251 = arith.mulf %mul3A_244, %convert_element_type3A_106 : vector<400x64xf32>
    %mul3A_252 = arith.mulf %mul3A_250, %convert_element_type3A_115 : vector<400x64xf32>
    %add3A_253 = arith.addf %mul3A_251, %mul3A_252 : vector<400x64xf32>
    %sub3A_254 = arith.constant 1.000000e+00 : f32
    %sub3A_255 = vector.broadcast %sub3A_254 : f32 to vector<400x64xf32>
    %sub3A_256 = arith.subf %add3A_28, %sub3A_255 : vector<400x64xf32>
    %mul3A_257 = arith.constant 2.500000e+00 : f32
    %mul3A_258 = vector.broadcast %mul3A_257 : f32 to vector<400x64xf32>
    %mul3A_259 = arith.mulf %sub3A_256, %mul3A_258 : vector<400x64xf32>
    %sub3A_260 = arith.constant 1.800000e+00 : f32
    %sub3A_261 = vector.broadcast %sub3A_260 : f32 to vector<400x64xf32>
    %sub3A_262 = arith.subf %sub3A_261, %add3A_28 : vector<400x64xf32>
    %mul3A_263 = arith.constant 2.500000e+00 : f32
    %mul3A_264 = vector.broadcast %mul3A_263 : f32 to vector<400x64xf32>
    %mul3A_265 = arith.mulf %sub3A_262, %mul3A_264 : vector<400x64xf32>
    %mul3A_266 = arith.mulf %mul3A_259, %convert_element_type3A_115 : vector<400x64xf32>
    %mul3A_267 = arith.mulf %mul3A_265, %convert_element_type3A_124 : vector<400x64xf32>
    %add3A_268 = arith.addf %mul3A_266, %mul3A_267 : vector<400x64xf32>
    %sub3A_269 = arith.constant 1.400000e+00 : f32
    %sub3A_270 = vector.broadcast %sub3A_269 : f32 to vector<400x64xf32>
    %sub3A_271 = arith.subf %add3A_28, %sub3A_270 : vector<400x64xf32>
    %mul3A_272 = arith.constant 2.500000e+00 : f32
    %mul3A_273 = vector.broadcast %mul3A_272 : f32 to vector<400x64xf32>
    %mul3A_274 = arith.mulf %sub3A_271, %mul3A_273 : vector<400x64xf32>
    %sub3A_275 = arith.constant 2.200000e+00 : f32
    %sub3A_276 = vector.broadcast %sub3A_275 : f32 to vector<400x64xf32>
    %sub3A_277 = arith.subf %sub3A_276, %add3A_28 : vector<400x64xf32>
    %mul3A_278 = arith.constant 2.500000e+00 : f32
    %mul3A_279 = vector.broadcast %mul3A_278 : f32 to vector<400x64xf32>
    %mul3A_280 = arith.mulf %sub3A_277, %mul3A_279 : vector<400x64xf32>
    %mul3A_281 = arith.mulf %mul3A_274, %convert_element_type3A_124 : vector<400x64xf32>
    %mul3A_282 = arith.mulf %mul3A_280, %convert_element_type3A_133 : vector<400x64xf32>
    %add3A_283 = arith.addf %mul3A_281, %mul3A_282 : vector<400x64xf32>
    %sub3A_284 = arith.constant -2.200000e+00 : f32
    %sub3A_285 = vector.broadcast %sub3A_284 : f32 to vector<400x64xf32>
    %sub3A_286 = arith.subf %add3A_28, %sub3A_285 : vector<400x64xf32>
    %mul3A_287 = arith.constant 1.250000e+00 : f32
    %mul3A_288 = vector.broadcast %mul3A_287 : f32 to vector<400x64xf32>
    %mul3A_289 = arith.mulf %sub3A_286, %mul3A_288 : vector<400x64xf32>
    %sub3A_290 = arith.constant -1.000000e+00 : f32
    %sub3A_291 = vector.broadcast %sub3A_290 : f32 to vector<400x64xf32>
    %sub3A_292 = arith.subf %sub3A_291, %add3A_28 : vector<400x64xf32>
    %mul3A_293 = arith.constant 1.250000e+00 : f32
    %mul3A_294 = vector.broadcast %mul3A_293 : f32 to vector<400x64xf32>
    %mul3A_295 = arith.mulf %sub3A_292, %mul3A_294 : vector<400x64xf32>
    %mul3A_296 = arith.mulf %mul3A_289, %add3A_148 : vector<400x64xf32>
    %mul3A_297 = arith.mulf %mul3A_295, %add3A_163 : vector<400x64xf32>
    %add3A_298 = arith.addf %mul3A_296, %mul3A_297 : vector<400x64xf32>
    %sub3A_299 = arith.constant -1.800000e+00 : f32
    %sub3A_300 = vector.broadcast %sub3A_299 : f32 to vector<400x64xf32>
    %sub3A_301 = arith.subf %add3A_28, %sub3A_300 : vector<400x64xf32>
    %mul3A_302 = arith.constant 1.250000e+00 : f32
    %mul3A_303 = vector.broadcast %mul3A_302 : f32 to vector<400x64xf32>
    %mul3A_304 = arith.mulf %sub3A_301, %mul3A_303 : vector<400x64xf32>
    %sub3A_305 = arith.constant -6.000000e-01 : f32
    %sub3A_306 = vector.broadcast %sub3A_305 : f32 to vector<400x64xf32>
    %sub3A_307 = arith.subf %sub3A_306, %add3A_28 : vector<400x64xf32>
    %mul3A_308 = arith.constant 1.250000e+00 : f32
    %mul3A_309 = vector.broadcast %mul3A_308 : f32 to vector<400x64xf32>
    %mul3A_310 = arith.mulf %sub3A_307, %mul3A_309 : vector<400x64xf32>
    %mul3A_311 = arith.mulf %mul3A_304, %add3A_163 : vector<400x64xf32>
    %mul3A_312 = arith.mulf %mul3A_310, %add3A_178 : vector<400x64xf32>
    %add3A_313 = arith.addf %mul3A_311, %mul3A_312 : vector<400x64xf32>
    %sub3A_314 = arith.constant -1.400000e+00 : f32
    %sub3A_315 = vector.broadcast %sub3A_314 : f32 to vector<400x64xf32>
    %sub3A_316 = arith.subf %add3A_28, %sub3A_315 : vector<400x64xf32>
    %mul3A_317 = arith.constant 1.250000e+00 : f32
    %mul3A_318 = vector.broadcast %mul3A_317 : f32 to vector<400x64xf32>
    %mul3A_319 = arith.mulf %sub3A_316, %mul3A_318 : vector<400x64xf32>
    %sub3A_320 = arith.constant -2.000000e-01 : f32
    %sub3A_321 = vector.broadcast %sub3A_320 : f32 to vector<400x64xf32>
    %sub3A_322 = arith.subf %sub3A_321, %add3A_28 : vector<400x64xf32>
    %mul3A_323 = arith.constant 1.250000e+00 : f32
    %mul3A_324 = vector.broadcast %mul3A_323 : f32 to vector<400x64xf32>
    %mul3A_325 = arith.mulf %sub3A_322, %mul3A_324 : vector<400x64xf32>
    %mul3A_326 = arith.mulf %mul3A_319, %add3A_178 : vector<400x64xf32>
    %mul3A_327 = arith.mulf %mul3A_325, %add3A_193 : vector<400x64xf32>
    %add3A_328 = arith.addf %mul3A_326, %mul3A_327 : vector<400x64xf32>
    %sub3A_329 = arith.constant -1.000000e+00 : f32
    %sub3A_330 = vector.broadcast %sub3A_329 : f32 to vector<400x64xf32>
    %sub3A_331 = arith.subf %add3A_28, %sub3A_330 : vector<400x64xf32>
    %mul3A_332 = arith.constant 1.250000e+00 : f32
    %mul3A_333 = vector.broadcast %mul3A_332 : f32 to vector<400x64xf32>
    %mul3A_334 = arith.mulf %sub3A_331, %mul3A_333 : vector<400x64xf32>
    %sub3A_335 = arith.constant 2.000000e-01 : f32
    %sub3A_336 = vector.broadcast %sub3A_335 : f32 to vector<400x64xf32>
    %sub3A_337 = arith.subf %sub3A_336, %add3A_28 : vector<400x64xf32>
    %mul3A_338 = arith.constant 1.250000e+00 : f32
    %mul3A_339 = vector.broadcast %mul3A_338 : f32 to vector<400x64xf32>
    %mul3A_340 = arith.mulf %sub3A_337, %mul3A_339 : vector<400x64xf32>
    %mul3A_341 = arith.mulf %mul3A_334, %add3A_193 : vector<400x64xf32>
    %mul3A_342 = arith.mulf %mul3A_340, %add3A_208 : vector<400x64xf32>
    %add3A_343 = arith.addf %mul3A_341, %mul3A_342 : vector<400x64xf32>
    %sub3A_344 = arith.constant -6.000000e-01 : f32
    %sub3A_345 = vector.broadcast %sub3A_344 : f32 to vector<400x64xf32>
    %sub3A_346 = arith.subf %add3A_28, %sub3A_345 : vector<400x64xf32>
    %mul3A_347 = arith.constant 1.250000e+00 : f32
    %mul3A_348 = vector.broadcast %mul3A_347 : f32 to vector<400x64xf32>
    %mul3A_349 = arith.mulf %sub3A_346, %mul3A_348 : vector<400x64xf32>
    %sub3A_350 = arith.constant 6.000000e-01 : f32
    %sub3A_351 = vector.broadcast %sub3A_350 : f32 to vector<400x64xf32>
    %sub3A_352 = arith.subf %sub3A_351, %add3A_28 : vector<400x64xf32>
    %mul3A_353 = arith.constant 1.250000e+00 : f32
    %mul3A_354 = vector.broadcast %mul3A_353 : f32 to vector<400x64xf32>
    %mul3A_355 = arith.mulf %sub3A_352, %mul3A_354 : vector<400x64xf32>
    %mul3A_356 = arith.mulf %mul3A_349, %add3A_208 : vector<400x64xf32>
    %mul3A_357 = arith.mulf %mul3A_355, %add3A_223 : vector<400x64xf32>
    %add3A_358 = arith.addf %mul3A_356, %mul3A_357 : vector<400x64xf32>
    %sub3A_359 = arith.constant -2.000000e-01 : f32
    %sub3A_360 = vector.broadcast %sub3A_359 : f32 to vector<400x64xf32>
    %sub3A_361 = arith.subf %add3A_28, %sub3A_360 : vector<400x64xf32>
    %mul3A_362 = arith.constant 1.250000e+00 : f32
    %mul3A_363 = vector.broadcast %mul3A_362 : f32 to vector<400x64xf32>
    %mul3A_364 = arith.mulf %sub3A_361, %mul3A_363 : vector<400x64xf32>
    %sub3A_365 = arith.constant 1.000000e+00 : f32
    %sub3A_366 = vector.broadcast %sub3A_365 : f32 to vector<400x64xf32>
    %sub3A_367 = arith.subf %sub3A_366, %add3A_28 : vector<400x64xf32>
    %mul3A_368 = arith.constant 1.250000e+00 : f32
    %mul3A_369 = vector.broadcast %mul3A_368 : f32 to vector<400x64xf32>
    %mul3A_370 = arith.mulf %sub3A_367, %mul3A_369 : vector<400x64xf32>
    %mul3A_371 = arith.mulf %mul3A_364, %add3A_223 : vector<400x64xf32>
    %mul3A_372 = arith.mulf %mul3A_370, %add3A_238 : vector<400x64xf32>
    %add3A_373 = arith.addf %mul3A_371, %mul3A_372 : vector<400x64xf32>
    %sub3A_374 = arith.constant 2.000000e-01 : f32
    %sub3A_375 = vector.broadcast %sub3A_374 : f32 to vector<400x64xf32>
    %sub3A_376 = arith.subf %add3A_28, %sub3A_375 : vector<400x64xf32>
    %mul3A_377 = arith.constant 1.250000e+00 : f32
    %mul3A_378 = vector.broadcast %mul3A_377 : f32 to vector<400x64xf32>
    %mul3A_379 = arith.mulf %sub3A_376, %mul3A_378 : vector<400x64xf32>
    %sub3A_380 = arith.constant 1.400000e+00 : f32
    %sub3A_381 = vector.broadcast %sub3A_380 : f32 to vector<400x64xf32>
    %sub3A_382 = arith.subf %sub3A_381, %add3A_28 : vector<400x64xf32>
    %mul3A_383 = arith.constant 1.250000e+00 : f32
    %mul3A_384 = vector.broadcast %mul3A_383 : f32 to vector<400x64xf32>
    %mul3A_385 = arith.mulf %sub3A_382, %mul3A_384 : vector<400x64xf32>
    %mul3A_386 = arith.mulf %mul3A_379, %add3A_238 : vector<400x64xf32>
    %mul3A_387 = arith.mulf %mul3A_385, %add3A_253 : vector<400x64xf32>
    %add3A_388 = arith.addf %mul3A_386, %mul3A_387 : vector<400x64xf32>
    %sub3A_389 = arith.constant 6.000000e-01 : f32
    %sub3A_390 = vector.broadcast %sub3A_389 : f32 to vector<400x64xf32>
    %sub3A_391 = arith.subf %add3A_28, %sub3A_390 : vector<400x64xf32>
    %mul3A_392 = arith.constant 1.250000e+00 : f32
    %mul3A_393 = vector.broadcast %mul3A_392 : f32 to vector<400x64xf32>
    %mul3A_394 = arith.mulf %sub3A_391, %mul3A_393 : vector<400x64xf32>
    %sub3A_395 = arith.constant 1.800000e+00 : f32
    %sub3A_396 = vector.broadcast %sub3A_395 : f32 to vector<400x64xf32>
    %sub3A_397 = arith.subf %sub3A_396, %add3A_28 : vector<400x64xf32>
    %mul3A_398 = arith.constant 1.250000e+00 : f32
    %mul3A_399 = vector.broadcast %mul3A_398 : f32 to vector<400x64xf32>
    %mul3A_400 = arith.mulf %sub3A_397, %mul3A_399 : vector<400x64xf32>
    %mul3A_401 = arith.mulf %mul3A_394, %add3A_253 : vector<400x64xf32>
    %mul3A_402 = arith.mulf %mul3A_400, %add3A_268 : vector<400x64xf32>
    %add3A_403 = arith.addf %mul3A_401, %mul3A_402 : vector<400x64xf32>
    %sub3A_404 = arith.constant 1.000000e+00 : f32
    %sub3A_405 = vector.broadcast %sub3A_404 : f32 to vector<400x64xf32>
    %sub3A_406 = arith.subf %add3A_28, %sub3A_405 : vector<400x64xf32>
    %mul3A_407 = arith.constant 1.250000e+00 : f32
    %mul3A_408 = vector.broadcast %mul3A_407 : f32 to vector<400x64xf32>
    %mul3A_409 = arith.mulf %sub3A_406, %mul3A_408 : vector<400x64xf32>
    %sub3A_410 = arith.constant 2.200000e+00 : f32
    %sub3A_411 = vector.broadcast %sub3A_410 : f32 to vector<400x64xf32>
    %sub3A_412 = arith.subf %sub3A_411, %add3A_28 : vector<400x64xf32>
    %mul3A_413 = arith.constant 1.250000e+00 : f32
    %mul3A_414 = vector.broadcast %mul3A_413 : f32 to vector<400x64xf32>
    %mul3A_415 = arith.mulf %sub3A_412, %mul3A_414 : vector<400x64xf32>
    %mul3A_416 = arith.mulf %mul3A_409, %add3A_268 : vector<400x64xf32>
    %mul3A_417 = arith.mulf %mul3A_415, %add3A_283 : vector<400x64xf32>
    %add3A_418 = arith.addf %mul3A_416, %mul3A_417 : vector<400x64xf32>
    %sub3A_419 = arith.constant -2.200000e+00 : f32
    %sub3A_420 = vector.broadcast %sub3A_419 : f32 to vector<400x64xf32>
    %sub3A_421 = arith.subf %add3A_28, %sub3A_420 : vector<400x64xf32>
    %mul3A_422 = arith.constant 0.833333313 : f32
    %mul3A_423 = vector.broadcast %mul3A_422 : f32 to vector<400x64xf32>
    %mul3A_424 = arith.mulf %sub3A_421, %mul3A_423 : vector<400x64xf32>
    %sub3A_425 = arith.constant -6.000000e-01 : f32
    %sub3A_426 = vector.broadcast %sub3A_425 : f32 to vector<400x64xf32>
    %sub3A_427 = arith.subf %sub3A_426, %add3A_28 : vector<400x64xf32>
    %mul3A_428 = arith.constant 0.833333313 : f32
    %mul3A_429 = vector.broadcast %mul3A_428 : f32 to vector<400x64xf32>
    %mul3A_430 = arith.mulf %sub3A_427, %mul3A_429 : vector<400x64xf32>
    %mul3A_431 = arith.mulf %mul3A_424, %add3A_298 : vector<400x64xf32>
    %mul3A_432 = arith.mulf %mul3A_430, %add3A_313 : vector<400x64xf32>
    %add3A_433 = arith.addf %mul3A_431, %mul3A_432 : vector<400x64xf32>
    %sub3A_434 = arith.constant -1.800000e+00 : f32
    %sub3A_435 = vector.broadcast %sub3A_434 : f32 to vector<400x64xf32>
    %sub3A_436 = arith.subf %add3A_28, %sub3A_435 : vector<400x64xf32>
    %mul3A_437 = arith.constant 0.833333313 : f32
    %mul3A_438 = vector.broadcast %mul3A_437 : f32 to vector<400x64xf32>
    %mul3A_439 = arith.mulf %sub3A_436, %mul3A_438 : vector<400x64xf32>
    %sub3A_440 = arith.constant -2.000000e-01 : f32
    %sub3A_441 = vector.broadcast %sub3A_440 : f32 to vector<400x64xf32>
    %sub3A_442 = arith.subf %sub3A_441, %add3A_28 : vector<400x64xf32>
    %mul3A_443 = arith.constant 0.833333313 : f32
    %mul3A_444 = vector.broadcast %mul3A_443 : f32 to vector<400x64xf32>
    %mul3A_445 = arith.mulf %sub3A_442, %mul3A_444 : vector<400x64xf32>
    %mul3A_446 = arith.mulf %mul3A_439, %add3A_313 : vector<400x64xf32>
    %mul3A_447 = arith.mulf %mul3A_445, %add3A_328 : vector<400x64xf32>
    %add3A_448 = arith.addf %mul3A_446, %mul3A_447 : vector<400x64xf32>
    %sub3A_449 = arith.constant -1.400000e+00 : f32
    %sub3A_450 = vector.broadcast %sub3A_449 : f32 to vector<400x64xf32>
    %sub3A_451 = arith.subf %add3A_28, %sub3A_450 : vector<400x64xf32>
    %mul3A_452 = arith.constant 0.833333313 : f32
    %mul3A_453 = vector.broadcast %mul3A_452 : f32 to vector<400x64xf32>
    %mul3A_454 = arith.mulf %sub3A_451, %mul3A_453 : vector<400x64xf32>
    %sub3A_455 = arith.constant 2.000000e-01 : f32
    %sub3A_456 = vector.broadcast %sub3A_455 : f32 to vector<400x64xf32>
    %sub3A_457 = arith.subf %sub3A_456, %add3A_28 : vector<400x64xf32>
    %mul3A_458 = arith.constant 0.833333313 : f32
    %mul3A_459 = vector.broadcast %mul3A_458 : f32 to vector<400x64xf32>
    %mul3A_460 = arith.mulf %sub3A_457, %mul3A_459 : vector<400x64xf32>
    %mul3A_461 = arith.mulf %mul3A_454, %add3A_328 : vector<400x64xf32>
    %mul3A_462 = arith.mulf %mul3A_460, %add3A_343 : vector<400x64xf32>
    %add3A_463 = arith.addf %mul3A_461, %mul3A_462 : vector<400x64xf32>
    %sub3A_464 = arith.constant -1.000000e+00 : f32
    %sub3A_465 = vector.broadcast %sub3A_464 : f32 to vector<400x64xf32>
    %sub3A_466 = arith.subf %add3A_28, %sub3A_465 : vector<400x64xf32>
    %mul3A_467 = arith.constant 0.833333313 : f32
    %mul3A_468 = vector.broadcast %mul3A_467 : f32 to vector<400x64xf32>
    %mul3A_469 = arith.mulf %sub3A_466, %mul3A_468 : vector<400x64xf32>
    %sub3A_470 = arith.constant 6.000000e-01 : f32
    %sub3A_471 = vector.broadcast %sub3A_470 : f32 to vector<400x64xf32>
    %sub3A_472 = arith.subf %sub3A_471, %add3A_28 : vector<400x64xf32>
    %mul3A_473 = arith.constant 0.833333313 : f32
    %mul3A_474 = vector.broadcast %mul3A_473 : f32 to vector<400x64xf32>
    %mul3A_475 = arith.mulf %sub3A_472, %mul3A_474 : vector<400x64xf32>
    %mul3A_476 = arith.mulf %mul3A_469, %add3A_343 : vector<400x64xf32>
    %mul3A_477 = arith.mulf %mul3A_475, %add3A_358 : vector<400x64xf32>
    %add3A_478 = arith.addf %mul3A_476, %mul3A_477 : vector<400x64xf32>
    %sub3A_479 = arith.constant -6.000000e-01 : f32
    %sub3A_480 = vector.broadcast %sub3A_479 : f32 to vector<400x64xf32>
    %sub3A_481 = arith.subf %add3A_28, %sub3A_480 : vector<400x64xf32>
    %mul3A_482 = arith.constant 0.833333313 : f32
    %mul3A_483 = vector.broadcast %mul3A_482 : f32 to vector<400x64xf32>
    %mul3A_484 = arith.mulf %sub3A_481, %mul3A_483 : vector<400x64xf32>
    %sub3A_485 = arith.constant 1.000000e+00 : f32
    %sub3A_486 = vector.broadcast %sub3A_485 : f32 to vector<400x64xf32>
    %sub3A_487 = arith.subf %sub3A_486, %add3A_28 : vector<400x64xf32>
    %mul3A_488 = arith.constant 0.833333313 : f32
    %mul3A_489 = vector.broadcast %mul3A_488 : f32 to vector<400x64xf32>
    %mul3A_490 = arith.mulf %sub3A_487, %mul3A_489 : vector<400x64xf32>
    %mul3A_491 = arith.mulf %mul3A_484, %add3A_358 : vector<400x64xf32>
    %mul3A_492 = arith.mulf %mul3A_490, %add3A_373 : vector<400x64xf32>
    %add3A_493 = arith.addf %mul3A_491, %mul3A_492 : vector<400x64xf32>
    %sub3A_494 = arith.constant -2.000000e-01 : f32
    %sub3A_495 = vector.broadcast %sub3A_494 : f32 to vector<400x64xf32>
    %sub3A_496 = arith.subf %add3A_28, %sub3A_495 : vector<400x64xf32>
    %mul3A_497 = arith.constant 0.833333313 : f32
    %mul3A_498 = vector.broadcast %mul3A_497 : f32 to vector<400x64xf32>
    %mul3A_499 = arith.mulf %sub3A_496, %mul3A_498 : vector<400x64xf32>
    %sub3A_500 = arith.constant 1.400000e+00 : f32
    %sub3A_501 = vector.broadcast %sub3A_500 : f32 to vector<400x64xf32>
    %sub3A_502 = arith.subf %sub3A_501, %add3A_28 : vector<400x64xf32>
    %mul3A_503 = arith.constant 0.833333313 : f32
    %mul3A_504 = vector.broadcast %mul3A_503 : f32 to vector<400x64xf32>
    %mul3A_505 = arith.mulf %sub3A_502, %mul3A_504 : vector<400x64xf32>
    %mul3A_506 = arith.mulf %mul3A_499, %add3A_373 : vector<400x64xf32>
    %mul3A_507 = arith.mulf %mul3A_505, %add3A_388 : vector<400x64xf32>
    %add3A_508 = arith.addf %mul3A_506, %mul3A_507 : vector<400x64xf32>
    %sub3A_509 = arith.constant 2.000000e-01 : f32
    %sub3A_510 = vector.broadcast %sub3A_509 : f32 to vector<400x64xf32>
    %sub3A_511 = arith.subf %add3A_28, %sub3A_510 : vector<400x64xf32>
    %mul3A_512 = arith.constant 0.833333313 : f32
    %mul3A_513 = vector.broadcast %mul3A_512 : f32 to vector<400x64xf32>
    %mul3A_514 = arith.mulf %sub3A_511, %mul3A_513 : vector<400x64xf32>
    %sub3A_515 = arith.constant 1.800000e+00 : f32
    %sub3A_516 = vector.broadcast %sub3A_515 : f32 to vector<400x64xf32>
    %sub3A_517 = arith.subf %sub3A_516, %add3A_28 : vector<400x64xf32>
    %mul3A_518 = arith.constant 0.833333313 : f32
    %mul3A_519 = vector.broadcast %mul3A_518 : f32 to vector<400x64xf32>
    %mul3A_520 = arith.mulf %sub3A_517, %mul3A_519 : vector<400x64xf32>
    %mul3A_521 = arith.mulf %mul3A_514, %add3A_388 : vector<400x64xf32>
    %mul3A_522 = arith.mulf %mul3A_520, %add3A_403 : vector<400x64xf32>
    %add3A_523 = arith.addf %mul3A_521, %mul3A_522 : vector<400x64xf32>
    %sub3A_524 = arith.constant 6.000000e-01 : f32
    %sub3A_525 = vector.broadcast %sub3A_524 : f32 to vector<400x64xf32>
    %sub3A_526 = arith.subf %add3A_28, %sub3A_525 : vector<400x64xf32>
    %mul3A_527 = arith.constant 0.833333313 : f32
    %mul3A_528 = vector.broadcast %mul3A_527 : f32 to vector<400x64xf32>
    %mul3A_529 = arith.mulf %sub3A_526, %mul3A_528 : vector<400x64xf32>
    %sub3A_530 = arith.constant 2.200000e+00 : f32
    %sub3A_531 = vector.broadcast %sub3A_530 : f32 to vector<400x64xf32>
    %sub3A_532 = arith.subf %sub3A_531, %add3A_28 : vector<400x64xf32>
    %mul3A_533 = arith.constant 0.833333313 : f32
    %mul3A_534 = vector.broadcast %mul3A_533 : f32 to vector<400x64xf32>
    %mul3A_535 = arith.mulf %sub3A_532, %mul3A_534 : vector<400x64xf32>
    %mul3A_536 = arith.mulf %mul3A_529, %add3A_403 : vector<400x64xf32>
    %mul3A_537 = arith.mulf %mul3A_535, %add3A_418 : vector<400x64xf32>
    %add3A_538 = arith.addf %mul3A_536, %mul3A_537 : vector<400x64xf32>
    %get3A_539 = arith.constant 0 : index
    %get3A_540 = arith.constant 0 : index
    %get3A_541 = arith.constant 0 : index
    %get3A_542 = vector.load %arg6[%get3A_539, %get3A_540, %get3A_541] : memref<8x64x40xf32, #tpu.memory_space<vmem>>, vector<1x64x40xf32>
    %get3A_543 = vector.shape_cast %get3A_542 : vector<1x64x40xf32> to vector<64x40xf32>
    %dot_general3A_544 = arith.constant dense<0.000000e+00> : vector<400x40xf32>
    %dot_general3A_545 = tpu.matmul %add3A_433, %get3A_543, %dot_general3A_544 {dimension_numbers = #tpu.dot_dimension_numbers<[1], [0], [0], [1], [0, 0, 1, 1], [], []>, transpose_lhs_hint = false} : vector<400x64xf32>, vector<64x40xf32>, vector<400x40xf32> -> vector<400x40xf32>
    %add3A_546 = arith.addf %dot_general3A_38, %dot_general3A_545 : vector<400x40xf32>
    %get3A_547 = arith.constant 1 : index
    %get3A_548 = arith.constant 0 : index
    %get3A_549 = arith.constant 0 : index
    %get3A_550 = vector.load %arg6[%get3A_547, %get3A_548, %get3A_549] : memref<8x64x40xf32, #tpu.memory_space<vmem>>, vector<1x64x40xf32>
    %get3A_551 = vector.shape_cast %get3A_550 : vector<1x64x40xf32> to vector<64x40xf32>
    %dot_general3A_552 = arith.constant dense<0.000000e+00> : vector<400x40xf32>
    %dot_general3A_553 = tpu.matmul %add3A_448, %get3A_551, %dot_general3A_552 {dimension_numbers = #tpu.dot_dimension_numbers<[1], [0], [0], [1], [0, 0, 1, 1], [], []>, transpose_lhs_hint = false} : vector<400x64xf32>, vector<64x40xf32>, vector<400x40xf32> -> vector<400x40xf32>
    %add3A_554 = arith.addf %add3A_546, %dot_general3A_553 : vector<400x40xf32>
    %get3A_555 = arith.constant 2 : index
    %get3A_556 = arith.constant 0 : index
    %get3A_557 = arith.constant 0 : index
    %get3A_558 = vector.load %arg6[%get3A_555, %get3A_556, %get3A_557] : memref<8x64x40xf32, #tpu.memory_space<vmem>>, vector<1x64x40xf32>
    %get3A_559 = vector.shape_cast %get3A_558 : vector<1x64x40xf32> to vector<64x40xf32>
    %dot_general3A_560 = arith.constant dense<0.000000e+00> : vector<400x40xf32>
    %dot_general3A_561 = tpu.matmul %add3A_463, %get3A_559, %dot_general3A_560 {dimension_numbers = #tpu.dot_dimension_numbers<[1], [0], [0], [1], [0, 0, 1, 1], [], []>, transpose_lhs_hint = false} : vector<400x64xf32>, vector<64x40xf32>, vector<400x40xf32> -> vector<400x40xf32>
    %add3A_562 = arith.addf %add3A_554, %dot_general3A_561 : vector<400x40xf32>
    %get3A_563 = arith.constant 3 : index
    %get3A_564 = arith.constant 0 : index
    %get3A_565 = arith.constant 0 : index
    %get3A_566 = vector.load %arg6[%get3A_563, %get3A_564, %get3A_565] : memref<8x64x40xf32, #tpu.memory_space<vmem>>, vector<1x64x40xf32>
    %get3A_567 = vector.shape_cast %get3A_566 : vector<1x64x40xf32> to vector<64x40xf32>
    %dot_general3A_568 = arith.constant dense<0.000000e+00> : vector<400x40xf32>
    %dot_general3A_569 = tpu.matmul %add3A_478, %get3A_567, %dot_general3A_568 {dimension_numbers = #tpu.dot_dimension_numbers<[1], [0], [0], [1], [0, 0, 1, 1], [], []>, transpose_lhs_hint = false} : vector<400x64xf32>, vector<64x40xf32>, vector<400x40xf32> -> vector<400x40xf32>
    %add3A_570 = arith.addf %add3A_562, %dot_general3A_569 : vector<400x40xf32>
    %get3A_571 = arith.constant 4 : index
    %get3A_572 = arith.constant 0 : index
    %get3A_573 = arith.constant 0 : index
    %get3A_574 = vector.load %arg6[%get3A_571, %get3A_572, %get3A_573] : memref<8x64x40xf32, #tpu.memory_space<vmem>>, vector<1x64x40xf32>
    %get3A_575 = vector.shape_cast %get3A_574 : vector<1x64x40xf32> to vector<64x40xf32>
    %dot_general3A_576 = arith.constant dense<0.000000e+00> : vector<400x40xf32>
    %dot_general3A_577 = tpu.matmul %add3A_493, %get3A_575, %dot_general3A_576 {dimension_numbers = #tpu.dot_dimension_numbers<[1], [0], [0], [1], [0, 0, 1, 1], [], []>, transpose_lhs_hint = false} : vector<400x64xf32>, vector<64x40xf32>, vector<400x40xf32> -> vector<400x40xf32>
    %add3A_578 = arith.addf %add3A_570, %dot_general3A_577 : vector<400x40xf32>
    %get3A_579 = arith.constant 5 : index
    %get3A_580 = arith.constant 0 : index
    %get3A_581 = arith.constant 0 : index
    %get3A_582 = vector.load %arg6[%get3A_579, %get3A_580, %get3A_581] : memref<8x64x40xf32, #tpu.memory_space<vmem>>, vector<1x64x40xf32>
    %get3A_583 = vector.shape_cast %get3A_582 : vector<1x64x40xf32> to vector<64x40xf32>
    %dot_general3A_584 = arith.constant dense<0.000000e+00> : vector<400x40xf32>
    %dot_general3A_585 = tpu.matmul %add3A_508, %get3A_583, %dot_general3A_584 {dimension_numbers = #tpu.dot_dimension_numbers<[1], [0], [0], [1], [0, 0, 1, 1], [], []>, transpose_lhs_hint = false} : vector<400x64xf32>, vector<64x40xf32>, vector<400x40xf32> -> vector<400x40xf32>
    %add3A_586 = arith.addf %add3A_578, %dot_general3A_585 : vector<400x40xf32>
    %get3A_587 = arith.constant 6 : index
    %get3A_588 = arith.constant 0 : index
    %get3A_589 = arith.constant 0 : index
    %get3A_590 = vector.load %arg6[%get3A_587, %get3A_588, %get3A_589] : memref<8x64x40xf32, #tpu.memory_space<vmem>>, vector<1x64x40xf32>
    %get3A_591 = vector.shape_cast %get3A_590 : vector<1x64x40xf32> to vector<64x40xf32>
    %dot_general3A_592 = arith.constant dense<0.000000e+00> : vector<400x40xf32>
    %dot_general3A_593 = tpu.matmul %add3A_523, %get3A_591, %dot_general3A_592 {dimension_numbers = #tpu.dot_dimension_numbers<[1], [0], [0], [1], [0, 0, 1, 1], [], []>, transpose_lhs_hint = false} : vector<400x64xf32>, vector<64x40xf32>, vector<400x40xf32> -> vector<400x40xf32>
    %add3A_594 = arith.addf %add3A_586, %dot_general3A_593 : vector<400x40xf32>
    %get3A_595 = arith.constant 7 : index
    %get3A_596 = arith.constant 0 : index
    %get3A_597 = arith.constant 0 : index
    %get3A_598 = vector.load %arg6[%get3A_595, %get3A_596, %get3A_597] : memref<8x64x40xf32, #tpu.memory_space<vmem>>, vector<1x64x40xf32>
    %get3A_599 = vector.shape_cast %get3A_598 : vector<1x64x40xf32> to vector<64x40xf32>
    %dot_general3A_600 = arith.constant dense<0.000000e+00> : vector<400x40xf32>
    %dot_general3A_601 = tpu.matmul %add3A_538, %get3A_599, %dot_general3A_600 {dimension_numbers = #tpu.dot_dimension_numbers<[1], [0], [0], [1], [0, 0, 1, 1], [], []>, transpose_lhs_hint = false} : vector<400x64xf32>, vector<64x40xf32>, vector<400x40xf32> -> vector<400x40xf32>
    %add3A_602 = arith.addf %add3A_594, %dot_general3A_601 : vector<400x40xf32>
    %reduce_max3A = arith.constant dense<0xFF800000> : vector<400xf32>
    %reduce_max3A_603 = vector.multi_reduction <maximumf>, %add3A_602, %reduce_max3A [1] : vector<400x40xf32> to vector<400xf32>
    %broadcast_in_dim3A = vector.shape_cast %reduce_max3A_603 : vector<400xf32> to vector<400x1xf32>
    %sub3A_604 = vector.broadcast %broadcast_in_dim3A : vector<400x1xf32> to vector<400x40xf32>
    %sub3A_605 = arith.subf %add3A_602, %sub3A_604 : vector<400x40xf32>
    %exp3A = math.exp %sub3A_605 : vector<400x40xf32>
    %reduce_sum3A = arith.constant dense<0.000000e+00> : vector<400xf32>
    %reduce_sum3A_606 = vector.multi_reduction <add>, %exp3A, %reduce_sum3A [1] : vector<400x40xf32> to vector<400xf32>
    %broadcast_in_dim3A_607 = vector.shape_cast %reduce_sum3A_606 : vector<400xf32> to vector<400x1xf32>
    %log3A = math.log %broadcast_in_dim3A_607 : vector<400x1xf32>
    %sub3A_608 = vector.broadcast %broadcast_in_dim3A : vector<400x1xf32> to vector<400x40xf32>
    %sub3A_609 = arith.subf %add3A_602, %sub3A_608 : vector<400x40xf32>
    %sub3A_610 = vector.broadcast %log3A : vector<400x1xf32> to vector<400x40xf32>
    %sub3A_611 = arith.subf %sub3A_609, %sub3A_610 : vector<400x40xf32>
    %swap3A = arith.constant 0 : index
    %swap3A_612 = arith.constant 0 : index
    %swap3A_613 = vector.load %arg7[%swap3A, %swap3A_612] : memref<400x40xf32, #tpu.memory_space<vmem>>, vector<400x40xf32>
    tpu.vector_store %arg7[%swap3A, %swap3A_612], %sub3A_611 {strides = array<i32>} : memref<400x40xf32, #tpu.memory_space<vmem>>, vector<400x40xf32>,
    return
  }
  func.func @transform_0(%arg0: i32) -> (i32, i32) {
    %c0_i32 = arith.constant 0 : i32
    %c0_i32_0 = arith.constant 0 : i32
    return %arg0, %c0_i32 : i32, i32
  }
  func.func @transform_1(%arg0: i32) -> (i32, i32) {
    %c0_i32 = arith.constant 0 : i32
    %c0_i32_0 = arith.constant 0 : i32
    %c0_i32_1 = arith.constant 0 : i32
    return %c0_i32, %c0_i32_0 : i32, i32
  }
  func.func @transform_2(%arg0: i32) -> (i32, i32) {
    %c0_i32 = arith.constant 0 : i32
    %c0_i32_0 = arith.constant 0 : i32
    %c0_i32_1 = arith.constant 0 : i32
    return %c0_i32, %c0_i32_0 : i32, i32
  }
  func.func @transform_3(%arg0: i32) -> (i32, i32) {
    %c0_i32 = arith.constant 0 : i32
    %c0_i32_0 = arith.constant 0 : i32
    %c0_i32_1 = arith.constant 0 : i32
    return %c0_i32, %c0_i32_0 : i32, i32
  }
  func.func @transform_4(%arg0: i32) -> (i32, i32) {
    %c0_i32 = arith.constant 0 : i32
    %c0_i32_0 = arith.constant 0 : i32
    %c0_i32_1 = arith.constant 0 : i32
    return %c0_i32, %c0_i32_0 : i32, i32
  }
  func.func @transform_5(%arg0: i32) -> (i32, i32, i32) {
    %c0_i32 = arith.constant 0 : i32
    %c0_i32_0 = arith.constant 0 : i32
    %c0_i32_1 = arith.constant 0 : i32
    %c0_i32_2 = arith.constant 0 : i32
    return %c0_i32, %c0_i32_0, %c0_i32_1 : i32, i32, i32
  }
  func.func @transform_6(%arg0: i32) -> (i32, i32) {
    %c0_i32 = arith.constant 0 : i32
    %c0_i32_0 = arith.constant 0 : i32
    return %arg0, %c0_i32 : i32, i32
  }
}

module attributes {stable_mosaic.version = 14 : i64} {
  func.func @_layer1_body(%arg0: i32, %arg1: memref<400x128xf32, #tpu.memory_space<vmem>>, %arg2: memref<1x400x128xf32, #tpu.memory_space<vmem>>, %arg3: memref<1x400x128xf32, #tpu.memory_space<vmem>>, %arg4: memref<128x64xf32, #tpu.memory_space<vmem>>, %arg5: memref<8x128x64xf32, #tpu.memory_space<vmem>>, %arg6: memref<400x128xf32, #tpu.memory_space<vmem>>, %arg7: memref<2x64xf32, #tpu.memory_space<vmem>>) attributes {dimension_semantics = [#tpu.dimension_semantics<arbitrary>], iteration_bounds = array<i64: 25>, scalar_prefetch = 0 : i64, scratch_operands = 0 : i64, tpu.core_type = #tpu.core_type<tc>, window_params = [{transform_indices = @transform_0, window_bounds = array<i64: 400, 128>}, {transform_indices = @transform_1, window_bounds = array<i64: 1, 400, 128>}, {transform_indices = @transform_2, window_bounds = array<i64: 1, 400, 128>}, {pipeline_mode = #tpu.pipeline_mode<synchronous>, transform_indices = @transform_3, window_bounds = array<i64: 128, 64>}, {pipeline_mode = #tpu.pipeline_mode<synchronous>, transform_indices = @transform_4, window_bounds = array<i64: 8, 128, 64>}, {transform_indices = @transform_5, window_bounds = array<i64: 400, 128>}, {pipeline_mode = #tpu.pipeline_mode<synchronous>, transform_indices = @transform_6, window_bounds = array<i64: 2, 64>}]} {
    %get3A = arith.constant 0 : index
    %get3A_0 = arith.constant 0 : index
    %get3A_1 = vector.load %arg1[%get3A, %get3A_0] : memref<400x128xf32, #tpu.memory_space<vmem>>, vector<400x128xf32>
    %get3A_2 = arith.constant 0 : index
    %get3A_3 = arith.constant 0 : index
    %get3A_4 = arith.constant 0 : index
    %get3A_5 = vector.load %arg2[%get3A_2, %get3A_3, %get3A_4] : memref<1x400x128xf32, #tpu.memory_space<vmem>>, vector<1x400x128xf32>
    %get3A_6 = vector.shape_cast %get3A_5 : vector<1x400x128xf32> to vector<400x128xf32>
    %add3A = arith.addf %get3A_1, %get3A_6 : vector<400x128xf32>
    %get3A_7 = arith.constant 0 : index
    %get3A_8 = arith.constant 0 : index
    %get3A_9 = arith.constant 0 : index
    %get3A_10 = vector.load %arg3[%get3A_7, %get3A_8, %get3A_9] : memref<1x400x128xf32, #tpu.memory_space<vmem>>, vector<1x400x128xf32>
    %get3A_11 = vector.shape_cast %get3A_10 : vector<1x400x128xf32> to vector<400x128xf32>
    %add3A_12 = arith.addf %add3A, %get3A_11 : vector<400x128xf32>
    %logistic3A = arith.negf %add3A_12 : vector<400x128xf32>
    %logistic3A_13 = math.exp %logistic3A : vector<400x128xf32>
    %logistic3A_14 = arith.constant 1.000000e+00 : f32
    %logistic3A_15 = vector.broadcast %logistic3A_14 : f32 to vector<400x128xf32>
    %logistic3A_16 = arith.addf %logistic3A_15, %logistic3A_13 : vector<400x128xf32>
    %logistic3A_17 = arith.divf %logistic3A_15, %logistic3A_16 : vector<400x128xf32>
    %mul3A = arith.mulf %add3A_12, %logistic3A_17 : vector<400x128xf32>
    %get3A_18 = arith.constant 0 : index
    %get3A_19 = arith.constant 0 : index
    %get3A_20 = vector.load %arg4[%get3A_18, %get3A_19] : memref<128x64xf32, #tpu.memory_space<vmem>>, vector<128x64xf32>
    %dot_general3A = arith.constant dense<0.000000e+00> : vector<400x64xf32>
    %dot_general3A_21 = tpu.matmul %mul3A, %get3A_20, %dot_general3A {dimension_numbers = #tpu.dot_dimension_numbers<[1], [0], [0], [1], [0, 0, 1, 1], [], []>, transpose_lhs_hint = false} : vector<400x128xf32>, vector<128x64xf32>, vector<400x64xf32> -> vector<400x64xf32>
    %ge3A = arith.constant -2.200000e+00 : f32
    %ge3A_22 = vector.broadcast %ge3A : f32 to vector<400x128xf32>
    %ge3A_23 = arith.cmpf oge, %add3A_12, %ge3A_22 : vector<400x128xf32>
    %lt3A = arith.constant -1.800000e+00 : f32
    %lt3A_24 = vector.broadcast %lt3A : f32 to vector<400x128xf32>
    %lt3A_25 = arith.cmpf olt, %add3A_12, %lt3A_24 : vector<400x128xf32>
    %and3A = arith.andi %ge3A_23, %lt3A_25 : vector<400x128xi1>
    %convert_element_type3A = arith.extui %and3A : vector<400x128xi1> to vector<400x128xi32>
    %convert_element_type3A_26 = arith.sitofp %convert_element_type3A : vector<400x128xi32> to vector<400x128xf32>
    %ge3A_27 = arith.constant -1.800000e+00 : f32
    %ge3A_28 = vector.broadcast %ge3A_27 : f32 to vector<400x128xf32>
    %ge3A_29 = arith.cmpf oge, %add3A_12, %ge3A_28 : vector<400x128xf32>
    %lt3A_30 = arith.constant -1.400000e+00 : f32
    %lt3A_31 = vector.broadcast %lt3A_30 : f32 to vector<400x128xf32>
    %lt3A_32 = arith.cmpf olt, %add3A_12, %lt3A_31 : vector<400x128xf32>
    %and3A_33 = arith.andi %ge3A_29, %lt3A_32 : vector<400x128xi1>
    %convert_element_type3A_34 = arith.extui %and3A_33 : vector<400x128xi1> to vector<400x128xi32>
    %convert_element_type3A_35 = arith.sitofp %convert_element_type3A_34 : vector<400x128xi32> to vector<400x128xf32>
    %ge3A_36 = arith.constant -1.400000e+00 : f32
    %ge3A_37 = vector.broadcast %ge3A_36 : f32 to vector<400x128xf32>
    %ge3A_38 = arith.cmpf oge, %add3A_12, %ge3A_37 : vector<400x128xf32>
    %lt3A_39 = arith.constant -1.000000e+00 : f32
    %lt3A_40 = vector.broadcast %lt3A_39 : f32 to vector<400x128xf32>
    %lt3A_41 = arith.cmpf olt, %add3A_12, %lt3A_40 : vector<400x128xf32>
    %and3A_42 = arith.andi %ge3A_38, %lt3A_41 : vector<400x128xi1>
    %convert_element_type3A_43 = arith.extui %and3A_42 : vector<400x128xi1> to vector<400x128xi32>
    %convert_element_type3A_44 = arith.sitofp %convert_element_type3A_43 : vector<400x128xi32> to vector<400x128xf32>
    %ge3A_45 = arith.constant -1.000000e+00 : f32
    %ge3A_46 = vector.broadcast %ge3A_45 : f32 to vector<400x128xf32>
    %ge3A_47 = arith.cmpf oge, %add3A_12, %ge3A_46 : vector<400x128xf32>
    %lt3A_48 = arith.constant -6.000000e-01 : f32
    %lt3A_49 = vector.broadcast %lt3A_48 : f32 to vector<400x128xf32>
    %lt3A_50 = arith.cmpf olt, %add3A_12, %lt3A_49 : vector<400x128xf32>
    %and3A_51 = arith.andi %ge3A_47, %lt3A_50 : vector<400x128xi1>
    %convert_element_type3A_52 = arith.extui %and3A_51 : vector<400x128xi1> to vector<400x128xi32>
    %convert_element_type3A_53 = arith.sitofp %convert_element_type3A_52 : vector<400x128xi32> to vector<400x128xf32>
    %ge3A_54 = arith.constant -6.000000e-01 : f32
    %ge3A_55 = vector.broadcast %ge3A_54 : f32 to vector<400x128xf32>
    %ge3A_56 = arith.cmpf oge, %add3A_12, %ge3A_55 : vector<400x128xf32>
    %lt3A_57 = arith.constant -2.000000e-01 : f32
    %lt3A_58 = vector.broadcast %lt3A_57 : f32 to vector<400x128xf32>
    %lt3A_59 = arith.cmpf olt, %add3A_12, %lt3A_58 : vector<400x128xf32>
    %and3A_60 = arith.andi %ge3A_56, %lt3A_59 : vector<400x128xi1>
    %convert_element_type3A_61 = arith.extui %and3A_60 : vector<400x128xi1> to vector<400x128xi32>
    %convert_element_type3A_62 = arith.sitofp %convert_element_type3A_61 : vector<400x128xi32> to vector<400x128xf32>
    %ge3A_63 = arith.constant -2.000000e-01 : f32
    %ge3A_64 = vector.broadcast %ge3A_63 : f32 to vector<400x128xf32>
    %ge3A_65 = arith.cmpf oge, %add3A_12, %ge3A_64 : vector<400x128xf32>
    %lt3A_66 = arith.constant 2.000000e-01 : f32
    %lt3A_67 = vector.broadcast %lt3A_66 : f32 to vector<400x128xf32>
    %lt3A_68 = arith.cmpf olt, %add3A_12, %lt3A_67 : vector<400x128xf32>
    %and3A_69 = arith.andi %ge3A_65, %lt3A_68 : vector<400x128xi1>
    %convert_element_type3A_70 = arith.extui %and3A_69 : vector<400x128xi1> to vector<400x128xi32>
    %convert_element_type3A_71 = arith.sitofp %convert_element_type3A_70 : vector<400x128xi32> to vector<400x128xf32>
    %ge3A_72 = arith.constant 2.000000e-01 : f32
    %ge3A_73 = vector.broadcast %ge3A_72 : f32 to vector<400x128xf32>
    %ge3A_74 = arith.cmpf oge, %add3A_12, %ge3A_73 : vector<400x128xf32>
    %lt3A_75 = arith.constant 6.000000e-01 : f32
    %lt3A_76 = vector.broadcast %lt3A_75 : f32 to vector<400x128xf32>
    %lt3A_77 = arith.cmpf olt, %add3A_12, %lt3A_76 : vector<400x128xf32>
    %and3A_78 = arith.andi %ge3A_74, %lt3A_77 : vector<400x128xi1>
    %convert_element_type3A_79 = arith.extui %and3A_78 : vector<400x128xi1> to vector<400x128xi32>
    %convert_element_type3A_80 = arith.sitofp %convert_element_type3A_79 : vector<400x128xi32> to vector<400x128xf32>
    %ge3A_81 = arith.constant 6.000000e-01 : f32
    %ge3A_82 = vector.broadcast %ge3A_81 : f32 to vector<400x128xf32>
    %ge3A_83 = arith.cmpf oge, %add3A_12, %ge3A_82 : vector<400x128xf32>
    %lt3A_84 = arith.constant 1.000000e+00 : f32
    %lt3A_85 = vector.broadcast %lt3A_84 : f32 to vector<400x128xf32>
    %lt3A_86 = arith.cmpf olt, %add3A_12, %lt3A_85 : vector<400x128xf32>
    %and3A_87 = arith.andi %ge3A_83, %lt3A_86 : vector<400x128xi1>
    %convert_element_type3A_88 = arith.extui %and3A_87 : vector<400x128xi1> to vector<400x128xi32>
    %convert_element_type3A_89 = arith.sitofp %convert_element_type3A_88 : vector<400x128xi32> to vector<400x128xf32>
    %ge3A_90 = arith.constant 1.000000e+00 : f32
    %ge3A_91 = vector.broadcast %ge3A_90 : f32 to vector<400x128xf32>
    %ge3A_92 = arith.cmpf oge, %add3A_12, %ge3A_91 : vector<400x128xf32>
    %lt3A_93 = arith.constant 1.400000e+00 : f32
    %lt3A_94 = vector.broadcast %lt3A_93 : f32 to vector<400x128xf32>
    %lt3A_95 = arith.cmpf olt, %add3A_12, %lt3A_94 : vector<400x128xf32>
    %and3A_96 = arith.andi %ge3A_92, %lt3A_95 : vector<400x128xi1>
    %convert_element_type3A_97 = arith.extui %and3A_96 : vector<400x128xi1> to vector<400x128xi32>
    %convert_element_type3A_98 = arith.sitofp %convert_element_type3A_97 : vector<400x128xi32> to vector<400x128xf32>
    %ge3A_99 = arith.constant 1.400000e+00 : f32
    %ge3A_100 = vector.broadcast %ge3A_99 : f32 to vector<400x128xf32>
    %ge3A_101 = arith.cmpf oge, %add3A_12, %ge3A_100 : vector<400x128xf32>
    %lt3A_102 = arith.constant 1.800000e+00 : f32
    %lt3A_103 = vector.broadcast %lt3A_102 : f32 to vector<400x128xf32>
    %lt3A_104 = arith.cmpf olt, %add3A_12, %lt3A_103 : vector<400x128xf32>
    %and3A_105 = arith.andi %ge3A_101, %lt3A_104 : vector<400x128xi1>
    %convert_element_type3A_106 = arith.extui %and3A_105 : vector<400x128xi1> to vector<400x128xi32>
    %convert_element_type3A_107 = arith.sitofp %convert_element_type3A_106 : vector<400x128xi32> to vector<400x128xf32>
    %ge3A_108 = arith.constant 1.800000e+00 : f32
    %ge3A_109 = vector.broadcast %ge3A_108 : f32 to vector<400x128xf32>
    %ge3A_110 = arith.cmpf oge, %add3A_12, %ge3A_109 : vector<400x128xf32>
    %lt3A_111 = arith.constant 2.200000e+00 : f32
    %lt3A_112 = vector.broadcast %lt3A_111 : f32 to vector<400x128xf32>
    %lt3A_113 = arith.cmpf olt, %add3A_12, %lt3A_112 : vector<400x128xf32>
    %and3A_114 = arith.andi %ge3A_110, %lt3A_113 : vector<400x128xi1>
    %convert_element_type3A_115 = arith.extui %and3A_114 : vector<400x128xi1> to vector<400x128xi32>
    %convert_element_type3A_116 = arith.sitofp %convert_element_type3A_115 : vector<400x128xi32> to vector<400x128xf32>
    %sub3A = arith.constant -2.200000e+00 : f32
    %sub3A_117 = vector.broadcast %sub3A : f32 to vector<400x128xf32>
    %sub3A_118 = arith.subf %add3A_12, %sub3A_117 : vector<400x128xf32>
    %mul3A_119 = arith.constant 2.500000e+00 : f32
    %mul3A_120 = vector.broadcast %mul3A_119 : f32 to vector<400x128xf32>
    %mul3A_121 = arith.mulf %sub3A_118, %mul3A_120 : vector<400x128xf32>
    %sub3A_122 = arith.constant -1.400000e+00 : f32
    %sub3A_123 = vector.broadcast %sub3A_122 : f32 to vector<400x128xf32>
    %sub3A_124 = arith.subf %sub3A_123, %add3A_12 : vector<400x128xf32>
    %mul3A_125 = arith.constant 2.500000e+00 : f32
    %mul3A_126 = vector.broadcast %mul3A_125 : f32 to vector<400x128xf32>
    %mul3A_127 = arith.mulf %sub3A_124, %mul3A_126 : vector<400x128xf32>
    %mul3A_128 = arith.mulf %mul3A_121, %convert_element_type3A_26 : vector<400x128xf32>
    %mul3A_129 = arith.mulf %mul3A_127, %convert_element_type3A_35 : vector<400x128xf32>
    %add3A_130 = arith.addf %mul3A_128, %mul3A_129 : vector<400x128xf32>
    %sub3A_131 = arith.constant -1.800000e+00 : f32
    %sub3A_132 = vector.broadcast %sub3A_131 : f32 to vector<400x128xf32>
    %sub3A_133 = arith.subf %add3A_12, %sub3A_132 : vector<400x128xf32>
    %mul3A_134 = arith.constant 2.500000e+00 : f32
    %mul3A_135 = vector.broadcast %mul3A_134 : f32 to vector<400x128xf32>
    %mul3A_136 = arith.mulf %sub3A_133, %mul3A_135 : vector<400x128xf32>
    %sub3A_137 = arith.constant -1.000000e+00 : f32
    %sub3A_138 = vector.broadcast %sub3A_137 : f32 to vector<400x128xf32>
    %sub3A_139 = arith.subf %sub3A_138, %add3A_12 : vector<400x128xf32>
    %mul3A_140 = arith.constant 2.500000e+00 : f32
    %mul3A_141 = vector.broadcast %mul3A_140 : f32 to vector<400x128xf32>
    %mul3A_142 = arith.mulf %sub3A_139, %mul3A_141 : vector<400x128xf32>
    %mul3A_143 = arith.mulf %mul3A_136, %convert_element_type3A_35 : vector<400x128xf32>
    %mul3A_144 = arith.mulf %mul3A_142, %convert_element_type3A_44 : vector<400x128xf32>
    %add3A_145 = arith.addf %mul3A_143, %mul3A_144 : vector<400x128xf32>
    %sub3A_146 = arith.constant -1.400000e+00 : f32
    %sub3A_147 = vector.broadcast %sub3A_146 : f32 to vector<400x128xf32>
    %sub3A_148 = arith.subf %add3A_12, %sub3A_147 : vector<400x128xf32>
    %mul3A_149 = arith.constant 2.500000e+00 : f32
    %mul3A_150 = vector.broadcast %mul3A_149 : f32 to vector<400x128xf32>
    %mul3A_151 = arith.mulf %sub3A_148, %mul3A_150 : vector<400x128xf32>
    %sub3A_152 = arith.constant -6.000000e-01 : f32
    %sub3A_153 = vector.broadcast %sub3A_152 : f32 to vector<400x128xf32>
    %sub3A_154 = arith.subf %sub3A_153, %add3A_12 : vector<400x128xf32>
    %mul3A_155 = arith.constant 2.500000e+00 : f32
    %mul3A_156 = vector.broadcast %mul3A_155 : f32 to vector<400x128xf32>
    %mul3A_157 = arith.mulf %sub3A_154, %mul3A_156 : vector<400x128xf32>
    %mul3A_158 = arith.mulf %mul3A_151, %convert_element_type3A_44 : vector<400x128xf32>
    %mul3A_159 = arith.mulf %mul3A_157, %convert_element_type3A_53 : vector<400x128xf32>
    %add3A_160 = arith.addf %mul3A_158, %mul3A_159 : vector<400x128xf32>
    %sub3A_161 = arith.constant -1.000000e+00 : f32
    %sub3A_162 = vector.broadcast %sub3A_161 : f32 to vector<400x128xf32>
    %sub3A_163 = arith.subf %add3A_12, %sub3A_162 : vector<400x128xf32>
    %mul3A_164 = arith.constant 2.500000e+00 : f32
    %mul3A_165 = vector.broadcast %mul3A_164 : f32 to vector<400x128xf32>
    %mul3A_166 = arith.mulf %sub3A_163, %mul3A_165 : vector<400x128xf32>
    %sub3A_167 = arith.constant -2.000000e-01 : f32
    %sub3A_168 = vector.broadcast %sub3A_167 : f32 to vector<400x128xf32>
    %sub3A_169 = arith.subf %sub3A_168, %add3A_12 : vector<400x128xf32>
    %mul3A_170 = arith.constant 2.500000e+00 : f32
    %mul3A_171 = vector.broadcast %mul3A_170 : f32 to vector<400x128xf32>
    %mul3A_172 = arith.mulf %sub3A_169, %mul3A_171 : vector<400x128xf32>
    %mul3A_173 = arith.mulf %mul3A_166, %convert_element_type3A_53 : vector<400x128xf32>
    %mul3A_174 = arith.mulf %mul3A_172, %convert_element_type3A_62 : vector<400x128xf32>
    %add3A_175 = arith.addf %mul3A_173, %mul3A_174 : vector<400x128xf32>
    %sub3A_176 = arith.constant -6.000000e-01 : f32
    %sub3A_177 = vector.broadcast %sub3A_176 : f32 to vector<400x128xf32>
    %sub3A_178 = arith.subf %add3A_12, %sub3A_177 : vector<400x128xf32>
    %mul3A_179 = arith.constant 2.500000e+00 : f32
    %mul3A_180 = vector.broadcast %mul3A_179 : f32 to vector<400x128xf32>
    %mul3A_181 = arith.mulf %sub3A_178, %mul3A_180 : vector<400x128xf32>
    %sub3A_182 = arith.constant 2.000000e-01 : f32
    %sub3A_183 = vector.broadcast %sub3A_182 : f32 to vector<400x128xf32>
    %sub3A_184 = arith.subf %sub3A_183, %add3A_12 : vector<400x128xf32>
    %mul3A_185 = arith.constant 2.500000e+00 : f32
    %mul3A_186 = vector.broadcast %mul3A_185 : f32 to vector<400x128xf32>
    %mul3A_187 = arith.mulf %sub3A_184, %mul3A_186 : vector<400x128xf32>
    %mul3A_188 = arith.mulf %mul3A_181, %convert_element_type3A_62 : vector<400x128xf32>
    %mul3A_189 = arith.mulf %mul3A_187, %convert_element_type3A_71 : vector<400x128xf32>
    %add3A_190 = arith.addf %mul3A_188, %mul3A_189 : vector<400x128xf32>
    %sub3A_191 = arith.constant -2.000000e-01 : f32
    %sub3A_192 = vector.broadcast %sub3A_191 : f32 to vector<400x128xf32>
    %sub3A_193 = arith.subf %add3A_12, %sub3A_192 : vector<400x128xf32>
    %mul3A_194 = arith.constant 2.500000e+00 : f32
    %mul3A_195 = vector.broadcast %mul3A_194 : f32 to vector<400x128xf32>
    %mul3A_196 = arith.mulf %sub3A_193, %mul3A_195 : vector<400x128xf32>
    %sub3A_197 = arith.constant 6.000000e-01 : f32
    %sub3A_198 = vector.broadcast %sub3A_197 : f32 to vector<400x128xf32>
    %sub3A_199 = arith.subf %sub3A_198, %add3A_12 : vector<400x128xf32>
    %mul3A_200 = arith.constant 2.500000e+00 : f32
    %mul3A_201 = vector.broadcast %mul3A_200 : f32 to vector<400x128xf32>
    %mul3A_202 = arith.mulf %sub3A_199, %mul3A_201 : vector<400x128xf32>
    %mul3A_203 = arith.mulf %mul3A_196, %convert_element_type3A_71 : vector<400x128xf32>
    %mul3A_204 = arith.mulf %mul3A_202, %convert_element_type3A_80 : vector<400x128xf32>
    %add3A_205 = arith.addf %mul3A_203, %mul3A_204 : vector<400x128xf32>
    %sub3A_206 = arith.constant 2.000000e-01 : f32
    %sub3A_207 = vector.broadcast %sub3A_206 : f32 to vector<400x128xf32>
    %sub3A_208 = arith.subf %add3A_12, %sub3A_207 : vector<400x128xf32>
    %mul3A_209 = arith.constant 2.500000e+00 : f32
    %mul3A_210 = vector.broadcast %mul3A_209 : f32 to vector<400x128xf32>
    %mul3A_211 = arith.mulf %sub3A_208, %mul3A_210 : vector<400x128xf32>
    %sub3A_212 = arith.constant 1.000000e+00 : f32
    %sub3A_213 = vector.broadcast %sub3A_212 : f32 to vector<400x128xf32>
    %sub3A_214 = arith.subf %sub3A_213, %add3A_12 : vector<400x128xf32>
    %mul3A_215 = arith.constant 2.500000e+00 : f32
    %mul3A_216 = vector.broadcast %mul3A_215 : f32 to vector<400x128xf32>
    %mul3A_217 = arith.mulf %sub3A_214, %mul3A_216 : vector<400x128xf32>
    %mul3A_218 = arith.mulf %mul3A_211, %convert_element_type3A_80 : vector<400x128xf32>
    %mul3A_219 = arith.mulf %mul3A_217, %convert_element_type3A_89 : vector<400x128xf32>
    %add3A_220 = arith.addf %mul3A_218, %mul3A_219 : vector<400x128xf32>
    %sub3A_221 = arith.constant 6.000000e-01 : f32
    %sub3A_222 = vector.broadcast %sub3A_221 : f32 to vector<400x128xf32>
    %sub3A_223 = arith.subf %add3A_12, %sub3A_222 : vector<400x128xf32>
    %mul3A_224 = arith.constant 2.500000e+00 : f32
    %mul3A_225 = vector.broadcast %mul3A_224 : f32 to vector<400x128xf32>
    %mul3A_226 = arith.mulf %sub3A_223, %mul3A_225 : vector<400x128xf32>
    %sub3A_227 = arith.constant 1.400000e+00 : f32
    %sub3A_228 = vector.broadcast %sub3A_227 : f32 to vector<400x128xf32>
    %sub3A_229 = arith.subf %sub3A_228, %add3A_12 : vector<400x128xf32>
    %mul3A_230 = arith.constant 2.500000e+00 : f32
    %mul3A_231 = vector.broadcast %mul3A_230 : f32 to vector<400x128xf32>
    %mul3A_232 = arith.mulf %sub3A_229, %mul3A_231 : vector<400x128xf32>
    %mul3A_233 = arith.mulf %mul3A_226, %convert_element_type3A_89 : vector<400x128xf32>
    %mul3A_234 = arith.mulf %mul3A_232, %convert_element_type3A_98 : vector<400x128xf32>
    %add3A_235 = arith.addf %mul3A_233, %mul3A_234 : vector<400x128xf32>
    %sub3A_236 = arith.constant 1.000000e+00 : f32
    %sub3A_237 = vector.broadcast %sub3A_236 : f32 to vector<400x128xf32>
    %sub3A_238 = arith.subf %add3A_12, %sub3A_237 : vector<400x128xf32>
    %mul3A_239 = arith.constant 2.500000e+00 : f32
    %mul3A_240 = vector.broadcast %mul3A_239 : f32 to vector<400x128xf32>
    %mul3A_241 = arith.mulf %sub3A_238, %mul3A_240 : vector<400x128xf32>
    %sub3A_242 = arith.constant 1.800000e+00 : f32
    %sub3A_243 = vector.broadcast %sub3A_242 : f32 to vector<400x128xf32>
    %sub3A_244 = arith.subf %sub3A_243, %add3A_12 : vector<400x128xf32>
    %mul3A_245 = arith.constant 2.500000e+00 : f32
    %mul3A_246 = vector.broadcast %mul3A_245 : f32 to vector<400x128xf32>
    %mul3A_247 = arith.mulf %sub3A_244, %mul3A_246 : vector<400x128xf32>
    %mul3A_248 = arith.mulf %mul3A_241, %convert_element_type3A_98 : vector<400x128xf32>
    %mul3A_249 = arith.mulf %mul3A_247, %convert_element_type3A_107 : vector<400x128xf32>
    %add3A_250 = arith.addf %mul3A_248, %mul3A_249 : vector<400x128xf32>
    %sub3A_251 = arith.constant 1.400000e+00 : f32
    %sub3A_252 = vector.broadcast %sub3A_251 : f32 to vector<400x128xf32>
    %sub3A_253 = arith.subf %add3A_12, %sub3A_252 : vector<400x128xf32>
    %mul3A_254 = arith.constant 2.500000e+00 : f32
    %mul3A_255 = vector.broadcast %mul3A_254 : f32 to vector<400x128xf32>
    %mul3A_256 = arith.mulf %sub3A_253, %mul3A_255 : vector<400x128xf32>
    %sub3A_257 = arith.constant 2.200000e+00 : f32
    %sub3A_258 = vector.broadcast %sub3A_257 : f32 to vector<400x128xf32>
    %sub3A_259 = arith.subf %sub3A_258, %add3A_12 : vector<400x128xf32>
    %mul3A_260 = arith.constant 2.500000e+00 : f32
    %mul3A_261 = vector.broadcast %mul3A_260 : f32 to vector<400x128xf32>
    %mul3A_262 = arith.mulf %sub3A_259, %mul3A_261 : vector<400x128xf32>
    %mul3A_263 = arith.mulf %mul3A_256, %convert_element_type3A_107 : vector<400x128xf32>
    %mul3A_264 = arith.mulf %mul3A_262, %convert_element_type3A_116 : vector<400x128xf32>
    %add3A_265 = arith.addf %mul3A_263, %mul3A_264 : vector<400x128xf32>
    %sub3A_266 = arith.constant -2.200000e+00 : f32
    %sub3A_267 = vector.broadcast %sub3A_266 : f32 to vector<400x128xf32>
    %sub3A_268 = arith.subf %add3A_12, %sub3A_267 : vector<400x128xf32>
    %mul3A_269 = arith.constant 1.250000e+00 : f32
    %mul3A_270 = vector.broadcast %mul3A_269 : f32 to vector<400x128xf32>
    %mul3A_271 = arith.mulf %sub3A_268, %mul3A_270 : vector<400x128xf32>
    %sub3A_272 = arith.constant -1.000000e+00 : f32
    %sub3A_273 = vector.broadcast %sub3A_272 : f32 to vector<400x128xf32>
    %sub3A_274 = arith.subf %sub3A_273, %add3A_12 : vector<400x128xf32>
    %mul3A_275 = arith.constant 1.250000e+00 : f32
    %mul3A_276 = vector.broadcast %mul3A_275 : f32 to vector<400x128xf32>
    %mul3A_277 = arith.mulf %sub3A_274, %mul3A_276 : vector<400x128xf32>
    %mul3A_278 = arith.mulf %mul3A_271, %add3A_130 : vector<400x128xf32>
    %mul3A_279 = arith.mulf %mul3A_277, %add3A_145 : vector<400x128xf32>
    %add3A_280 = arith.addf %mul3A_278, %mul3A_279 : vector<400x128xf32>
    %sub3A_281 = arith.constant -1.800000e+00 : f32
    %sub3A_282 = vector.broadcast %sub3A_281 : f32 to vector<400x128xf32>
    %sub3A_283 = arith.subf %add3A_12, %sub3A_282 : vector<400x128xf32>
    %mul3A_284 = arith.constant 1.250000e+00 : f32
    %mul3A_285 = vector.broadcast %mul3A_284 : f32 to vector<400x128xf32>
    %mul3A_286 = arith.mulf %sub3A_283, %mul3A_285 : vector<400x128xf32>
    %sub3A_287 = arith.constant -6.000000e-01 : f32
    %sub3A_288 = vector.broadcast %sub3A_287 : f32 to vector<400x128xf32>
    %sub3A_289 = arith.subf %sub3A_288, %add3A_12 : vector<400x128xf32>
    %mul3A_290 = arith.constant 1.250000e+00 : f32
    %mul3A_291 = vector.broadcast %mul3A_290 : f32 to vector<400x128xf32>
    %mul3A_292 = arith.mulf %sub3A_289, %mul3A_291 : vector<400x128xf32>
    %mul3A_293 = arith.mulf %mul3A_286, %add3A_145 : vector<400x128xf32>
    %mul3A_294 = arith.mulf %mul3A_292, %add3A_160 : vector<400x128xf32>
    %add3A_295 = arith.addf %mul3A_293, %mul3A_294 : vector<400x128xf32>
    %sub3A_296 = arith.constant -1.400000e+00 : f32
    %sub3A_297 = vector.broadcast %sub3A_296 : f32 to vector<400x128xf32>
    %sub3A_298 = arith.subf %add3A_12, %sub3A_297 : vector<400x128xf32>
    %mul3A_299 = arith.constant 1.250000e+00 : f32
    %mul3A_300 = vector.broadcast %mul3A_299 : f32 to vector<400x128xf32>
    %mul3A_301 = arith.mulf %sub3A_298, %mul3A_300 : vector<400x128xf32>
    %sub3A_302 = arith.constant -2.000000e-01 : f32
    %sub3A_303 = vector.broadcast %sub3A_302 : f32 to vector<400x128xf32>
    %sub3A_304 = arith.subf %sub3A_303, %add3A_12 : vector<400x128xf32>
    %mul3A_305 = arith.constant 1.250000e+00 : f32
    %mul3A_306 = vector.broadcast %mul3A_305 : f32 to vector<400x128xf32>
    %mul3A_307 = arith.mulf %sub3A_304, %mul3A_306 : vector<400x128xf32>
    %mul3A_308 = arith.mulf %mul3A_301, %add3A_160 : vector<400x128xf32>
    %mul3A_309 = arith.mulf %mul3A_307, %add3A_175 : vector<400x128xf32>
    %add3A_310 = arith.addf %mul3A_308, %mul3A_309 : vector<400x128xf32>
    %sub3A_311 = arith.constant -1.000000e+00 : f32
    %sub3A_312 = vector.broadcast %sub3A_311 : f32 to vector<400x128xf32>
    %sub3A_313 = arith.subf %add3A_12, %sub3A_312 : vector<400x128xf32>
    %mul3A_314 = arith.constant 1.250000e+00 : f32
    %mul3A_315 = vector.broadcast %mul3A_314 : f32 to vector<400x128xf32>
    %mul3A_316 = arith.mulf %sub3A_313, %mul3A_315 : vector<400x128xf32>
    %sub3A_317 = arith.constant 2.000000e-01 : f32
    %sub3A_318 = vector.broadcast %sub3A_317 : f32 to vector<400x128xf32>
    %sub3A_319 = arith.subf %sub3A_318, %add3A_12 : vector<400x128xf32>
    %mul3A_320 = arith.constant 1.250000e+00 : f32
    %mul3A_321 = vector.broadcast %mul3A_320 : f32 to vector<400x128xf32>
    %mul3A_322 = arith.mulf %sub3A_319, %mul3A_321 : vector<400x128xf32>
    %mul3A_323 = arith.mulf %mul3A_316, %add3A_175 : vector<400x128xf32>
    %mul3A_324 = arith.mulf %mul3A_322, %add3A_190 : vector<400x128xf32>
    %add3A_325 = arith.addf %mul3A_323, %mul3A_324 : vector<400x128xf32>
    %sub3A_326 = arith.constant -6.000000e-01 : f32
    %sub3A_327 = vector.broadcast %sub3A_326 : f32 to vector<400x128xf32>
    %sub3A_328 = arith.subf %add3A_12, %sub3A_327 : vector<400x128xf32>
    %mul3A_329 = arith.constant 1.250000e+00 : f32
    %mul3A_330 = vector.broadcast %mul3A_329 : f32 to vector<400x128xf32>
    %mul3A_331 = arith.mulf %sub3A_328, %mul3A_330 : vector<400x128xf32>
    %sub3A_332 = arith.constant 6.000000e-01 : f32
    %sub3A_333 = vector.broadcast %sub3A_332 : f32 to vector<400x128xf32>
    %sub3A_334 = arith.subf %sub3A_333, %add3A_12 : vector<400x128xf32>
    %mul3A_335 = arith.constant 1.250000e+00 : f32
    %mul3A_336 = vector.broadcast %mul3A_335 : f32 to vector<400x128xf32>
    %mul3A_337 = arith.mulf %sub3A_334, %mul3A_336 : vector<400x128xf32>
    %mul3A_338 = arith.mulf %mul3A_331, %add3A_190 : vector<400x128xf32>
    %mul3A_339 = arith.mulf %mul3A_337, %add3A_205 : vector<400x128xf32>
    %add3A_340 = arith.addf %mul3A_338, %mul3A_339 : vector<400x128xf32>
    %sub3A_341 = arith.constant -2.000000e-01 : f32
    %sub3A_342 = vector.broadcast %sub3A_341 : f32 to vector<400x128xf32>
    %sub3A_343 = arith.subf %add3A_12, %sub3A_342 : vector<400x128xf32>
    %mul3A_344 = arith.constant 1.250000e+00 : f32
    %mul3A_345 = vector.broadcast %mul3A_344 : f32 to vector<400x128xf32>
    %mul3A_346 = arith.mulf %sub3A_343, %mul3A_345 : vector<400x128xf32>
    %sub3A_347 = arith.constant 1.000000e+00 : f32
    %sub3A_348 = vector.broadcast %sub3A_347 : f32 to vector<400x128xf32>
    %sub3A_349 = arith.subf %sub3A_348, %add3A_12 : vector<400x128xf32>
    %mul3A_350 = arith.constant 1.250000e+00 : f32
    %mul3A_351 = vector.broadcast %mul3A_350 : f32 to vector<400x128xf32>
    %mul3A_352 = arith.mulf %sub3A_349, %mul3A_351 : vector<400x128xf32>
    %mul3A_353 = arith.mulf %mul3A_346, %add3A_205 : vector<400x128xf32>
    %mul3A_354 = arith.mulf %mul3A_352, %add3A_220 : vector<400x128xf32>
    %add3A_355 = arith.addf %mul3A_353, %mul3A_354 : vector<400x128xf32>
    %sub3A_356 = arith.constant 2.000000e-01 : f32
    %sub3A_357 = vector.broadcast %sub3A_356 : f32 to vector<400x128xf32>
    %sub3A_358 = arith.subf %add3A_12, %sub3A_357 : vector<400x128xf32>
    %mul3A_359 = arith.constant 1.250000e+00 : f32
    %mul3A_360 = vector.broadcast %mul3A_359 : f32 to vector<400x128xf32>
    %mul3A_361 = arith.mulf %sub3A_358, %mul3A_360 : vector<400x128xf32>
    %sub3A_362 = arith.constant 1.400000e+00 : f32
    %sub3A_363 = vector.broadcast %sub3A_362 : f32 to vector<400x128xf32>
    %sub3A_364 = arith.subf %sub3A_363, %add3A_12 : vector<400x128xf32>
    %mul3A_365 = arith.constant 1.250000e+00 : f32
    %mul3A_366 = vector.broadcast %mul3A_365 : f32 to vector<400x128xf32>
    %mul3A_367 = arith.mulf %sub3A_364, %mul3A_366 : vector<400x128xf32>
    %mul3A_368 = arith.mulf %mul3A_361, %add3A_220 : vector<400x128xf32>
    %mul3A_369 = arith.mulf %mul3A_367, %add3A_235 : vector<400x128xf32>
    %add3A_370 = arith.addf %mul3A_368, %mul3A_369 : vector<400x128xf32>
    %sub3A_371 = arith.constant 6.000000e-01 : f32
    %sub3A_372 = vector.broadcast %sub3A_371 : f32 to vector<400x128xf32>
    %sub3A_373 = arith.subf %add3A_12, %sub3A_372 : vector<400x128xf32>
    %mul3A_374 = arith.constant 1.250000e+00 : f32
    %mul3A_375 = vector.broadcast %mul3A_374 : f32 to vector<400x128xf32>
    %mul3A_376 = arith.mulf %sub3A_373, %mul3A_375 : vector<400x128xf32>
    %sub3A_377 = arith.constant 1.800000e+00 : f32
    %sub3A_378 = vector.broadcast %sub3A_377 : f32 to vector<400x128xf32>
    %sub3A_379 = arith.subf %sub3A_378, %add3A_12 : vector<400x128xf32>
    %mul3A_380 = arith.constant 1.250000e+00 : f32
    %mul3A_381 = vector.broadcast %mul3A_380 : f32 to vector<400x128xf32>
    %mul3A_382 = arith.mulf %sub3A_379, %mul3A_381 : vector<400x128xf32>
    %mul3A_383 = arith.mulf %mul3A_376, %add3A_235 : vector<400x128xf32>
    %mul3A_384 = arith.mulf %mul3A_382, %add3A_250 : vector<400x128xf32>
    %add3A_385 = arith.addf %mul3A_383, %mul3A_384 : vector<400x128xf32>
    %sub3A_386 = arith.constant 1.000000e+00 : f32
    %sub3A_387 = vector.broadcast %sub3A_386 : f32 to vector<400x128xf32>
    %sub3A_388 = arith.subf %add3A_12, %sub3A_387 : vector<400x128xf32>
    %mul3A_389 = arith.constant 1.250000e+00 : f32
    %mul3A_390 = vector.broadcast %mul3A_389 : f32 to vector<400x128xf32>
    %mul3A_391 = arith.mulf %sub3A_388, %mul3A_390 : vector<400x128xf32>
    %sub3A_392 = arith.constant 2.200000e+00 : f32
    %sub3A_393 = vector.broadcast %sub3A_392 : f32 to vector<400x128xf32>
    %sub3A_394 = arith.subf %sub3A_393, %add3A_12 : vector<400x128xf32>
    %mul3A_395 = arith.constant 1.250000e+00 : f32
    %mul3A_396 = vector.broadcast %mul3A_395 : f32 to vector<400x128xf32>
    %mul3A_397 = arith.mulf %sub3A_394, %mul3A_396 : vector<400x128xf32>
    %mul3A_398 = arith.mulf %mul3A_391, %add3A_250 : vector<400x128xf32>
    %mul3A_399 = arith.mulf %mul3A_397, %add3A_265 : vector<400x128xf32>
    %add3A_400 = arith.addf %mul3A_398, %mul3A_399 : vector<400x128xf32>
    %sub3A_401 = arith.constant -2.200000e+00 : f32
    %sub3A_402 = vector.broadcast %sub3A_401 : f32 to vector<400x128xf32>
    %sub3A_403 = arith.subf %add3A_12, %sub3A_402 : vector<400x128xf32>
    %mul3A_404 = arith.constant 0.833333313 : f32
    %mul3A_405 = vector.broadcast %mul3A_404 : f32 to vector<400x128xf32>
    %mul3A_406 = arith.mulf %sub3A_403, %mul3A_405 : vector<400x128xf32>
    %sub3A_407 = arith.constant -6.000000e-01 : f32
    %sub3A_408 = vector.broadcast %sub3A_407 : f32 to vector<400x128xf32>
    %sub3A_409 = arith.subf %sub3A_408, %add3A_12 : vector<400x128xf32>
    %mul3A_410 = arith.constant 0.833333313 : f32
    %mul3A_411 = vector.broadcast %mul3A_410 : f32 to vector<400x128xf32>
    %mul3A_412 = arith.mulf %sub3A_409, %mul3A_411 : vector<400x128xf32>
    %mul3A_413 = arith.mulf %mul3A_406, %add3A_280 : vector<400x128xf32>
    %mul3A_414 = arith.mulf %mul3A_412, %add3A_295 : vector<400x128xf32>
    %add3A_415 = arith.addf %mul3A_413, %mul3A_414 : vector<400x128xf32>
    %sub3A_416 = arith.constant -1.800000e+00 : f32
    %sub3A_417 = vector.broadcast %sub3A_416 : f32 to vector<400x128xf32>
    %sub3A_418 = arith.subf %add3A_12, %sub3A_417 : vector<400x128xf32>
    %mul3A_419 = arith.constant 0.833333313 : f32
    %mul3A_420 = vector.broadcast %mul3A_419 : f32 to vector<400x128xf32>
    %mul3A_421 = arith.mulf %sub3A_418, %mul3A_420 : vector<400x128xf32>
    %sub3A_422 = arith.constant -2.000000e-01 : f32
    %sub3A_423 = vector.broadcast %sub3A_422 : f32 to vector<400x128xf32>
    %sub3A_424 = arith.subf %sub3A_423, %add3A_12 : vector<400x128xf32>
    %mul3A_425 = arith.constant 0.833333313 : f32
    %mul3A_426 = vector.broadcast %mul3A_425 : f32 to vector<400x128xf32>
    %mul3A_427 = arith.mulf %sub3A_424, %mul3A_426 : vector<400x128xf32>
    %mul3A_428 = arith.mulf %mul3A_421, %add3A_295 : vector<400x128xf32>
    %mul3A_429 = arith.mulf %mul3A_427, %add3A_310 : vector<400x128xf32>
    %add3A_430 = arith.addf %mul3A_428, %mul3A_429 : vector<400x128xf32>
    %sub3A_431 = arith.constant -1.400000e+00 : f32
    %sub3A_432 = vector.broadcast %sub3A_431 : f32 to vector<400x128xf32>
    %sub3A_433 = arith.subf %add3A_12, %sub3A_432 : vector<400x128xf32>
    %mul3A_434 = arith.constant 0.833333313 : f32
    %mul3A_435 = vector.broadcast %mul3A_434 : f32 to vector<400x128xf32>
    %mul3A_436 = arith.mulf %sub3A_433, %mul3A_435 : vector<400x128xf32>
    %sub3A_437 = arith.constant 2.000000e-01 : f32
    %sub3A_438 = vector.broadcast %sub3A_437 : f32 to vector<400x128xf32>
    %sub3A_439 = arith.subf %sub3A_438, %add3A_12 : vector<400x128xf32>
    %mul3A_440 = arith.constant 0.833333313 : f32
    %mul3A_441 = vector.broadcast %mul3A_440 : f32 to vector<400x128xf32>
    %mul3A_442 = arith.mulf %sub3A_439, %mul3A_441 : vector<400x128xf32>
    %mul3A_443 = arith.mulf %mul3A_436, %add3A_310 : vector<400x128xf32>
    %mul3A_444 = arith.mulf %mul3A_442, %add3A_325 : vector<400x128xf32>
    %add3A_445 = arith.addf %mul3A_443, %mul3A_444 : vector<400x128xf32>
    %sub3A_446 = arith.constant -1.000000e+00 : f32
    %sub3A_447 = vector.broadcast %sub3A_446 : f32 to vector<400x128xf32>
    %sub3A_448 = arith.subf %add3A_12, %sub3A_447 : vector<400x128xf32>
    %mul3A_449 = arith.constant 0.833333313 : f32
    %mul3A_450 = vector.broadcast %mul3A_449 : f32 to vector<400x128xf32>
    %mul3A_451 = arith.mulf %sub3A_448, %mul3A_450 : vector<400x128xf32>
    %sub3A_452 = arith.constant 6.000000e-01 : f32
    %sub3A_453 = vector.broadcast %sub3A_452 : f32 to vector<400x128xf32>
    %sub3A_454 = arith.subf %sub3A_453, %add3A_12 : vector<400x128xf32>
    %mul3A_455 = arith.constant 0.833333313 : f32
    %mul3A_456 = vector.broadcast %mul3A_455 : f32 to vector<400x128xf32>
    %mul3A_457 = arith.mulf %sub3A_454, %mul3A_456 : vector<400x128xf32>
    %mul3A_458 = arith.mulf %mul3A_451, %add3A_325 : vector<400x128xf32>
    %mul3A_459 = arith.mulf %mul3A_457, %add3A_340 : vector<400x128xf32>
    %add3A_460 = arith.addf %mul3A_458, %mul3A_459 : vector<400x128xf32>
    %sub3A_461 = arith.constant -6.000000e-01 : f32
    %sub3A_462 = vector.broadcast %sub3A_461 : f32 to vector<400x128xf32>
    %sub3A_463 = arith.subf %add3A_12, %sub3A_462 : vector<400x128xf32>
    %mul3A_464 = arith.constant 0.833333313 : f32
    %mul3A_465 = vector.broadcast %mul3A_464 : f32 to vector<400x128xf32>
    %mul3A_466 = arith.mulf %sub3A_463, %mul3A_465 : vector<400x128xf32>
    %sub3A_467 = arith.constant 1.000000e+00 : f32
    %sub3A_468 = vector.broadcast %sub3A_467 : f32 to vector<400x128xf32>
    %sub3A_469 = arith.subf %sub3A_468, %add3A_12 : vector<400x128xf32>
    %mul3A_470 = arith.constant 0.833333313 : f32
    %mul3A_471 = vector.broadcast %mul3A_470 : f32 to vector<400x128xf32>
    %mul3A_472 = arith.mulf %sub3A_469, %mul3A_471 : vector<400x128xf32>
    %mul3A_473 = arith.mulf %mul3A_466, %add3A_340 : vector<400x128xf32>
    %mul3A_474 = arith.mulf %mul3A_472, %add3A_355 : vector<400x128xf32>
    %add3A_475 = arith.addf %mul3A_473, %mul3A_474 : vector<400x128xf32>
    %sub3A_476 = arith.constant -2.000000e-01 : f32
    %sub3A_477 = vector.broadcast %sub3A_476 : f32 to vector<400x128xf32>
    %sub3A_478 = arith.subf %add3A_12, %sub3A_477 : vector<400x128xf32>
    %mul3A_479 = arith.constant 0.833333313 : f32
    %mul3A_480 = vector.broadcast %mul3A_479 : f32 to vector<400x128xf32>
    %mul3A_481 = arith.mulf %sub3A_478, %mul3A_480 : vector<400x128xf32>
    %sub3A_482 = arith.constant 1.400000e+00 : f32
    %sub3A_483 = vector.broadcast %sub3A_482 : f32 to vector<400x128xf32>
    %sub3A_484 = arith.subf %sub3A_483, %add3A_12 : vector<400x128xf32>
    %mul3A_485 = arith.constant 0.833333313 : f32
    %mul3A_486 = vector.broadcast %mul3A_485 : f32 to vector<400x128xf32>
    %mul3A_487 = arith.mulf %sub3A_484, %mul3A_486 : vector<400x128xf32>
    %mul3A_488 = arith.mulf %mul3A_481, %add3A_355 : vector<400x128xf32>
    %mul3A_489 = arith.mulf %mul3A_487, %add3A_370 : vector<400x128xf32>
    %add3A_490 = arith.addf %mul3A_488, %mul3A_489 : vector<400x128xf32>
    %sub3A_491 = arith.constant 2.000000e-01 : f32
    %sub3A_492 = vector.broadcast %sub3A_491 : f32 to vector<400x128xf32>
    %sub3A_493 = arith.subf %add3A_12, %sub3A_492 : vector<400x128xf32>
    %mul3A_494 = arith.constant 0.833333313 : f32
    %mul3A_495 = vector.broadcast %mul3A_494 : f32 to vector<400x128xf32>
    %mul3A_496 = arith.mulf %sub3A_493, %mul3A_495 : vector<400x128xf32>
    %sub3A_497 = arith.constant 1.800000e+00 : f32
    %sub3A_498 = vector.broadcast %sub3A_497 : f32 to vector<400x128xf32>
    %sub3A_499 = arith.subf %sub3A_498, %add3A_12 : vector<400x128xf32>
    %mul3A_500 = arith.constant 0.833333313 : f32
    %mul3A_501 = vector.broadcast %mul3A_500 : f32 to vector<400x128xf32>
    %mul3A_502 = arith.mulf %sub3A_499, %mul3A_501 : vector<400x128xf32>
    %mul3A_503 = arith.mulf %mul3A_496, %add3A_370 : vector<400x128xf32>
    %mul3A_504 = arith.mulf %mul3A_502, %add3A_385 : vector<400x128xf32>
    %add3A_505 = arith.addf %mul3A_503, %mul3A_504 : vector<400x128xf32>
    %sub3A_506 = arith.constant 6.000000e-01 : f32
    %sub3A_507 = vector.broadcast %sub3A_506 : f32 to vector<400x128xf32>
    %sub3A_508 = arith.subf %add3A_12, %sub3A_507 : vector<400x128xf32>
    %mul3A_509 = arith.constant 0.833333313 : f32
    %mul3A_510 = vector.broadcast %mul3A_509 : f32 to vector<400x128xf32>
    %mul3A_511 = arith.mulf %sub3A_508, %mul3A_510 : vector<400x128xf32>
    %sub3A_512 = arith.constant 2.200000e+00 : f32
    %sub3A_513 = vector.broadcast %sub3A_512 : f32 to vector<400x128xf32>
    %sub3A_514 = arith.subf %sub3A_513, %add3A_12 : vector<400x128xf32>
    %mul3A_515 = arith.constant 0.833333313 : f32
    %mul3A_516 = vector.broadcast %mul3A_515 : f32 to vector<400x128xf32>
    %mul3A_517 = arith.mulf %sub3A_514, %mul3A_516 : vector<400x128xf32>
    %mul3A_518 = arith.mulf %mul3A_511, %add3A_385 : vector<400x128xf32>
    %mul3A_519 = arith.mulf %mul3A_517, %add3A_400 : vector<400x128xf32>
    %add3A_520 = arith.addf %mul3A_518, %mul3A_519 : vector<400x128xf32>
    %get3A_521 = arith.constant 0 : index
    %get3A_522 = arith.constant 0 : index
    %get3A_523 = arith.constant 0 : index
    %get3A_524 = vector.load %arg5[%get3A_521, %get3A_522, %get3A_523] : memref<8x128x64xf32, #tpu.memory_space<vmem>>, vector<1x128x64xf32>
    %get3A_525 = vector.shape_cast %get3A_524 : vector<1x128x64xf32> to vector<128x64xf32>
    %dot_general3A_526 = arith.constant dense<0.000000e+00> : vector<400x64xf32>
    %dot_general3A_527 = tpu.matmul %add3A_415, %get3A_525, %dot_general3A_526 {dimension_numbers = #tpu.dot_dimension_numbers<[1], [0], [0], [1], [0, 0, 1, 1], [], []>, transpose_lhs_hint = false} : vector<400x128xf32>, vector<128x64xf32>, vector<400x64xf32> -> vector<400x64xf32>
    %add3A_528 = arith.addf %dot_general3A_21, %dot_general3A_527 : vector<400x64xf32>
    %get3A_529 = arith.constant 1 : index
    %get3A_530 = arith.constant 0 : index
    %get3A_531 = arith.constant 0 : index
    %get3A_532 = vector.load %arg5[%get3A_529, %get3A_530, %get3A_531] : memref<8x128x64xf32, #tpu.memory_space<vmem>>, vector<1x128x64xf32>
    %get3A_533 = vector.shape_cast %get3A_532 : vector<1x128x64xf32> to vector<128x64xf32>
    %dot_general3A_534 = arith.constant dense<0.000000e+00> : vector<400x64xf32>
    %dot_general3A_535 = tpu.matmul %add3A_430, %get3A_533, %dot_general3A_534 {dimension_numbers = #tpu.dot_dimension_numbers<[1], [0], [0], [1], [0, 0, 1, 1], [], []>, transpose_lhs_hint = false} : vector<400x128xf32>, vector<128x64xf32>, vector<400x64xf32> -> vector<400x64xf32>
    %add3A_536 = arith.addf %add3A_528, %dot_general3A_535 : vector<400x64xf32>
    %get3A_537 = arith.constant 2 : index
    %get3A_538 = arith.constant 0 : index
    %get3A_539 = arith.constant 0 : index
    %get3A_540 = vector.load %arg5[%get3A_537, %get3A_538, %get3A_539] : memref<8x128x64xf32, #tpu.memory_space<vmem>>, vector<1x128x64xf32>
    %get3A_541 = vector.shape_cast %get3A_540 : vector<1x128x64xf32> to vector<128x64xf32>
    %dot_general3A_542 = arith.constant dense<0.000000e+00> : vector<400x64xf32>
    %dot_general3A_543 = tpu.matmul %add3A_445, %get3A_541, %dot_general3A_542 {dimension_numbers = #tpu.dot_dimension_numbers<[1], [0], [0], [1], [0, 0, 1, 1], [], []>, transpose_lhs_hint = false} : vector<400x128xf32>, vector<128x64xf32>, vector<400x64xf32> -> vector<400x64xf32>
    %add3A_544 = arith.addf %add3A_536, %dot_general3A_543 : vector<400x64xf32>
    %get3A_545 = arith.constant 3 : index
    %get3A_546 = arith.constant 0 : index
    %get3A_547 = arith.constant 0 : index
    %get3A_548 = vector.load %arg5[%get3A_545, %get3A_546, %get3A_547] : memref<8x128x64xf32, #tpu.memory_space<vmem>>, vector<1x128x64xf32>
    %get3A_549 = vector.shape_cast %get3A_548 : vector<1x128x64xf32> to vector<128x64xf32>
    %dot_general3A_550 = arith.constant dense<0.000000e+00> : vector<400x64xf32>
    %dot_general3A_551 = tpu.matmul %add3A_460, %get3A_549, %dot_general3A_550 {dimension_numbers = #tpu.dot_dimension_numbers<[1], [0], [0], [1], [0, 0, 1, 1], [], []>, transpose_lhs_hint = false} : vector<400x128xf32>, vector<128x64xf32>, vector<400x64xf32> -> vector<400x64xf32>
    %add3A_552 = arith.addf %add3A_544, %dot_general3A_551 : vector<400x64xf32>
    %get3A_553 = arith.constant 4 : index
    %get3A_554 = arith.constant 0 : index
    %get3A_555 = arith.constant 0 : index
    %get3A_556 = vector.load %arg5[%get3A_553, %get3A_554, %get3A_555] : memref<8x128x64xf32, #tpu.memory_space<vmem>>, vector<1x128x64xf32>
    %get3A_557 = vector.shape_cast %get3A_556 : vector<1x128x64xf32> to vector<128x64xf32>
    %dot_general3A_558 = arith.constant dense<0.000000e+00> : vector<400x64xf32>
    %dot_general3A_559 = tpu.matmul %add3A_475, %get3A_557, %dot_general3A_558 {dimension_numbers = #tpu.dot_dimension_numbers<[1], [0], [0], [1], [0, 0, 1, 1], [], []>, transpose_lhs_hint = false} : vector<400x128xf32>, vector<128x64xf32>, vector<400x64xf32> -> vector<400x64xf32>
    %add3A_560 = arith.addf %add3A_552, %dot_general3A_559 : vector<400x64xf32>
    %get3A_561 = arith.constant 5 : index
    %get3A_562 = arith.constant 0 : index
    %get3A_563 = arith.constant 0 : index
    %get3A_564 = vector.load %arg5[%get3A_561, %get3A_562, %get3A_563] : memref<8x128x64xf32, #tpu.memory_space<vmem>>, vector<1x128x64xf32>
    %get3A_565 = vector.shape_cast %get3A_564 : vector<1x128x64xf32> to vector<128x64xf32>
    %dot_general3A_566 = arith.constant dense<0.000000e+00> : vector<400x64xf32>
    %dot_general3A_567 = tpu.matmul %add3A_490, %get3A_565, %dot_general3A_566 {dimension_numbers = #tpu.dot_dimension_numbers<[1], [0], [0], [1], [0, 0, 1, 1], [], []>, transpose_lhs_hint = false} : vector<400x128xf32>, vector<128x64xf32>, vector<400x64xf32> -> vector<400x64xf32>
    %add3A_568 = arith.addf %add3A_560, %dot_general3A_567 : vector<400x64xf32>
    %get3A_569 = arith.constant 6 : index
    %get3A_570 = arith.constant 0 : index
    %get3A_571 = arith.constant 0 : index
    %get3A_572 = vector.load %arg5[%get3A_569, %get3A_570, %get3A_571] : memref<8x128x64xf32, #tpu.memory_space<vmem>>, vector<1x128x64xf32>
    %get3A_573 = vector.shape_cast %get3A_572 : vector<1x128x64xf32> to vector<128x64xf32>
    %dot_general3A_574 = arith.constant dense<0.000000e+00> : vector<400x64xf32>
    %dot_general3A_575 = tpu.matmul %add3A_505, %get3A_573, %dot_general3A_574 {dimension_numbers = #tpu.dot_dimension_numbers<[1], [0], [0], [1], [0, 0, 1, 1], [], []>, transpose_lhs_hint = false} : vector<400x128xf32>, vector<128x64xf32>, vector<400x64xf32> -> vector<400x64xf32>
    %add3A_576 = arith.addf %add3A_568, %dot_general3A_575 : vector<400x64xf32>
    %get3A_577 = arith.constant 7 : index
    %get3A_578 = arith.constant 0 : index
    %get3A_579 = arith.constant 0 : index
    %get3A_580 = vector.load %arg5[%get3A_577, %get3A_578, %get3A_579] : memref<8x128x64xf32, #tpu.memory_space<vmem>>, vector<1x128x64xf32>
    %get3A_581 = vector.shape_cast %get3A_580 : vector<1x128x64xf32> to vector<128x64xf32>
    %dot_general3A_582 = arith.constant dense<0.000000e+00> : vector<400x64xf32>
    %dot_general3A_583 = tpu.matmul %add3A_520, %get3A_581, %dot_general3A_582 {dimension_numbers = #tpu.dot_dimension_numbers<[1], [0], [0], [1], [0, 0, 1, 1], [], []>, transpose_lhs_hint = false} : vector<400x128xf32>, vector<128x64xf32>, vector<400x64xf32> -> vector<400x64xf32>
    %add3A_584 = arith.addf %add3A_576, %dot_general3A_583 : vector<400x64xf32>
    %broadcast_in_dim3A = arith.constant 0.000000e+00 : f32
    %broadcast_in_dim3A_585 = vector.broadcast %broadcast_in_dim3A : f32 to vector<400x64xf32>
    %concatenate3A = tpu.concatenate %add3A_584, %broadcast_in_dim3A_585 in 1 : vector<400x64xf32>, vector<400x64xf32> -> vector<400x128xf32>
    %swap3A = arith.constant 0 : index
    %swap3A_586 = arith.constant 0 : index
    %swap3A_587 = vector.load %arg6[%swap3A, %swap3A_586] : memref<400x128xf32, #tpu.memory_space<vmem>>, vector<400x128xf32>
    tpu.vector_store %arg6[%swap3A, %swap3A_586], %concatenate3A {strides = array<i32>} : memref<400x128xf32, #tpu.memory_space<vmem>>, vector<400x128xf32>,
    %reduce_sum3A = arith.constant dense<0.000000e+00> : vector<64xf32>
    %reduce_sum3A_588 = vector.multi_reduction <add>, %add3A_584, %reduce_sum3A [0] : vector<400x64xf32> to vector<64xf32>
    %broadcast_in_dim3A_589 = vector.shape_cast %reduce_sum3A_588 : vector<64xf32> to vector<1x64xf32>
    %mul3A_590 = arith.mulf %add3A_584, %add3A_584 : vector<400x64xf32>
    %reduce_sum3A_591 = arith.constant dense<0.000000e+00> : vector<64xf32>
    %reduce_sum3A_592 = vector.multi_reduction <add>, %mul3A_590, %reduce_sum3A_591 [0] : vector<400x64xf32> to vector<64xf32>
    %broadcast_in_dim3A_593 = vector.shape_cast %reduce_sum3A_592 : vector<64xf32> to vector<1x64xf32>
    %concatenate3A_594 = tpu.concatenate %broadcast_in_dim3A_589, %broadcast_in_dim3A_593 in 0 : vector<1x64xf32>, vector<1x64xf32> -> vector<2x64xf32>
    %eq3A = arith.constant 0 : i32
    %eq3A_595 = arith.cmpi eq, %arg0, %eq3A : i32
    %convert_element_type3A_596 = arith.extui %eq3A_595 : i1 to i32
    %cond3A = arith.constant 0 : i32
    %cond3A_597 = arith.cmpi ne, %convert_element_type3A_596, %cond3A : i32
    scf.if %cond3A_597 {
      %swap3A_602 = arith.constant 0 : index
      %swap3A_603 = arith.constant 0 : index
      %swap3A_604 = vector.load %arg7[%swap3A_602, %swap3A_603] : memref<2x64xf32, #tpu.memory_space<vmem>>, vector<2x64xf32>
      tpu.vector_store %arg7[%swap3A_602, %swap3A_603], %concatenate3A_594 {strides = array<i32>} : memref<2x64xf32, #tpu.memory_space<vmem>>, vector<2x64xf32>,
    } else {
    }
    %ne3A = arith.constant 0 : i32
    %ne3A_598 = arith.cmpi ne, %arg0, %ne3A : i32
    %convert_element_type3A_599 = arith.extui %ne3A_598 : i1 to i32
    %cond3A_600 = arith.constant 0 : i32
    %cond3A_601 = arith.cmpi ne, %convert_element_type3A_599, %cond3A_600 : i32
    scf.if %cond3A_601 {
      %get3A_602 = arith.constant 0 : index
      %get3A_603 = arith.constant 0 : index
      %get3A_604 = vector.load %arg7[%get3A_602, %get3A_603] : memref<2x64xf32, #tpu.memory_space<vmem>>, vector<2x64xf32>
      %add3A_605 = arith.addf %get3A_604, %concatenate3A_594 : vector<2x64xf32>
      %swap3A_606 = arith.constant 0 : index
      %swap3A_607 = arith.constant 0 : index
      %swap3A_608 = vector.load %arg7[%swap3A_606, %swap3A_607] : memref<2x64xf32, #tpu.memory_space<vmem>>, vector<2x64xf32>
      tpu.vector_store %arg7[%swap3A_606, %swap3A_607], %add3A_605 {strides = array<i32>} : memref<2x64xf32, #tpu.memory_space<vmem>>, vector<2x64xf32>,
    } else {
    }
    return
  }
  func.func @transform_0(%arg0: i32) -> (i32, i32) {
    %c0_i32 = arith.constant 0 : i32
    %c0_i32_0 = arith.constant 0 : i32
    return %arg0, %c0_i32 : i32, i32
  }
  func.func @transform_1(%arg0: i32) -> (i32, i32, i32) {
    %c0_i32 = arith.constant 0 : i32
    %c0_i32_0 = arith.constant 0 : i32
    %c0_i32_1 = arith.constant 0 : i32
    return %c0_i32, %arg0, %c0_i32_0 : i32, i32, i32
  }
  func.func @transform_2(%arg0: i32) -> (i32, i32, i32) {
    %c1_i32 = arith.constant 1 : i32
    %c0_i32 = arith.constant 0 : i32
    %c0_i32_0 = arith.constant 0 : i32
    return %c1_i32, %arg0, %c0_i32 : i32, i32, i32
  }
  func.func @transform_3(%arg0: i32) -> (i32, i32) {
    %c0_i32 = arith.constant 0 : i32
    %c0_i32_0 = arith.constant 0 : i32
    %c0_i32_1 = arith.constant 0 : i32
    return %c0_i32, %c0_i32_0 : i32, i32
  }
  func.func @transform_4(%arg0: i32) -> (i32, i32, i32) {
    %c0_i32 = arith.constant 0 : i32
    %c0_i32_0 = arith.constant 0 : i32
    %c0_i32_1 = arith.constant 0 : i32
    %c0_i32_2 = arith.constant 0 : i32
    return %c0_i32, %c0_i32_0, %c0_i32_1 : i32, i32, i32
  }
  func.func @transform_5(%arg0: i32) -> (i32, i32) {
    %c0_i32 = arith.constant 0 : i32
    %c0_i32_0 = arith.constant 0 : i32
    return %arg0, %c0_i32 : i32, i32
  }
  func.func @transform_6(%arg0: i32) -> (i32, i32) {
    %c0_i32 = arith.constant 0 : i32
    %c0_i32_0 = arith.constant 0 : i32
    %c0_i32_1 = arith.constant 0 : i32
    return %c0_i32, %c0_i32_0 : i32, i32
  }
}

module attributes {stable_mosaic.version = 14 : i64} {
  func.func @_layer2_body(%arg0: i32, %arg1: memref<400x128xf32, #tpu.memory_space<vmem>>, %arg2: memref<1x400x128xf32, #tpu.memory_space<vmem>>, %arg3: memref<1x400x128xf32, #tpu.memory_space<vmem>>, %arg4: memref<64x64xf32, #tpu.memory_space<vmem>>, %arg5: memref<8x64x64xf32, #tpu.memory_space<vmem>>, %arg6: memref<400x64xf32, #tpu.memory_space<vmem>>, %arg7: memref<2x64xf32, #tpu.memory_space<vmem>>) attributes {dimension_semantics = [#tpu.dimension_semantics<arbitrary>], iteration_bounds = array<i64: 25>, scalar_prefetch = 0 : i64, scratch_operands = 0 : i64, tpu.core_type = #tpu.core_type<tc>, window_params = [{transform_indices = @transform_0, window_bounds = array<i64: 400, 128>}, {transform_indices = @transform_1, window_bounds = array<i64: 1, 400, 128>}, {transform_indices = @transform_2, window_bounds = array<i64: 1, 400, 128>}, {pipeline_mode = #tpu.pipeline_mode<synchronous>, transform_indices = @transform_3, window_bounds = array<i64: 64, 64>}, {pipeline_mode = #tpu.pipeline_mode<synchronous>, transform_indices = @transform_4, window_bounds = array<i64: 8, 64, 64>}, {transform_indices = @transform_5, window_bounds = array<i64: 400, 64>}, {pipeline_mode = #tpu.pipeline_mode<synchronous>, transform_indices = @transform_6, window_bounds = array<i64: 2, 64>}]} {
    %get3A = arith.constant 0 : index
    %get3A_0 = arith.constant 0 : index
    %get3A_1 = vector.load %arg1[%get3A, %get3A_0] : memref<400x128xf32, #tpu.memory_space<vmem>>, vector<400x128xf32>
    %get3A_2 = arith.constant 0 : index
    %get3A_3 = arith.constant 0 : index
    %get3A_4 = arith.constant 0 : index
    %get3A_5 = vector.load %arg2[%get3A_2, %get3A_3, %get3A_4] : memref<1x400x128xf32, #tpu.memory_space<vmem>>, vector<1x400x128xf32>
    %get3A_6 = vector.shape_cast %get3A_5 : vector<1x400x128xf32> to vector<400x128xf32>
    %add3A = arith.addf %get3A_1, %get3A_6 : vector<400x128xf32>
    %get3A_7 = arith.constant 0 : index
    %get3A_8 = arith.constant 0 : index
    %get3A_9 = arith.constant 0 : index
    %get3A_10 = vector.load %arg3[%get3A_7, %get3A_8, %get3A_9] : memref<1x400x128xf32, #tpu.memory_space<vmem>>, vector<1x400x128xf32>
    %get3A_11 = vector.shape_cast %get3A_10 : vector<1x400x128xf32> to vector<400x128xf32>
    %add3A_12 = arith.addf %add3A, %get3A_11 : vector<400x128xf32>
    %slice3A = vector.extract_strided_slice %add3A_12 {offsets = [0, 0], sizes = [400, 64], strides = [1, 1]} : vector<400x128xf32> to vector<400x64xf32>
    %logistic3A = arith.negf %slice3A : vector<400x64xf32>
    %logistic3A_13 = math.exp %logistic3A : vector<400x64xf32>
    %logistic3A_14 = arith.constant 1.000000e+00 : f32
    %logistic3A_15 = vector.broadcast %logistic3A_14 : f32 to vector<400x64xf32>
    %logistic3A_16 = arith.addf %logistic3A_15, %logistic3A_13 : vector<400x64xf32>
    %logistic3A_17 = arith.divf %logistic3A_15, %logistic3A_16 : vector<400x64xf32>
    %mul3A = arith.mulf %slice3A, %logistic3A_17 : vector<400x64xf32>
    %get3A_18 = arith.constant 0 : index
    %get3A_19 = arith.constant 0 : index
    %get3A_20 = vector.load %arg4[%get3A_18, %get3A_19] : memref<64x64xf32, #tpu.memory_space<vmem>>, vector<64x64xf32>
    %dot_general3A = arith.constant dense<0.000000e+00> : vector<400x64xf32>
    %dot_general3A_21 = tpu.matmul %mul3A, %get3A_20, %dot_general3A {dimension_numbers = #tpu.dot_dimension_numbers<[1], [0], [0], [1], [0, 0, 1, 1], [], []>, transpose_lhs_hint = false} : vector<400x64xf32>, vector<64x64xf32>, vector<400x64xf32> -> vector<400x64xf32>
    %ge3A = arith.constant -2.200000e+00 : f32
    %ge3A_22 = vector.broadcast %ge3A : f32 to vector<400x64xf32>
    %ge3A_23 = arith.cmpf oge, %slice3A, %ge3A_22 : vector<400x64xf32>
    %lt3A = arith.constant -1.800000e+00 : f32
    %lt3A_24 = vector.broadcast %lt3A : f32 to vector<400x64xf32>
    %lt3A_25 = arith.cmpf olt, %slice3A, %lt3A_24 : vector<400x64xf32>
    %and3A = arith.andi %ge3A_23, %lt3A_25 : vector<400x64xi1>
    %convert_element_type3A = arith.extui %and3A : vector<400x64xi1> to vector<400x64xi32>
    %convert_element_type3A_26 = arith.sitofp %convert_element_type3A : vector<400x64xi32> to vector<400x64xf32>
    %ge3A_27 = arith.constant -1.800000e+00 : f32
    %ge3A_28 = vector.broadcast %ge3A_27 : f32 to vector<400x64xf32>
    %ge3A_29 = arith.cmpf oge, %slice3A, %ge3A_28 : vector<400x64xf32>
    %lt3A_30 = arith.constant -1.400000e+00 : f32
    %lt3A_31 = vector.broadcast %lt3A_30 : f32 to vector<400x64xf32>
    %lt3A_32 = arith.cmpf olt, %slice3A, %lt3A_31 : vector<400x64xf32>
    %and3A_33 = arith.andi %ge3A_29, %lt3A_32 : vector<400x64xi1>
    %convert_element_type3A_34 = arith.extui %and3A_33 : vector<400x64xi1> to vector<400x64xi32>
    %convert_element_type3A_35 = arith.sitofp %convert_element_type3A_34 : vector<400x64xi32> to vector<400x64xf32>
    %ge3A_36 = arith.constant -1.400000e+00 : f32
    %ge3A_37 = vector.broadcast %ge3A_36 : f32 to vector<400x64xf32>
    %ge3A_38 = arith.cmpf oge, %slice3A, %ge3A_37 : vector<400x64xf32>
    %lt3A_39 = arith.constant -1.000000e+00 : f32
    %lt3A_40 = vector.broadcast %lt3A_39 : f32 to vector<400x64xf32>
    %lt3A_41 = arith.cmpf olt, %slice3A, %lt3A_40 : vector<400x64xf32>
    %and3A_42 = arith.andi %ge3A_38, %lt3A_41 : vector<400x64xi1>
    %convert_element_type3A_43 = arith.extui %and3A_42 : vector<400x64xi1> to vector<400x64xi32>
    %convert_element_type3A_44 = arith.sitofp %convert_element_type3A_43 : vector<400x64xi32> to vector<400x64xf32>
    %ge3A_45 = arith.constant -1.000000e+00 : f32
    %ge3A_46 = vector.broadcast %ge3A_45 : f32 to vector<400x64xf32>
    %ge3A_47 = arith.cmpf oge, %slice3A, %ge3A_46 : vector<400x64xf32>
    %lt3A_48 = arith.constant -6.000000e-01 : f32
    %lt3A_49 = vector.broadcast %lt3A_48 : f32 to vector<400x64xf32>
    %lt3A_50 = arith.cmpf olt, %slice3A, %lt3A_49 : vector<400x64xf32>
    %and3A_51 = arith.andi %ge3A_47, %lt3A_50 : vector<400x64xi1>
    %convert_element_type3A_52 = arith.extui %and3A_51 : vector<400x64xi1> to vector<400x64xi32>
    %convert_element_type3A_53 = arith.sitofp %convert_element_type3A_52 : vector<400x64xi32> to vector<400x64xf32>
    %ge3A_54 = arith.constant -6.000000e-01 : f32
    %ge3A_55 = vector.broadcast %ge3A_54 : f32 to vector<400x64xf32>
    %ge3A_56 = arith.cmpf oge, %slice3A, %ge3A_55 : vector<400x64xf32>
    %lt3A_57 = arith.constant -2.000000e-01 : f32
    %lt3A_58 = vector.broadcast %lt3A_57 : f32 to vector<400x64xf32>
    %lt3A_59 = arith.cmpf olt, %slice3A, %lt3A_58 : vector<400x64xf32>
    %and3A_60 = arith.andi %ge3A_56, %lt3A_59 : vector<400x64xi1>
    %convert_element_type3A_61 = arith.extui %and3A_60 : vector<400x64xi1> to vector<400x64xi32>
    %convert_element_type3A_62 = arith.sitofp %convert_element_type3A_61 : vector<400x64xi32> to vector<400x64xf32>
    %ge3A_63 = arith.constant -2.000000e-01 : f32
    %ge3A_64 = vector.broadcast %ge3A_63 : f32 to vector<400x64xf32>
    %ge3A_65 = arith.cmpf oge, %slice3A, %ge3A_64 : vector<400x64xf32>
    %lt3A_66 = arith.constant 2.000000e-01 : f32
    %lt3A_67 = vector.broadcast %lt3A_66 : f32 to vector<400x64xf32>
    %lt3A_68 = arith.cmpf olt, %slice3A, %lt3A_67 : vector<400x64xf32>
    %and3A_69 = arith.andi %ge3A_65, %lt3A_68 : vector<400x64xi1>
    %convert_element_type3A_70 = arith.extui %and3A_69 : vector<400x64xi1> to vector<400x64xi32>
    %convert_element_type3A_71 = arith.sitofp %convert_element_type3A_70 : vector<400x64xi32> to vector<400x64xf32>
    %ge3A_72 = arith.constant 2.000000e-01 : f32
    %ge3A_73 = vector.broadcast %ge3A_72 : f32 to vector<400x64xf32>
    %ge3A_74 = arith.cmpf oge, %slice3A, %ge3A_73 : vector<400x64xf32>
    %lt3A_75 = arith.constant 6.000000e-01 : f32
    %lt3A_76 = vector.broadcast %lt3A_75 : f32 to vector<400x64xf32>
    %lt3A_77 = arith.cmpf olt, %slice3A, %lt3A_76 : vector<400x64xf32>
    %and3A_78 = arith.andi %ge3A_74, %lt3A_77 : vector<400x64xi1>
    %convert_element_type3A_79 = arith.extui %and3A_78 : vector<400x64xi1> to vector<400x64xi32>
    %convert_element_type3A_80 = arith.sitofp %convert_element_type3A_79 : vector<400x64xi32> to vector<400x64xf32>
    %ge3A_81 = arith.constant 6.000000e-01 : f32
    %ge3A_82 = vector.broadcast %ge3A_81 : f32 to vector<400x64xf32>
    %ge3A_83 = arith.cmpf oge, %slice3A, %ge3A_82 : vector<400x64xf32>
    %lt3A_84 = arith.constant 1.000000e+00 : f32
    %lt3A_85 = vector.broadcast %lt3A_84 : f32 to vector<400x64xf32>
    %lt3A_86 = arith.cmpf olt, %slice3A, %lt3A_85 : vector<400x64xf32>
    %and3A_87 = arith.andi %ge3A_83, %lt3A_86 : vector<400x64xi1>
    %convert_element_type3A_88 = arith.extui %and3A_87 : vector<400x64xi1> to vector<400x64xi32>
    %convert_element_type3A_89 = arith.sitofp %convert_element_type3A_88 : vector<400x64xi32> to vector<400x64xf32>
    %ge3A_90 = arith.constant 1.000000e+00 : f32
    %ge3A_91 = vector.broadcast %ge3A_90 : f32 to vector<400x64xf32>
    %ge3A_92 = arith.cmpf oge, %slice3A, %ge3A_91 : vector<400x64xf32>
    %lt3A_93 = arith.constant 1.400000e+00 : f32
    %lt3A_94 = vector.broadcast %lt3A_93 : f32 to vector<400x64xf32>
    %lt3A_95 = arith.cmpf olt, %slice3A, %lt3A_94 : vector<400x64xf32>
    %and3A_96 = arith.andi %ge3A_92, %lt3A_95 : vector<400x64xi1>
    %convert_element_type3A_97 = arith.extui %and3A_96 : vector<400x64xi1> to vector<400x64xi32>
    %convert_element_type3A_98 = arith.sitofp %convert_element_type3A_97 : vector<400x64xi32> to vector<400x64xf32>
    %ge3A_99 = arith.constant 1.400000e+00 : f32
    %ge3A_100 = vector.broadcast %ge3A_99 : f32 to vector<400x64xf32>
    %ge3A_101 = arith.cmpf oge, %slice3A, %ge3A_100 : vector<400x64xf32>
    %lt3A_102 = arith.constant 1.800000e+00 : f32
    %lt3A_103 = vector.broadcast %lt3A_102 : f32 to vector<400x64xf32>
    %lt3A_104 = arith.cmpf olt, %slice3A, %lt3A_103 : vector<400x64xf32>
    %and3A_105 = arith.andi %ge3A_101, %lt3A_104 : vector<400x64xi1>
    %convert_element_type3A_106 = arith.extui %and3A_105 : vector<400x64xi1> to vector<400x64xi32>
    %convert_element_type3A_107 = arith.sitofp %convert_element_type3A_106 : vector<400x64xi32> to vector<400x64xf32>
    %ge3A_108 = arith.constant 1.800000e+00 : f32
    %ge3A_109 = vector.broadcast %ge3A_108 : f32 to vector<400x64xf32>
    %ge3A_110 = arith.cmpf oge, %slice3A, %ge3A_109 : vector<400x64xf32>
    %lt3A_111 = arith.constant 2.200000e+00 : f32
    %lt3A_112 = vector.broadcast %lt3A_111 : f32 to vector<400x64xf32>
    %lt3A_113 = arith.cmpf olt, %slice3A, %lt3A_112 : vector<400x64xf32>
    %and3A_114 = arith.andi %ge3A_110, %lt3A_113 : vector<400x64xi1>
    %convert_element_type3A_115 = arith.extui %and3A_114 : vector<400x64xi1> to vector<400x64xi32>
    %convert_element_type3A_116 = arith.sitofp %convert_element_type3A_115 : vector<400x64xi32> to vector<400x64xf32>
    %sub3A = arith.constant -2.200000e+00 : f32
    %sub3A_117 = vector.broadcast %sub3A : f32 to vector<400x64xf32>
    %sub3A_118 = arith.subf %slice3A, %sub3A_117 : vector<400x64xf32>
    %mul3A_119 = arith.constant 2.500000e+00 : f32
    %mul3A_120 = vector.broadcast %mul3A_119 : f32 to vector<400x64xf32>
    %mul3A_121 = arith.mulf %sub3A_118, %mul3A_120 : vector<400x64xf32>
    %sub3A_122 = arith.constant -1.400000e+00 : f32
    %sub3A_123 = vector.broadcast %sub3A_122 : f32 to vector<400x64xf32>
    %sub3A_124 = arith.subf %sub3A_123, %slice3A : vector<400x64xf32>
    %mul3A_125 = arith.constant 2.500000e+00 : f32
    %mul3A_126 = vector.broadcast %mul3A_125 : f32 to vector<400x64xf32>
    %mul3A_127 = arith.mulf %sub3A_124, %mul3A_126 : vector<400x64xf32>
    %mul3A_128 = arith.mulf %mul3A_121, %convert_element_type3A_26 : vector<400x64xf32>
    %mul3A_129 = arith.mulf %mul3A_127, %convert_element_type3A_35 : vector<400x64xf32>
    %add3A_130 = arith.addf %mul3A_128, %mul3A_129 : vector<400x64xf32>
    %sub3A_131 = arith.constant -1.800000e+00 : f32
    %sub3A_132 = vector.broadcast %sub3A_131 : f32 to vector<400x64xf32>
    %sub3A_133 = arith.subf %slice3A, %sub3A_132 : vector<400x64xf32>
    %mul3A_134 = arith.constant 2.500000e+00 : f32
    %mul3A_135 = vector.broadcast %mul3A_134 : f32 to vector<400x64xf32>
    %mul3A_136 = arith.mulf %sub3A_133, %mul3A_135 : vector<400x64xf32>
    %sub3A_137 = arith.constant -1.000000e+00 : f32
    %sub3A_138 = vector.broadcast %sub3A_137 : f32 to vector<400x64xf32>
    %sub3A_139 = arith.subf %sub3A_138, %slice3A : vector<400x64xf32>
    %mul3A_140 = arith.constant 2.500000e+00 : f32
    %mul3A_141 = vector.broadcast %mul3A_140 : f32 to vector<400x64xf32>
    %mul3A_142 = arith.mulf %sub3A_139, %mul3A_141 : vector<400x64xf32>
    %mul3A_143 = arith.mulf %mul3A_136, %convert_element_type3A_35 : vector<400x64xf32>
    %mul3A_144 = arith.mulf %mul3A_142, %convert_element_type3A_44 : vector<400x64xf32>
    %add3A_145 = arith.addf %mul3A_143, %mul3A_144 : vector<400x64xf32>
    %sub3A_146 = arith.constant -1.400000e+00 : f32
    %sub3A_147 = vector.broadcast %sub3A_146 : f32 to vector<400x64xf32>
    %sub3A_148 = arith.subf %slice3A, %sub3A_147 : vector<400x64xf32>
    %mul3A_149 = arith.constant 2.500000e+00 : f32
    %mul3A_150 = vector.broadcast %mul3A_149 : f32 to vector<400x64xf32>
    %mul3A_151 = arith.mulf %sub3A_148, %mul3A_150 : vector<400x64xf32>
    %sub3A_152 = arith.constant -6.000000e-01 : f32
    %sub3A_153 = vector.broadcast %sub3A_152 : f32 to vector<400x64xf32>
    %sub3A_154 = arith.subf %sub3A_153, %slice3A : vector<400x64xf32>
    %mul3A_155 = arith.constant 2.500000e+00 : f32
    %mul3A_156 = vector.broadcast %mul3A_155 : f32 to vector<400x64xf32>
    %mul3A_157 = arith.mulf %sub3A_154, %mul3A_156 : vector<400x64xf32>
    %mul3A_158 = arith.mulf %mul3A_151, %convert_element_type3A_44 : vector<400x64xf32>
    %mul3A_159 = arith.mulf %mul3A_157, %convert_element_type3A_53 : vector<400x64xf32>
    %add3A_160 = arith.addf %mul3A_158, %mul3A_159 : vector<400x64xf32>
    %sub3A_161 = arith.constant -1.000000e+00 : f32
    %sub3A_162 = vector.broadcast %sub3A_161 : f32 to vector<400x64xf32>
    %sub3A_163 = arith.subf %slice3A, %sub3A_162 : vector<400x64xf32>
    %mul3A_164 = arith.constant 2.500000e+00 : f32
    %mul3A_165 = vector.broadcast %mul3A_164 : f32 to vector<400x64xf32>
    %mul3A_166 = arith.mulf %sub3A_163, %mul3A_165 : vector<400x64xf32>
    %sub3A_167 = arith.constant -2.000000e-01 : f32
    %sub3A_168 = vector.broadcast %sub3A_167 : f32 to vector<400x64xf32>
    %sub3A_169 = arith.subf %sub3A_168, %slice3A : vector<400x64xf32>
    %mul3A_170 = arith.constant 2.500000e+00 : f32
    %mul3A_171 = vector.broadcast %mul3A_170 : f32 to vector<400x64xf32>
    %mul3A_172 = arith.mulf %sub3A_169, %mul3A_171 : vector<400x64xf32>
    %mul3A_173 = arith.mulf %mul3A_166, %convert_element_type3A_53 : vector<400x64xf32>
    %mul3A_174 = arith.mulf %mul3A_172, %convert_element_type3A_62 : vector<400x64xf32>
    %add3A_175 = arith.addf %mul3A_173, %mul3A_174 : vector<400x64xf32>
    %sub3A_176 = arith.constant -6.000000e-01 : f32
    %sub3A_177 = vector.broadcast %sub3A_176 : f32 to vector<400x64xf32>
    %sub3A_178 = arith.subf %slice3A, %sub3A_177 : vector<400x64xf32>
    %mul3A_179 = arith.constant 2.500000e+00 : f32
    %mul3A_180 = vector.broadcast %mul3A_179 : f32 to vector<400x64xf32>
    %mul3A_181 = arith.mulf %sub3A_178, %mul3A_180 : vector<400x64xf32>
    %sub3A_182 = arith.constant 2.000000e-01 : f32
    %sub3A_183 = vector.broadcast %sub3A_182 : f32 to vector<400x64xf32>
    %sub3A_184 = arith.subf %sub3A_183, %slice3A : vector<400x64xf32>
    %mul3A_185 = arith.constant 2.500000e+00 : f32
    %mul3A_186 = vector.broadcast %mul3A_185 : f32 to vector<400x64xf32>
    %mul3A_187 = arith.mulf %sub3A_184, %mul3A_186 : vector<400x64xf32>
    %mul3A_188 = arith.mulf %mul3A_181, %convert_element_type3A_62 : vector<400x64xf32>
    %mul3A_189 = arith.mulf %mul3A_187, %convert_element_type3A_71 : vector<400x64xf32>
    %add3A_190 = arith.addf %mul3A_188, %mul3A_189 : vector<400x64xf32>
    %sub3A_191 = arith.constant -2.000000e-01 : f32
    %sub3A_192 = vector.broadcast %sub3A_191 : f32 to vector<400x64xf32>
    %sub3A_193 = arith.subf %slice3A, %sub3A_192 : vector<400x64xf32>
    %mul3A_194 = arith.constant 2.500000e+00 : f32
    %mul3A_195 = vector.broadcast %mul3A_194 : f32 to vector<400x64xf32>
    %mul3A_196 = arith.mulf %sub3A_193, %mul3A_195 : vector<400x64xf32>
    %sub3A_197 = arith.constant 6.000000e-01 : f32
    %sub3A_198 = vector.broadcast %sub3A_197 : f32 to vector<400x64xf32>
    %sub3A_199 = arith.subf %sub3A_198, %slice3A : vector<400x64xf32>
    %mul3A_200 = arith.constant 2.500000e+00 : f32
    %mul3A_201 = vector.broadcast %mul3A_200 : f32 to vector<400x64xf32>
    %mul3A_202 = arith.mulf %sub3A_199, %mul3A_201 : vector<400x64xf32>
    %mul3A_203 = arith.mulf %mul3A_196, %convert_element_type3A_71 : vector<400x64xf32>
    %mul3A_204 = arith.mulf %mul3A_202, %convert_element_type3A_80 : vector<400x64xf32>
    %add3A_205 = arith.addf %mul3A_203, %mul3A_204 : vector<400x64xf32>
    %sub3A_206 = arith.constant 2.000000e-01 : f32
    %sub3A_207 = vector.broadcast %sub3A_206 : f32 to vector<400x64xf32>
    %sub3A_208 = arith.subf %slice3A, %sub3A_207 : vector<400x64xf32>
    %mul3A_209 = arith.constant 2.500000e+00 : f32
    %mul3A_210 = vector.broadcast %mul3A_209 : f32 to vector<400x64xf32>
    %mul3A_211 = arith.mulf %sub3A_208, %mul3A_210 : vector<400x64xf32>
    %sub3A_212 = arith.constant 1.000000e+00 : f32
    %sub3A_213 = vector.broadcast %sub3A_212 : f32 to vector<400x64xf32>
    %sub3A_214 = arith.subf %sub3A_213, %slice3A : vector<400x64xf32>
    %mul3A_215 = arith.constant 2.500000e+00 : f32
    %mul3A_216 = vector.broadcast %mul3A_215 : f32 to vector<400x64xf32>
    %mul3A_217 = arith.mulf %sub3A_214, %mul3A_216 : vector<400x64xf32>
    %mul3A_218 = arith.mulf %mul3A_211, %convert_element_type3A_80 : vector<400x64xf32>
    %mul3A_219 = arith.mulf %mul3A_217, %convert_element_type3A_89 : vector<400x64xf32>
    %add3A_220 = arith.addf %mul3A_218, %mul3A_219 : vector<400x64xf32>
    %sub3A_221 = arith.constant 6.000000e-01 : f32
    %sub3A_222 = vector.broadcast %sub3A_221 : f32 to vector<400x64xf32>
    %sub3A_223 = arith.subf %slice3A, %sub3A_222 : vector<400x64xf32>
    %mul3A_224 = arith.constant 2.500000e+00 : f32
    %mul3A_225 = vector.broadcast %mul3A_224 : f32 to vector<400x64xf32>
    %mul3A_226 = arith.mulf %sub3A_223, %mul3A_225 : vector<400x64xf32>
    %sub3A_227 = arith.constant 1.400000e+00 : f32
    %sub3A_228 = vector.broadcast %sub3A_227 : f32 to vector<400x64xf32>
    %sub3A_229 = arith.subf %sub3A_228, %slice3A : vector<400x64xf32>
    %mul3A_230 = arith.constant 2.500000e+00 : f32
    %mul3A_231 = vector.broadcast %mul3A_230 : f32 to vector<400x64xf32>
    %mul3A_232 = arith.mulf %sub3A_229, %mul3A_231 : vector<400x64xf32>
    %mul3A_233 = arith.mulf %mul3A_226, %convert_element_type3A_89 : vector<400x64xf32>
    %mul3A_234 = arith.mulf %mul3A_232, %convert_element_type3A_98 : vector<400x64xf32>
    %add3A_235 = arith.addf %mul3A_233, %mul3A_234 : vector<400x64xf32>
    %sub3A_236 = arith.constant 1.000000e+00 : f32
    %sub3A_237 = vector.broadcast %sub3A_236 : f32 to vector<400x64xf32>
    %sub3A_238 = arith.subf %slice3A, %sub3A_237 : vector<400x64xf32>
    %mul3A_239 = arith.constant 2.500000e+00 : f32
    %mul3A_240 = vector.broadcast %mul3A_239 : f32 to vector<400x64xf32>
    %mul3A_241 = arith.mulf %sub3A_238, %mul3A_240 : vector<400x64xf32>
    %sub3A_242 = arith.constant 1.800000e+00 : f32
    %sub3A_243 = vector.broadcast %sub3A_242 : f32 to vector<400x64xf32>
    %sub3A_244 = arith.subf %sub3A_243, %slice3A : vector<400x64xf32>
    %mul3A_245 = arith.constant 2.500000e+00 : f32
    %mul3A_246 = vector.broadcast %mul3A_245 : f32 to vector<400x64xf32>
    %mul3A_247 = arith.mulf %sub3A_244, %mul3A_246 : vector<400x64xf32>
    %mul3A_248 = arith.mulf %mul3A_241, %convert_element_type3A_98 : vector<400x64xf32>
    %mul3A_249 = arith.mulf %mul3A_247, %convert_element_type3A_107 : vector<400x64xf32>
    %add3A_250 = arith.addf %mul3A_248, %mul3A_249 : vector<400x64xf32>
    %sub3A_251 = arith.constant 1.400000e+00 : f32
    %sub3A_252 = vector.broadcast %sub3A_251 : f32 to vector<400x64xf32>
    %sub3A_253 = arith.subf %slice3A, %sub3A_252 : vector<400x64xf32>
    %mul3A_254 = arith.constant 2.500000e+00 : f32
    %mul3A_255 = vector.broadcast %mul3A_254 : f32 to vector<400x64xf32>
    %mul3A_256 = arith.mulf %sub3A_253, %mul3A_255 : vector<400x64xf32>
    %sub3A_257 = arith.constant 2.200000e+00 : f32
    %sub3A_258 = vector.broadcast %sub3A_257 : f32 to vector<400x64xf32>
    %sub3A_259 = arith.subf %sub3A_258, %slice3A : vector<400x64xf32>
    %mul3A_260 = arith.constant 2.500000e+00 : f32
    %mul3A_261 = vector.broadcast %mul3A_260 : f32 to vector<400x64xf32>
    %mul3A_262 = arith.mulf %sub3A_259, %mul3A_261 : vector<400x64xf32>
    %mul3A_263 = arith.mulf %mul3A_256, %convert_element_type3A_107 : vector<400x64xf32>
    %mul3A_264 = arith.mulf %mul3A_262, %convert_element_type3A_116 : vector<400x64xf32>
    %add3A_265 = arith.addf %mul3A_263, %mul3A_264 : vector<400x64xf32>
    %sub3A_266 = arith.constant -2.200000e+00 : f32
    %sub3A_267 = vector.broadcast %sub3A_266 : f32 to vector<400x64xf32>
    %sub3A_268 = arith.subf %slice3A, %sub3A_267 : vector<400x64xf32>
    %mul3A_269 = arith.constant 1.250000e+00 : f32
    %mul3A_270 = vector.broadcast %mul3A_269 : f32 to vector<400x64xf32>
    %mul3A_271 = arith.mulf %sub3A_268, %mul3A_270 : vector<400x64xf32>
    %sub3A_272 = arith.constant -1.000000e+00 : f32
    %sub3A_273 = vector.broadcast %sub3A_272 : f32 to vector<400x64xf32>
    %sub3A_274 = arith.subf %sub3A_273, %slice3A : vector<400x64xf32>
    %mul3A_275 = arith.constant 1.250000e+00 : f32
    %mul3A_276 = vector.broadcast %mul3A_275 : f32 to vector<400x64xf32>
    %mul3A_277 = arith.mulf %sub3A_274, %mul3A_276 : vector<400x64xf32>
    %mul3A_278 = arith.mulf %mul3A_271, %add3A_130 : vector<400x64xf32>
    %mul3A_279 = arith.mulf %mul3A_277, %add3A_145 : vector<400x64xf32>
    %add3A_280 = arith.addf %mul3A_278, %mul3A_279 : vector<400x64xf32>
    %sub3A_281 = arith.constant -1.800000e+00 : f32
    %sub3A_282 = vector.broadcast %sub3A_281 : f32 to vector<400x64xf32>
    %sub3A_283 = arith.subf %slice3A, %sub3A_282 : vector<400x64xf32>
    %mul3A_284 = arith.constant 1.250000e+00 : f32
    %mul3A_285 = vector.broadcast %mul3A_284 : f32 to vector<400x64xf32>
    %mul3A_286 = arith.mulf %sub3A_283, %mul3A_285 : vector<400x64xf32>
    %sub3A_287 = arith.constant -6.000000e-01 : f32
    %sub3A_288 = vector.broadcast %sub3A_287 : f32 to vector<400x64xf32>
    %sub3A_289 = arith.subf %sub3A_288, %slice3A : vector<400x64xf32>
    %mul3A_290 = arith.constant 1.250000e+00 : f32
    %mul3A_291 = vector.broadcast %mul3A_290 : f32 to vector<400x64xf32>
    %mul3A_292 = arith.mulf %sub3A_289, %mul3A_291 : vector<400x64xf32>
    %mul3A_293 = arith.mulf %mul3A_286, %add3A_145 : vector<400x64xf32>
    %mul3A_294 = arith.mulf %mul3A_292, %add3A_160 : vector<400x64xf32>
    %add3A_295 = arith.addf %mul3A_293, %mul3A_294 : vector<400x64xf32>
    %sub3A_296 = arith.constant -1.400000e+00 : f32
    %sub3A_297 = vector.broadcast %sub3A_296 : f32 to vector<400x64xf32>
    %sub3A_298 = arith.subf %slice3A, %sub3A_297 : vector<400x64xf32>
    %mul3A_299 = arith.constant 1.250000e+00 : f32
    %mul3A_300 = vector.broadcast %mul3A_299 : f32 to vector<400x64xf32>
    %mul3A_301 = arith.mulf %sub3A_298, %mul3A_300 : vector<400x64xf32>
    %sub3A_302 = arith.constant -2.000000e-01 : f32
    %sub3A_303 = vector.broadcast %sub3A_302 : f32 to vector<400x64xf32>
    %sub3A_304 = arith.subf %sub3A_303, %slice3A : vector<400x64xf32>
    %mul3A_305 = arith.constant 1.250000e+00 : f32
    %mul3A_306 = vector.broadcast %mul3A_305 : f32 to vector<400x64xf32>
    %mul3A_307 = arith.mulf %sub3A_304, %mul3A_306 : vector<400x64xf32>
    %mul3A_308 = arith.mulf %mul3A_301, %add3A_160 : vector<400x64xf32>
    %mul3A_309 = arith.mulf %mul3A_307, %add3A_175 : vector<400x64xf32>
    %add3A_310 = arith.addf %mul3A_308, %mul3A_309 : vector<400x64xf32>
    %sub3A_311 = arith.constant -1.000000e+00 : f32
    %sub3A_312 = vector.broadcast %sub3A_311 : f32 to vector<400x64xf32>
    %sub3A_313 = arith.subf %slice3A, %sub3A_312 : vector<400x64xf32>
    %mul3A_314 = arith.constant 1.250000e+00 : f32
    %mul3A_315 = vector.broadcast %mul3A_314 : f32 to vector<400x64xf32>
    %mul3A_316 = arith.mulf %sub3A_313, %mul3A_315 : vector<400x64xf32>
    %sub3A_317 = arith.constant 2.000000e-01 : f32
    %sub3A_318 = vector.broadcast %sub3A_317 : f32 to vector<400x64xf32>
    %sub3A_319 = arith.subf %sub3A_318, %slice3A : vector<400x64xf32>
    %mul3A_320 = arith.constant 1.250000e+00 : f32
    %mul3A_321 = vector.broadcast %mul3A_320 : f32 to vector<400x64xf32>
    %mul3A_322 = arith.mulf %sub3A_319, %mul3A_321 : vector<400x64xf32>
    %mul3A_323 = arith.mulf %mul3A_316, %add3A_175 : vector<400x64xf32>
    %mul3A_324 = arith.mulf %mul3A_322, %add3A_190 : vector<400x64xf32>
    %add3A_325 = arith.addf %mul3A_323, %mul3A_324 : vector<400x64xf32>
    %sub3A_326 = arith.constant -6.000000e-01 : f32
    %sub3A_327 = vector.broadcast %sub3A_326 : f32 to vector<400x64xf32>
    %sub3A_328 = arith.subf %slice3A, %sub3A_327 : vector<400x64xf32>
    %mul3A_329 = arith.constant 1.250000e+00 : f32
    %mul3A_330 = vector.broadcast %mul3A_329 : f32 to vector<400x64xf32>
    %mul3A_331 = arith.mulf %sub3A_328, %mul3A_330 : vector<400x64xf32>
    %sub3A_332 = arith.constant 6.000000e-01 : f32
    %sub3A_333 = vector.broadcast %sub3A_332 : f32 to vector<400x64xf32>
    %sub3A_334 = arith.subf %sub3A_333, %slice3A : vector<400x64xf32>
    %mul3A_335 = arith.constant 1.250000e+00 : f32
    %mul3A_336 = vector.broadcast %mul3A_335 : f32 to vector<400x64xf32>
    %mul3A_337 = arith.mulf %sub3A_334, %mul3A_336 : vector<400x64xf32>
    %mul3A_338 = arith.mulf %mul3A_331, %add3A_190 : vector<400x64xf32>
    %mul3A_339 = arith.mulf %mul3A_337, %add3A_205 : vector<400x64xf32>
    %add3A_340 = arith.addf %mul3A_338, %mul3A_339 : vector<400x64xf32>
    %sub3A_341 = arith.constant -2.000000e-01 : f32
    %sub3A_342 = vector.broadcast %sub3A_341 : f32 to vector<400x64xf32>
    %sub3A_343 = arith.subf %slice3A, %sub3A_342 : vector<400x64xf32>
    %mul3A_344 = arith.constant 1.250000e+00 : f32
    %mul3A_345 = vector.broadcast %mul3A_344 : f32 to vector<400x64xf32>
    %mul3A_346 = arith.mulf %sub3A_343, %mul3A_345 : vector<400x64xf32>
    %sub3A_347 = arith.constant 1.000000e+00 : f32
    %sub3A_348 = vector.broadcast %sub3A_347 : f32 to vector<400x64xf32>
    %sub3A_349 = arith.subf %sub3A_348, %slice3A : vector<400x64xf32>
    %mul3A_350 = arith.constant 1.250000e+00 : f32
    %mul3A_351 = vector.broadcast %mul3A_350 : f32 to vector<400x64xf32>
    %mul3A_352 = arith.mulf %sub3A_349, %mul3A_351 : vector<400x64xf32>
    %mul3A_353 = arith.mulf %mul3A_346, %add3A_205 : vector<400x64xf32>
    %mul3A_354 = arith.mulf %mul3A_352, %add3A_220 : vector<400x64xf32>
    %add3A_355 = arith.addf %mul3A_353, %mul3A_354 : vector<400x64xf32>
    %sub3A_356 = arith.constant 2.000000e-01 : f32
    %sub3A_357 = vector.broadcast %sub3A_356 : f32 to vector<400x64xf32>
    %sub3A_358 = arith.subf %slice3A, %sub3A_357 : vector<400x64xf32>
    %mul3A_359 = arith.constant 1.250000e+00 : f32
    %mul3A_360 = vector.broadcast %mul3A_359 : f32 to vector<400x64xf32>
    %mul3A_361 = arith.mulf %sub3A_358, %mul3A_360 : vector<400x64xf32>
    %sub3A_362 = arith.constant 1.400000e+00 : f32
    %sub3A_363 = vector.broadcast %sub3A_362 : f32 to vector<400x64xf32>
    %sub3A_364 = arith.subf %sub3A_363, %slice3A : vector<400x64xf32>
    %mul3A_365 = arith.constant 1.250000e+00 : f32
    %mul3A_366 = vector.broadcast %mul3A_365 : f32 to vector<400x64xf32>
    %mul3A_367 = arith.mulf %sub3A_364, %mul3A_366 : vector<400x64xf32>
    %mul3A_368 = arith.mulf %mul3A_361, %add3A_220 : vector<400x64xf32>
    %mul3A_369 = arith.mulf %mul3A_367, %add3A_235 : vector<400x64xf32>
    %add3A_370 = arith.addf %mul3A_368, %mul3A_369 : vector<400x64xf32>
    %sub3A_371 = arith.constant 6.000000e-01 : f32
    %sub3A_372 = vector.broadcast %sub3A_371 : f32 to vector<400x64xf32>
    %sub3A_373 = arith.subf %slice3A, %sub3A_372 : vector<400x64xf32>
    %mul3A_374 = arith.constant 1.250000e+00 : f32
    %mul3A_375 = vector.broadcast %mul3A_374 : f32 to vector<400x64xf32>
    %mul3A_376 = arith.mulf %sub3A_373, %mul3A_375 : vector<400x64xf32>
    %sub3A_377 = arith.constant 1.800000e+00 : f32
    %sub3A_378 = vector.broadcast %sub3A_377 : f32 to vector<400x64xf32>
    %sub3A_379 = arith.subf %sub3A_378, %slice3A : vector<400x64xf32>
    %mul3A_380 = arith.constant 1.250000e+00 : f32
    %mul3A_381 = vector.broadcast %mul3A_380 : f32 to vector<400x64xf32>
    %mul3A_382 = arith.mulf %sub3A_379, %mul3A_381 : vector<400x64xf32>
    %mul3A_383 = arith.mulf %mul3A_376, %add3A_235 : vector<400x64xf32>
    %mul3A_384 = arith.mulf %mul3A_382, %add3A_250 : vector<400x64xf32>
    %add3A_385 = arith.addf %mul3A_383, %mul3A_384 : vector<400x64xf32>
    %sub3A_386 = arith.constant 1.000000e+00 : f32
    %sub3A_387 = vector.broadcast %sub3A_386 : f32 to vector<400x64xf32>
    %sub3A_388 = arith.subf %slice3A, %sub3A_387 : vector<400x64xf32>
    %mul3A_389 = arith.constant 1.250000e+00 : f32
    %mul3A_390 = vector.broadcast %mul3A_389 : f32 to vector<400x64xf32>
    %mul3A_391 = arith.mulf %sub3A_388, %mul3A_390 : vector<400x64xf32>
    %sub3A_392 = arith.constant 2.200000e+00 : f32
    %sub3A_393 = vector.broadcast %sub3A_392 : f32 to vector<400x64xf32>
    %sub3A_394 = arith.subf %sub3A_393, %slice3A : vector<400x64xf32>
    %mul3A_395 = arith.constant 1.250000e+00 : f32
    %mul3A_396 = vector.broadcast %mul3A_395 : f32 to vector<400x64xf32>
    %mul3A_397 = arith.mulf %sub3A_394, %mul3A_396 : vector<400x64xf32>
    %mul3A_398 = arith.mulf %mul3A_391, %add3A_250 : vector<400x64xf32>
    %mul3A_399 = arith.mulf %mul3A_397, %add3A_265 : vector<400x64xf32>
    %add3A_400 = arith.addf %mul3A_398, %mul3A_399 : vector<400x64xf32>
    %sub3A_401 = arith.constant -2.200000e+00 : f32
    %sub3A_402 = vector.broadcast %sub3A_401 : f32 to vector<400x64xf32>
    %sub3A_403 = arith.subf %slice3A, %sub3A_402 : vector<400x64xf32>
    %mul3A_404 = arith.constant 0.833333313 : f32
    %mul3A_405 = vector.broadcast %mul3A_404 : f32 to vector<400x64xf32>
    %mul3A_406 = arith.mulf %sub3A_403, %mul3A_405 : vector<400x64xf32>
    %sub3A_407 = arith.constant -6.000000e-01 : f32
    %sub3A_408 = vector.broadcast %sub3A_407 : f32 to vector<400x64xf32>
    %sub3A_409 = arith.subf %sub3A_408, %slice3A : vector<400x64xf32>
    %mul3A_410 = arith.constant 0.833333313 : f32
    %mul3A_411 = vector.broadcast %mul3A_410 : f32 to vector<400x64xf32>
    %mul3A_412 = arith.mulf %sub3A_409, %mul3A_411 : vector<400x64xf32>
    %mul3A_413 = arith.mulf %mul3A_406, %add3A_280 : vector<400x64xf32>
    %mul3A_414 = arith.mulf %mul3A_412, %add3A_295 : vector<400x64xf32>
    %add3A_415 = arith.addf %mul3A_413, %mul3A_414 : vector<400x64xf32>
    %sub3A_416 = arith.constant -1.800000e+00 : f32
    %sub3A_417 = vector.broadcast %sub3A_416 : f32 to vector<400x64xf32>
    %sub3A_418 = arith.subf %slice3A, %sub3A_417 : vector<400x64xf32>
    %mul3A_419 = arith.constant 0.833333313 : f32
    %mul3A_420 = vector.broadcast %mul3A_419 : f32 to vector<400x64xf32>
    %mul3A_421 = arith.mulf %sub3A_418, %mul3A_420 : vector<400x64xf32>
    %sub3A_422 = arith.constant -2.000000e-01 : f32
    %sub3A_423 = vector.broadcast %sub3A_422 : f32 to vector<400x64xf32>
    %sub3A_424 = arith.subf %sub3A_423, %slice3A : vector<400x64xf32>
    %mul3A_425 = arith.constant 0.833333313 : f32
    %mul3A_426 = vector.broadcast %mul3A_425 : f32 to vector<400x64xf32>
    %mul3A_427 = arith.mulf %sub3A_424, %mul3A_426 : vector<400x64xf32>
    %mul3A_428 = arith.mulf %mul3A_421, %add3A_295 : vector<400x64xf32>
    %mul3A_429 = arith.mulf %mul3A_427, %add3A_310 : vector<400x64xf32>
    %add3A_430 = arith.addf %mul3A_428, %mul3A_429 : vector<400x64xf32>
    %sub3A_431 = arith.constant -1.400000e+00 : f32
    %sub3A_432 = vector.broadcast %sub3A_431 : f32 to vector<400x64xf32>
    %sub3A_433 = arith.subf %slice3A, %sub3A_432 : vector<400x64xf32>
    %mul3A_434 = arith.constant 0.833333313 : f32
    %mul3A_435 = vector.broadcast %mul3A_434 : f32 to vector<400x64xf32>
    %mul3A_436 = arith.mulf %sub3A_433, %mul3A_435 : vector<400x64xf32>
    %sub3A_437 = arith.constant 2.000000e-01 : f32
    %sub3A_438 = vector.broadcast %sub3A_437 : f32 to vector<400x64xf32>
    %sub3A_439 = arith.subf %sub3A_438, %slice3A : vector<400x64xf32>
    %mul3A_440 = arith.constant 0.833333313 : f32
    %mul3A_441 = vector.broadcast %mul3A_440 : f32 to vector<400x64xf32>
    %mul3A_442 = arith.mulf %sub3A_439, %mul3A_441 : vector<400x64xf32>
    %mul3A_443 = arith.mulf %mul3A_436, %add3A_310 : vector<400x64xf32>
    %mul3A_444 = arith.mulf %mul3A_442, %add3A_325 : vector<400x64xf32>
    %add3A_445 = arith.addf %mul3A_443, %mul3A_444 : vector<400x64xf32>
    %sub3A_446 = arith.constant -1.000000e+00 : f32
    %sub3A_447 = vector.broadcast %sub3A_446 : f32 to vector<400x64xf32>
    %sub3A_448 = arith.subf %slice3A, %sub3A_447 : vector<400x64xf32>
    %mul3A_449 = arith.constant 0.833333313 : f32
    %mul3A_450 = vector.broadcast %mul3A_449 : f32 to vector<400x64xf32>
    %mul3A_451 = arith.mulf %sub3A_448, %mul3A_450 : vector<400x64xf32>
    %sub3A_452 = arith.constant 6.000000e-01 : f32
    %sub3A_453 = vector.broadcast %sub3A_452 : f32 to vector<400x64xf32>
    %sub3A_454 = arith.subf %sub3A_453, %slice3A : vector<400x64xf32>
    %mul3A_455 = arith.constant 0.833333313 : f32
    %mul3A_456 = vector.broadcast %mul3A_455 : f32 to vector<400x64xf32>
    %mul3A_457 = arith.mulf %sub3A_454, %mul3A_456 : vector<400x64xf32>
    %mul3A_458 = arith.mulf %mul3A_451, %add3A_325 : vector<400x64xf32>
    %mul3A_459 = arith.mulf %mul3A_457, %add3A_340 : vector<400x64xf32>
    %add3A_460 = arith.addf %mul3A_458, %mul3A_459 : vector<400x64xf32>
    %sub3A_461 = arith.constant -6.000000e-01 : f32
    %sub3A_462 = vector.broadcast %sub3A_461 : f32 to vector<400x64xf32>
    %sub3A_463 = arith.subf %slice3A, %sub3A_462 : vector<400x64xf32>
    %mul3A_464 = arith.constant 0.833333313 : f32
    %mul3A_465 = vector.broadcast %mul3A_464 : f32 to vector<400x64xf32>
    %mul3A_466 = arith.mulf %sub3A_463, %mul3A_465 : vector<400x64xf32>
    %sub3A_467 = arith.constant 1.000000e+00 : f32
    %sub3A_468 = vector.broadcast %sub3A_467 : f32 to vector<400x64xf32>
    %sub3A_469 = arith.subf %sub3A_468, %slice3A : vector<400x64xf32>
    %mul3A_470 = arith.constant 0.833333313 : f32
    %mul3A_471 = vector.broadcast %mul3A_470 : f32 to vector<400x64xf32>
    %mul3A_472 = arith.mulf %sub3A_469, %mul3A_471 : vector<400x64xf32>
    %mul3A_473 = arith.mulf %mul3A_466, %add3A_340 : vector<400x64xf32>
    %mul3A_474 = arith.mulf %mul3A_472, %add3A_355 : vector<400x64xf32>
    %add3A_475 = arith.addf %mul3A_473, %mul3A_474 : vector<400x64xf32>
    %sub3A_476 = arith.constant -2.000000e-01 : f32
    %sub3A_477 = vector.broadcast %sub3A_476 : f32 to vector<400x64xf32>
    %sub3A_478 = arith.subf %slice3A, %sub3A_477 : vector<400x64xf32>
    %mul3A_479 = arith.constant 0.833333313 : f32
    %mul3A_480 = vector.broadcast %mul3A_479 : f32 to vector<400x64xf32>
    %mul3A_481 = arith.mulf %sub3A_478, %mul3A_480 : vector<400x64xf32>
    %sub3A_482 = arith.constant 1.400000e+00 : f32
    %sub3A_483 = vector.broadcast %sub3A_482 : f32 to vector<400x64xf32>
    %sub3A_484 = arith.subf %sub3A_483, %slice3A : vector<400x64xf32>
    %mul3A_485 = arith.constant 0.833333313 : f32
    %mul3A_486 = vector.broadcast %mul3A_485 : f32 to vector<400x64xf32>
    %mul3A_487 = arith.mulf %sub3A_484, %mul3A_486 : vector<400x64xf32>
    %mul3A_488 = arith.mulf %mul3A_481, %add3A_355 : vector<400x64xf32>
    %mul3A_489 = arith.mulf %mul3A_487, %add3A_370 : vector<400x64xf32>
    %add3A_490 = arith.addf %mul3A_488, %mul3A_489 : vector<400x64xf32>
    %sub3A_491 = arith.constant 2.000000e-01 : f32
    %sub3A_492 = vector.broadcast %sub3A_491 : f32 to vector<400x64xf32>
    %sub3A_493 = arith.subf %slice3A, %sub3A_492 : vector<400x64xf32>
    %mul3A_494 = arith.constant 0.833333313 : f32
    %mul3A_495 = vector.broadcast %mul3A_494 : f32 to vector<400x64xf32>
    %mul3A_496 = arith.mulf %sub3A_493, %mul3A_495 : vector<400x64xf32>
    %sub3A_497 = arith.constant 1.800000e+00 : f32
    %sub3A_498 = vector.broadcast %sub3A_497 : f32 to vector<400x64xf32>
    %sub3A_499 = arith.subf %sub3A_498, %slice3A : vector<400x64xf32>
    %mul3A_500 = arith.constant 0.833333313 : f32
    %mul3A_501 = vector.broadcast %mul3A_500 : f32 to vector<400x64xf32>
    %mul3A_502 = arith.mulf %sub3A_499, %mul3A_501 : vector<400x64xf32>
    %mul3A_503 = arith.mulf %mul3A_496, %add3A_370 : vector<400x64xf32>
    %mul3A_504 = arith.mulf %mul3A_502, %add3A_385 : vector<400x64xf32>
    %add3A_505 = arith.addf %mul3A_503, %mul3A_504 : vector<400x64xf32>
    %sub3A_506 = arith.constant 6.000000e-01 : f32
    %sub3A_507 = vector.broadcast %sub3A_506 : f32 to vector<400x64xf32>
    %sub3A_508 = arith.subf %slice3A, %sub3A_507 : vector<400x64xf32>
    %mul3A_509 = arith.constant 0.833333313 : f32
    %mul3A_510 = vector.broadcast %mul3A_509 : f32 to vector<400x64xf32>
    %mul3A_511 = arith.mulf %sub3A_508, %mul3A_510 : vector<400x64xf32>
    %sub3A_512 = arith.constant 2.200000e+00 : f32
    %sub3A_513 = vector.broadcast %sub3A_512 : f32 to vector<400x64xf32>
    %sub3A_514 = arith.subf %sub3A_513, %slice3A : vector<400x64xf32>
    %mul3A_515 = arith.constant 0.833333313 : f32
    %mul3A_516 = vector.broadcast %mul3A_515 : f32 to vector<400x64xf32>
    %mul3A_517 = arith.mulf %sub3A_514, %mul3A_516 : vector<400x64xf32>
    %mul3A_518 = arith.mulf %mul3A_511, %add3A_385 : vector<400x64xf32>
    %mul3A_519 = arith.mulf %mul3A_517, %add3A_400 : vector<400x64xf32>
    %add3A_520 = arith.addf %mul3A_518, %mul3A_519 : vector<400x64xf32>
    %get3A_521 = arith.constant 0 : index
    %get3A_522 = arith.constant 0 : index
    %get3A_523 = arith.constant 0 : index
    %get3A_524 = vector.load %arg5[%get3A_521, %get3A_522, %get3A_523] : memref<8x64x64xf32, #tpu.memory_space<vmem>>, vector<1x64x64xf32>
    %get3A_525 = vector.shape_cast %get3A_524 : vector<1x64x64xf32> to vector<64x64xf32>
    %dot_general3A_526 = arith.constant dense<0.000000e+00> : vector<400x64xf32>
    %dot_general3A_527 = tpu.matmul %add3A_415, %get3A_525, %dot_general3A_526 {dimension_numbers = #tpu.dot_dimension_numbers<[1], [0], [0], [1], [0, 0, 1, 1], [], []>, transpose_lhs_hint = false} : vector<400x64xf32>, vector<64x64xf32>, vector<400x64xf32> -> vector<400x64xf32>
    %add3A_528 = arith.addf %dot_general3A_21, %dot_general3A_527 : vector<400x64xf32>
    %get3A_529 = arith.constant 1 : index
    %get3A_530 = arith.constant 0 : index
    %get3A_531 = arith.constant 0 : index
    %get3A_532 = vector.load %arg5[%get3A_529, %get3A_530, %get3A_531] : memref<8x64x64xf32, #tpu.memory_space<vmem>>, vector<1x64x64xf32>
    %get3A_533 = vector.shape_cast %get3A_532 : vector<1x64x64xf32> to vector<64x64xf32>
    %dot_general3A_534 = arith.constant dense<0.000000e+00> : vector<400x64xf32>
    %dot_general3A_535 = tpu.matmul %add3A_430, %get3A_533, %dot_general3A_534 {dimension_numbers = #tpu.dot_dimension_numbers<[1], [0], [0], [1], [0, 0, 1, 1], [], []>, transpose_lhs_hint = false} : vector<400x64xf32>, vector<64x64xf32>, vector<400x64xf32> -> vector<400x64xf32>
    %add3A_536 = arith.addf %add3A_528, %dot_general3A_535 : vector<400x64xf32>
    %get3A_537 = arith.constant 2 : index
    %get3A_538 = arith.constant 0 : index
    %get3A_539 = arith.constant 0 : index
    %get3A_540 = vector.load %arg5[%get3A_537, %get3A_538, %get3A_539] : memref<8x64x64xf32, #tpu.memory_space<vmem>>, vector<1x64x64xf32>
    %get3A_541 = vector.shape_cast %get3A_540 : vector<1x64x64xf32> to vector<64x64xf32>
    %dot_general3A_542 = arith.constant dense<0.000000e+00> : vector<400x64xf32>
    %dot_general3A_543 = tpu.matmul %add3A_445, %get3A_541, %dot_general3A_542 {dimension_numbers = #tpu.dot_dimension_numbers<[1], [0], [0], [1], [0, 0, 1, 1], [], []>, transpose_lhs_hint = false} : vector<400x64xf32>, vector<64x64xf32>, vector<400x64xf32> -> vector<400x64xf32>
    %add3A_544 = arith.addf %add3A_536, %dot_general3A_543 : vector<400x64xf32>
    %get3A_545 = arith.constant 3 : index
    %get3A_546 = arith.constant 0 : index
    %get3A_547 = arith.constant 0 : index
    %get3A_548 = vector.load %arg5[%get3A_545, %get3A_546, %get3A_547] : memref<8x64x64xf32, #tpu.memory_space<vmem>>, vector<1x64x64xf32>
    %get3A_549 = vector.shape_cast %get3A_548 : vector<1x64x64xf32> to vector<64x64xf32>
    %dot_general3A_550 = arith.constant dense<0.000000e+00> : vector<400x64xf32>
    %dot_general3A_551 = tpu.matmul %add3A_460, %get3A_549, %dot_general3A_550 {dimension_numbers = #tpu.dot_dimension_numbers<[1], [0], [0], [1], [0, 0, 1, 1], [], []>, transpose_lhs_hint = false} : vector<400x64xf32>, vector<64x64xf32>, vector<400x64xf32> -> vector<400x64xf32>
    %add3A_552 = arith.addf %add3A_544, %dot_general3A_551 : vector<400x64xf32>
    %get3A_553 = arith.constant 4 : index
    %get3A_554 = arith.constant 0 : index
    %get3A_555 = arith.constant 0 : index
    %get3A_556 = vector.load %arg5[%get3A_553, %get3A_554, %get3A_555] : memref<8x64x64xf32, #tpu.memory_space<vmem>>, vector<1x64x64xf32>
    %get3A_557 = vector.shape_cast %get3A_556 : vector<1x64x64xf32> to vector<64x64xf32>
    %dot_general3A_558 = arith.constant dense<0.000000e+00> : vector<400x64xf32>
    %dot_general3A_559 = tpu.matmul %add3A_475, %get3A_557, %dot_general3A_558 {dimension_numbers = #tpu.dot_dimension_numbers<[1], [0], [0], [1], [0, 0, 1, 1], [], []>, transpose_lhs_hint = false} : vector<400x64xf32>, vector<64x64xf32>, vector<400x64xf32> -> vector<400x64xf32>
    %add3A_560 = arith.addf %add3A_552, %dot_general3A_559 : vector<400x64xf32>
    %get3A_561 = arith.constant 5 : index
    %get3A_562 = arith.constant 0 : index
    %get3A_563 = arith.constant 0 : index
    %get3A_564 = vector.load %arg5[%get3A_561, %get3A_562, %get3A_563] : memref<8x64x64xf32, #tpu.memory_space<vmem>>, vector<1x64x64xf32>
    %get3A_565 = vector.shape_cast %get3A_564 : vector<1x64x64xf32> to vector<64x64xf32>
    %dot_general3A_566 = arith.constant dense<0.000000e+00> : vector<400x64xf32>
    %dot_general3A_567 = tpu.matmul %add3A_490, %get3A_565, %dot_general3A_566 {dimension_numbers = #tpu.dot_dimension_numbers<[1], [0], [0], [1], [0, 0, 1, 1], [], []>, transpose_lhs_hint = false} : vector<400x64xf32>, vector<64x64xf32>, vector<400x64xf32> -> vector<400x64xf32>
    %add3A_568 = arith.addf %add3A_560, %dot_general3A_567 : vector<400x64xf32>
    %get3A_569 = arith.constant 6 : index
    %get3A_570 = arith.constant 0 : index
    %get3A_571 = arith.constant 0 : index
    %get3A_572 = vector.load %arg5[%get3A_569, %get3A_570, %get3A_571] : memref<8x64x64xf32, #tpu.memory_space<vmem>>, vector<1x64x64xf32>
    %get3A_573 = vector.shape_cast %get3A_572 : vector<1x64x64xf32> to vector<64x64xf32>
    %dot_general3A_574 = arith.constant dense<0.000000e+00> : vector<400x64xf32>
    %dot_general3A_575 = tpu.matmul %add3A_505, %get3A_573, %dot_general3A_574 {dimension_numbers = #tpu.dot_dimension_numbers<[1], [0], [0], [1], [0, 0, 1, 1], [], []>, transpose_lhs_hint = false} : vector<400x64xf32>, vector<64x64xf32>, vector<400x64xf32> -> vector<400x64xf32>
    %add3A_576 = arith.addf %add3A_568, %dot_general3A_575 : vector<400x64xf32>
    %get3A_577 = arith.constant 7 : index
    %get3A_578 = arith.constant 0 : index
    %get3A_579 = arith.constant 0 : index
    %get3A_580 = vector.load %arg5[%get3A_577, %get3A_578, %get3A_579] : memref<8x64x64xf32, #tpu.memory_space<vmem>>, vector<1x64x64xf32>
    %get3A_581 = vector.shape_cast %get3A_580 : vector<1x64x64xf32> to vector<64x64xf32>
    %dot_general3A_582 = arith.constant dense<0.000000e+00> : vector<400x64xf32>
    %dot_general3A_583 = tpu.matmul %add3A_520, %get3A_581, %dot_general3A_582 {dimension_numbers = #tpu.dot_dimension_numbers<[1], [0], [0], [1], [0, 0, 1, 1], [], []>, transpose_lhs_hint = false} : vector<400x64xf32>, vector<64x64xf32>, vector<400x64xf32> -> vector<400x64xf32>
    %add3A_584 = arith.addf %add3A_576, %dot_general3A_583 : vector<400x64xf32>
    %swap3A = arith.constant 0 : index
    %swap3A_585 = arith.constant 0 : index
    %swap3A_586 = vector.load %arg6[%swap3A, %swap3A_585] : memref<400x64xf32, #tpu.memory_space<vmem>>, vector<400x64xf32>
    tpu.vector_store %arg6[%swap3A, %swap3A_585], %add3A_584 {strides = array<i32>} : memref<400x64xf32, #tpu.memory_space<vmem>>, vector<400x64xf32>,
    %reduce_sum3A = arith.constant dense<0.000000e+00> : vector<64xf32>
    %reduce_sum3A_587 = vector.multi_reduction <add>, %add3A_584, %reduce_sum3A [0] : vector<400x64xf32> to vector<64xf32>
    %broadcast_in_dim3A = vector.shape_cast %reduce_sum3A_587 : vector<64xf32> to vector<1x64xf32>
    %mul3A_588 = arith.mulf %add3A_584, %add3A_584 : vector<400x64xf32>
    %reduce_sum3A_589 = arith.constant dense<0.000000e+00> : vector<64xf32>
    %reduce_sum3A_590 = vector.multi_reduction <add>, %mul3A_588, %reduce_sum3A_589 [0] : vector<400x64xf32> to vector<64xf32>
    %broadcast_in_dim3A_591 = vector.shape_cast %reduce_sum3A_590 : vector<64xf32> to vector<1x64xf32>
    %concatenate3A = tpu.concatenate %broadcast_in_dim3A, %broadcast_in_dim3A_591 in 0 : vector<1x64xf32>, vector<1x64xf32> -> vector<2x64xf32>
    %eq3A = arith.constant 0 : i32
    %eq3A_592 = arith.cmpi eq, %arg0, %eq3A : i32
    %convert_element_type3A_593 = arith.extui %eq3A_592 : i1 to i32
    %cond3A = arith.constant 0 : i32
    %cond3A_594 = arith.cmpi ne, %convert_element_type3A_593, %cond3A : i32
    scf.if %cond3A_594 {
      %swap3A_599 = arith.constant 0 : index
      %swap3A_600 = arith.constant 0 : index
      %swap3A_601 = vector.load %arg7[%swap3A_599, %swap3A_600] : memref<2x64xf32, #tpu.memory_space<vmem>>, vector<2x64xf32>
      tpu.vector_store %arg7[%swap3A_599, %swap3A_600], %concatenate3A {strides = array<i32>} : memref<2x64xf32, #tpu.memory_space<vmem>>, vector<2x64xf32>,
    } else {
    }
    %ne3A = arith.constant 0 : i32
    %ne3A_595 = arith.cmpi ne, %arg0, %ne3A : i32
    %convert_element_type3A_596 = arith.extui %ne3A_595 : i1 to i32
    %cond3A_597 = arith.constant 0 : i32
    %cond3A_598 = arith.cmpi ne, %convert_element_type3A_596, %cond3A_597 : i32
    scf.if %cond3A_598 {
      %get3A_599 = arith.constant 0 : index
      %get3A_600 = arith.constant 0 : index
      %get3A_601 = vector.load %arg7[%get3A_599, %get3A_600] : memref<2x64xf32, #tpu.memory_space<vmem>>, vector<2x64xf32>
      %add3A_602 = arith.addf %get3A_601, %concatenate3A : vector<2x64xf32>
      %swap3A_603 = arith.constant 0 : index
      %swap3A_604 = arith.constant 0 : index
      %swap3A_605 = vector.load %arg7[%swap3A_603, %swap3A_604] : memref<2x64xf32, #tpu.memory_space<vmem>>, vector<2x64xf32>
      tpu.vector_store %arg7[%swap3A_603, %swap3A_604], %add3A_602 {strides = array<i32>} : memref<2x64xf32, #tpu.memory_space<vmem>>, vector<2x64xf32>,
    } else {
    }
    return
  }
  func.func @transform_0(%arg0: i32) -> (i32, i32) {
    %c0_i32 = arith.constant 0 : i32
    %c0_i32_0 = arith.constant 0 : i32
    return %arg0, %c0_i32 : i32, i32
  }
  func.func @transform_1(%arg0: i32) -> (i32, i32, i32) {
    %c0_i32 = arith.constant 0 : i32
    %c0_i32_0 = arith.constant 0 : i32
    %c0_i32_1 = arith.constant 0 : i32
    return %c0_i32, %arg0, %c0_i32_0 : i32, i32, i32
  }
  func.func @transform_2(%arg0: i32) -> (i32, i32, i32) {
    %c1_i32 = arith.constant 1 : i32
    %c0_i32 = arith.constant 0 : i32
    %c0_i32_0 = arith.constant 0 : i32
    return %c1_i32, %arg0, %c0_i32 : i32, i32, i32
  }
  func.func @transform_3(%arg0: i32) -> (i32, i32) {
    %c0_i32 = arith.constant 0 : i32
    %c0_i32_0 = arith.constant 0 : i32
    %c0_i32_1 = arith.constant 0 : i32
    return %c0_i32, %c0_i32_0 : i32, i32
  }
  func.func @transform_4(%arg0: i32) -> (i32, i32, i32) {
    %c0_i32 = arith.constant 0 : i32
    %c0_i32_0 = arith.constant 0 : i32
    %c0_i32_1 = arith.constant 0 : i32
    %c0_i32_2 = arith.constant 0 : i32
    return %c0_i32, %c0_i32_0, %c0_i32_1 : i32, i32, i32
  }
  func.func @transform_5(%arg0: i32) -> (i32, i32) {
    %c0_i32 = arith.constant 0 : i32
    %c0_i32_0 = arith.constant 0 : i32
    return %arg0, %c0_i32 : i32, i32
  }
  func.func @transform_6(%arg0: i32) -> (i32, i32) {
    %c0_i32 = arith.constant 0 : i32
    %c0_i32_0 = arith.constant 0 : i32
    %c0_i32_1 = arith.constant 0 : i32
    return %c0_i32, %c0_i32_0 : i32, i32
  }
}

</mosaic_0001>

<sc_bundles>
// kernel: kernel.11.cloned.1.call-start
scs
__scs_entry_jumppad:
0x0: {  	(pc) =	sbr.rel $0x88, $3  }
0x1: {  	(tag) =	ssettag $0x0;
	lr =	simm.s32 $0x1  }
0x2: {  	[smem:$0x3F95] =	sst lr;
	_ =	strace $0xD0000000  }
0x3: {  	_ = 	snop  }
0x4: {  	_ = 	snop  }
0x5: {  	_ = 	snop  }
0x6: {  	_ = 	snop  }
0x7: {  	_ = 	snop  }
__scs_overlays_trampoline_lowered:
0x8: {  	[smem:$0x3FA4] =	sst s0  }
0x9: {  	[smem:$0x3FA5] =	sst s1  }
0xa: {  	[smem:$0x3FA6] =	sst s2  }
0xb: {  	[smem:$0x3FA7] =	sst s3  }
0xc: {  	[smem:$0x3FA8] =	sst s4  }
0xd: {  	[smem:$0x3FA9] =	sst s5  }
0xe: {  	[smem:$0x3FAA] =	sst s6  }
0xf: {  	[smem:$0x3FAB] =	sst s7  }
0x10: {  	[smem:$0x3FAC] =	sst s8  }
0x11: {  	[smem:$0x3FAD] =	sst s9;
	s0 =	simm.s32 @!p0 $0x0  }
0x12: {  	s1 =	sld [smem:$0x3F93];
	s0 =	simm.s32 @p0 $0x1  }
0x13: {  	[smem:$0x3FAE] =	sst s0;
	s0 =	simm.s32 @!p1 $0x0  }
0x14: {  	s2 =	sld [smem:$0x3F92];
	s0 =	simm.s32 @p1 $0x1  }
0x15: {  	[smem:$0x3FAF] =	sst s0;
	s0 =	simm.s32 @!p2 $0x0  }
0x16: {  	s3 =	sld [smem:$0x3FDB];
	s0 =	simm.s32 @p2 $0x1  }
0x17: {  	s4 =	simm.s32 $0x1BF5;
	[smem:$0x3FB1] =	sst s0  }
0x18: {  	s0 =	sld [smem:$0x3F94];
	_ =	swait.ge [sflag:s4], $0x0  }
0x19: {  	s7 =	sld [smem:$0x3F95]  }
0x1a: {  	s8 =	sadd.s32 $0xFFFFE003, lr  }
0x1b: {  	s9 =	sadd.s32 $0xFFFFFEF7, lr;
	s5 =	simm.s32 $0xFFFFFFFF;
	p2 =	slt.u32 s8, $0xFFFFF086  }
0x1c: {  	p1 =	slt.u32 s9, $0xF7A;
	s5 =	simm.s32 @!p2 $0x0  }
0x1d: {  	s5 =	simm.s32 @p1 $0x1;
	p0 =	seq.s32 s7, s2  }
0x1e: {  	s7 =	smul.u32 @!p0 $0xF7A, s2;
	p2 =	seq.s32 @!p0 s5, $0x0  }
0x1f: {  	s9 =	smul.u32 $0xF7A, s1;
	s8 =	simm.s32 @!p0 $0x1BF5;
	p2 =	por !p2, p0  }
0x20: {  	[sflag:s8] =	ssyncset.s32 @!p0 $0xFFFFF086;
	s6 =	sadd.s32 @!p0 s3, s7;
	s7 =	simm.s32 @!p0 $0x108  }
0x21: {  	s3 =	sadd.s32 s3, s9;
	s6 =	sadd.s32 @!p0 $0x88, s6;
	s7 =	simm.s32 @p2 $0x1082  }
0x22: {  	[simem:s7], [sflag:s8] =	dma.local @!p0 [hbm:s6], $0xF7A  }
0x23: {  	s9 =	sor.u32 $0xD0000000, s2;
	s6 =	simm.s32 $0x108;
	_ =	swait.ge @!p0 [sflag:s8], $0x0  }
0x24: {  	s3 =	sadd.s32 $0x88, s3;
	s6 =	simm.s32 @!p1 $0x1082;
	[sflag:s4] =	ssyncset.s32 $0xFFFFF086  }
0x25: {  	[simem:s6], [sflag:s4] =	dma.local [hbm:s3], $0xF7A  }
0x26: {  	[smem:$0x3F95] =	sst s1;
	(tag) =	ssettag s2;
	_ =	strace s9  }
0x27: {  	s1 =	sld [smem:$0x3FA5]  }
0x28: {  	s2 =	sld [smem:$0x3FA6]  }
0x29: {  	s4 =	sld [smem:$0x3FA8]  }
0x2a: {  	p0 =	seq.s32 s5, $0x0;
	s5 =	sld [smem:$0x3FA9]  }
0x2b: {  	s6 =	sld [smem:$0x3FAA]  }
0x2c: {  	s7 =	sld [smem:$0x3FAB]  }
0x2d: {  	s3 =	simm.s32 $0x108;
	s8 =	sld [smem:$0x3FAC]  }
0x2e: {  	s3 =	simm.s32 @!p0 $0x1082;
	s9 =	sld [smem:$0x3FAD]  }
0x2f: {  	lr =	sadd.s32 s0, s3;
	s0 =	sld [smem:$0x3FA4]  }
0x30: {  	s3 =	sld [smem:$0x3FA7]  }
0x31: {  	[smem:$0x3FB0] =	sst s10  }
0x32: {  	s10 =	sld [smem:$0x3FAE];
	_ =	sdelay $0x3  }
0x33: {  	p0 =	seq.s32 s10, $0x1;
	s10 =	sld [smem:$0x3FB0];
	_ =	sdelay $0x3  }
0x34: {  	[smem:$0x3FB0] =	sst s10  }
0x35: {  	s10 =	sld [smem:$0x3FAF];
	_ =	sdelay $0x3  }
0x36: {  	p1 =	seq.s32 s10, $0x1;
	s10 =	sld [smem:$0x3FB0];
	_ =	sdelay $0x3  }
0x37: {  	[smem:$0x3FB0] =	sst s10  }
0x38: {  	s10 =	sld [smem:$0x3FB1]  }
0x39: {  	_ = 	snop;
	(pc) =	sbr.ind lr, $3  }
0x3a: {  	_ = 	snop  }
0x3b: {  	_ = 	snop  }
0x3c: {  	p2 =	seq.s32 s10, $0x1;
	s10 =	sld [smem:$0x3FB0]  }
0x3d: {  	_ =	shalt  }
0x3e: {  	_ =	shalt  }
0x3f: {  	_ =	shalt  }
0x40: {  	_ =	shalt  }
0x41: {  	_ =	shalt  }
0x42: {  	_ =	shalt  }
0x43: {  	_ =	shalt  }
0x44: {  	_ =	shalt  }
0x45: {  	_ =	shalt  }
0x46: {  	_ =	shalt  }
0x47: {  	_ =	shalt  }
0x48: {  	_ =	shalt  }
0x49: {  	_ =	shalt  }
0x4a: {  	_ =	shalt  }
0x4b: {  	_ =	shalt  }
0x4c: {  	_ =	shalt  }
0x4d: {  	_ =	shalt  }
0x4e: {  	_ =	shalt  }
0x4f: {  	_ =	shalt  }
0x50: {  	_ =	shalt  }
0x51: {  	_ =	shalt  }
0x52: {  	_ =	shalt  }
0x53: {  	_ =	shalt  }
0x54: {  	_ =	shalt  }
0x55: {  	_ =	shalt  }
0x56: {  	_ =	shalt  }
0x57: {  	_ =	shalt  }
0x58: {  	_ =	shalt  }
0x59: {  	_ =	shalt  }
0x5a: {  	_ =	shalt  }
0x5b: {  	_ =	shalt  }
0x5c: {  	_ =	shalt  }
0x5d: {  	_ =	shalt  }
0x5e: {  	_ =	shalt  }
0x5f: {  	_ =	shalt  }
0x60: {  	_ =	shalt  }
0x61: {  	_ =	shalt  }
0x62: {  	_ =	shalt  }
0x63: {  	_ =	shalt  }
0x64: {  	_ =	shalt  }
0x65: {  	_ =	shalt  }
0x66: {  	_ =	shalt  }
0x67: {  	_ =	shalt  }
0x68: {  	_ =	shalt  }
0x69: {  	_ =	shalt  }
0x6a: {  	_ =	shalt  }
0x6b: {  	_ =	shalt  }
0x6c: {  	_ =	shalt  }
0x6d: {  	_ =	shalt  }
0x6e: {  	_ =	shalt  }
0x6f: {  	_ =	shalt  }
0x70: {  	_ =	shalt  }
0x71: {  	_ =	shalt  }
0x72: {  	_ =	shalt  }
0x73: {  	_ =	shalt  }
0x74: {  	_ =	shalt  }
0x75: {  	_ =	shalt  }
0x76: {  	_ =	shalt  }
0x77: {  	_ =	shalt  }
0x78: {  	_ =	shalt  }
0x79: {  	_ =	shalt  }
0x7a: {  	_ =	shalt  }
0x7b: {  	_ =	shalt  }
0x7c: {  	_ =	shalt  }
0x7d: {  	_ =	shalt  }
0x7e: {  	_ =	shalt  }
0x7f: {  	_ =	shalt  }
0x80: {  	_ =	shalt  }
0x81: {  	_ =	shalt  }
0x82: {  	_ =	shalt  }
0x83: {  	_ =	shalt  }
0x84: {  	_ =	shalt  }
0x85: {  	_ =	shalt  }
0x86: {  	_ =	shalt  }
0x87: {  	_ =	shalt  }
.Lfunc_end0:
.L_simem_size_0:
called_computation.1_lowered:
.L_overlay_start_0:
0x88: {  	s2 =	sld [smem:$0x3FD9]  }
0x89: {  	s3 =	sld [smem:$0x3FFE];
	_ =	sdelay $0x1  }
0x8a: {  	s1 =	srdreg.scid  }
0x8b: {  	s0 =	sand.u32 $0x1, s1  }
0x8c: {  	s17 =	sshll.u32 s0, $0xA;
	s2 =	sadd.s32 s3, s2  }
0x8d: {  	s2 =	sadd.s32 s2, s17  }
0x8e: {  	[smem:$0x3FBC] =	sst s2  }
0x8f: {  	_ = 	snop  }
0x90: {  	s2 =	sld [smem:$0x3FD0];
	(tm) =	ssettm $0x1  }
0x91: {  	s18 =	sld [smem:$0x3FFB];
	_ =	sdelay $0x3  }
0x92: {  	_ =	strace s18  }
0x93: {  	s3 =	sld [smem:$0x3FFC];
	_ =	sdelay $0x3  }
0x94: {  	_ =	strace s3  }
0x95: {  	s3 =	sld [smem:$0x3FFD];
	_ =	sdelay $0x3  }
0x96: {  	_ =	strace s3  }
0x97: {  	_ =	strace $0x8FFFFFFF  }
0x98: {  	s19 =	sld [smem:$0x3FDB];
	_ =	sdelay $0x1  }
0x99: {  	s4 =	simm.s32 $_scs_section_size  }
0x9a: {  	s5 =	simm.s32 $_size__tile_overlayer_lowered;
	s6 =	simm.s32 $_tile_overlayer_lowered  }
0x9b: {  	s22 =	simm.s32 $0x1BFF;
	s21 =	sshll.u32 s6, $0x1;
	s3 =	sadd.s32 s4, s19  }
0x9c: {  	s7 =	simm.s32 $0x0;
	s20 =	sshll.u32 s5, $0x1;
	s5 =	sadd.s32 s21, s3  }
0x9d: {  	[timem:s7], [sflag:s22] =	dma.local [hbm:s5], s20  }
0x9e: {  	_ =	swait.ge [sflag:s22], s20  }
0x9f: {  	s4 =	ssub.s32 $0x0, s20;
	[sflag:s22] =	ssyncset.done $0x0  }
0xa0: {  	[sflag:s22] =	ssyncadd.s32 s4;
	_ =	sdelay $0x1  }
0xa1: {  	s23 =	simm.s32 $0x1B8B  }
0xa2: {  	_ =	swait.ge [sflag:s23], $0x1  }
0xa3: {  	[sflag:s23] =	ssyncset.done $0x0  }
0xa4: {  	s25 =	simm.s32 $0x1B8E;
	s24 =	sld [smem:$0x3FFE];
	[sflag:s23] =	ssyncadd.s32 $0xFFFFFFFF  }
0xa5: {  	s26 =	simm.s32 $execute0_lowered;
	[smem:$0x3FD2] =	sst s25  }
0xa6: {  	s5 =	sshll.u32 s26, $0x1;
	_ =	strace $0x80000049;
	[dreg:$0x1] =	wrdreg $0xFFFFFFFF  }
0xa7: {  	s28 =	simm.s32 $_size_execute0_lowered;
	s3 =	sadd.s32 s3, s5;
	[dreg:$0x0] =	wrdreg $0x0  }
0xa8: {  	s5 =	sshll.u32 s28, $0x1;
	[dreg:$0x2] =	wrdreg s3  }
0xa9: {  	[dreg:$0x3] =	wrdreg s5  }
0xaa: {  	[dreg:$0x4] =	wrdreg $0xC0  }
0xab: {  	_ =	task [dreg:s7], $0x5FFFF  }
0xac: {  	[dreg:$0x1] =	wrdreg $0xFFFFFFFF  }
0xad: {  	[dreg:$0x0] =	wrdreg $0x60  }
0xae: {  	[dreg:$0x2] =	wrdreg s24  }
0xaf: {  	[dreg:$0x3] =	wrdreg s2  }
0xb0: {  	[dreg:$0x4] =	wrdreg $0x29000  }
0xb1: {  	[dreg:$0x5] =	wrdreg $0x9  }
0xb2: {  	_ =	task.clear_ibuf [dreg:s7], $0x6FFFF;
	_ =	strace $0x90000049  }
0xb3: {  	s29 =	simm.s32 $0x9;
	_ =	strace $0x8000004B  }
0xb4: {  	_ =	swait.ge [sflag:s29], $0x1  }
0xb5: {  	[sflag:s29] =	ssyncadd.s32 $0xFFFFFFFF  }
0xb6: {  	_ =	strace $0x9000004B  }
0xb7: {  	_ =	sfence  }
0xb8: {  	s30 =	sld [smem:$0x0];
	_ =	sdelay $0x2  }
0xb9: {  	s31 =	sshll.u32 s1, $0xD;
	s1 =	sshrl.u32 s1, $0x2  }
0xba: {  	s3 =	sand.u32 $0x4000, s31;
	s1 =	sadd.s32 s1, s30  }
0xbb: {  	s0 =	sor.u32 s3, s0;
	s1 =	sshll.u32 s1, $0x11  }
0xbc: {  	s0 =	sor.u32 s1, s0  }
0xbd: {  	s0 =	sadd.s32 $0x8F2B, s0  }
0xbe: {  	[sflag:s0] =	ssyncadd.remote.s32 $0x1  }
0xbf: {  	_ =	sfence.sel $0xFFFF  }
0xc0: {  	[dreg:$0x0] =	wrdreg $0xFFFFFFFF;
	(pc) =	sbr.abs _section_cstart, $3  }
0xc1: {  	[dreg:$0x1] =	wrdreg $0xFFFFFFFF  }
0xc2: {  	_ =	task.clear_ibuf [dreg:s7], $0x2FFFF;
	_ =	strace $0x9FFFFFFF  }
0xc3: {  	(tm) =	ssettm $0x7FFFFFFF  }
tec
execute0_lowered:
.L_overlay_start_1:
0x0: {  	(tag) =	ssettag $0x1  }
0x1: {  	s7 =	rddreg [dreg:$0x0]  }
0x2: {  	s1 =	srdreg.scid;
	s11 =	rddreg [dreg:$0x1]  }
0x3: {  	s0 =	stileid.u32;
	s2 =	rddreg [dreg:$0x2]  }
0x4: {  	s3 =	simm.s32 $0x0;
	s18 =	simm.s32 $0x1;
	s19 =	simm.s32 $0x80  }
0x5: {  	s5 =	sand.u32 $0x1, s1;
	s4 =	smul.u32 $0x4E20, s0;
	s1 =	rddreg [dreg:$0x3]  }
0x6: {  	s20 =	simm.s32 $0x0;
	[smem:$0x7FF] =	sst s3;
	s8 =	smul.u32 $0x13800, s0  }
0x7: {  	s10 =	smul.u32 $0x4E000, s0;
	s14 =	sadd.s32 $0x5AA00, s7;
	s30 =	sshll.u32 s0, $0x6  }
0x8: {  	s17 =	sadd.s32 $0x138000, s2;
	p0 =	sne.s32 s0, $0xF;
	s6 =	smul.u32 $0x2710, s5  }
0x9: {  	_ =	strace $0x8000004A;
	s9 =	ssub.s32 $0x2, s5;
	s29 =	smul.u32 $0x138800, s5  }
0xa: {  	s26 =	sshrl.u32 s8, $0x3;
	s15 =	sshrl.u32 s9, $0x1;
	s28 =	sshrl.u32 s10, $0x2  }
0xb: {  	s4 =	sadd.s32 s6, s4;
	s6 =	sadd.s32 s26, s7;
	s15 =	ssub.s32 s9, s15  }
0xc: {  	s16 =	sadd.s32 s28, s2;
	s8 =	sadd.s32 s8, s29;
	s31 =	sshrl.u32 s29, $0x3  }
0xd: {  	s12 =	sshrl.u32 s4, $0x3;
	s4 =	sadd.s32 $0x33800, s7;
	s5 =	sadd.s32 $0xC600, s6  }
0xe: {  	s6 =	sor.u32 $0x1C02, s30;
	s8 =	sshrl.u32 s8, $0x3;
	s9 =	sadd.s32 s14, s31  }
0xf: {  	s10 =	smax.u32 s15, $0x1;
	s15 =	sshrl.u32 @!p0 s17, $0x3;
	s17 =	simm.s32 $0x100  }
0x10: {  	s13 =	sadd.s32 s12, s7;
	s7 =	sadd.s32 $0x33600, s7;
	s8 =	sadd.s32 s14, s8  }
0x11: {  	s9 =	sadd.s32 $0x27000, s9;
	s11 =	sadd.s32 s12, s11;
	s14 =	simm.s32 $0x2  }
0x12: {  	s12 =	sadd.s32 $0x2800, s13;
	s13 =	sshrl.u32 s16, $0x3;
	s16 =	simm.s32 $0x50  }
.LBB2_1:
0x13: {  	[spmem:s13], [sflag:s6] =	dma.local [hbm:s5], $0x2700  }
0x14: {  	_ =	swait.ge [sflag:s14], $0x2700  }
0x15: {  	[sflag:s14] =	ssyncset.done $0x0  }
0x16: {  	s21 =	simm.s32 @!p0 $0x2;
	[sflag:s14] =	ssyncadd.s32 $0xFFFFD900  }
0x17: {  	[spmem:s15], [sflag:s6] =	dma.local @!p0 [hbm:s7], $0x100  }
0x18: {  	_ =	swait.ge @!p0 [sflag:s21], $0x100  }
0x19: {  	[sflag:s21] =	ssyncset.done @!p0 $0x0  }
0x1a: {  	[sflag:s21] =	ssyncadd.s32 @!p0 $0xFFFFFF00  }
0x1b: {  	s30 =	sadd.s32 $0x0, s12;
	[bflag:$0x0] =	sbarrier.arrive $0xFFFF  }
0x1c: {  	[tilespmem:s3], [sflag:$0x2] =	stream.linear.gather [hbm4b:s30+s3], $0x50, $0x38;
	[tilespmem:$0x16180] =	vst v63  }
0x1d: {  	_ =	swait.ge [sflag:s14], $0x50  }
0x1e: {  	[sflag:s14] =	ssyncset.done $0x0  }
0x1f: {  	[sflag:s14] =	ssyncadd.s32 $0xFFFFFFB0  }
0x20: {  	[tilespmem:s17], [sflag:$0x1] =	stream.indirect.gather [hbm4b:s4+s16], $0x80, s3, s16, $0xb8;
	[tilespmem:$0x16180] =	vst v63  }
0x21: {  	_ =	swait.ge [sflag:s18], $0x2800  }
0x22: {  	[sflag:s18] =	ssyncset.done $0x0  }
0x23: {  	s31 =	sadd.s32 $0x0, s11;
	[sflag:s18] =	ssyncadd.s32 $0xFFFFD800  }
0x24: {  	[tilespmem:s19], [sflag:$0x2] =	stream.linear.gather [hbm4b:s31+s3], $0x50, $0x38;
	[tilespmem:$0x16180] =	vst v63  }
0x25: {  	_ =	swait.ge [sflag:s14], $0x50  }
0x26: {  	[sflag:s14] =	ssyncset.done $0x0  }
0x27: {  	[sflag:s14] =	ssyncadd.s32 $0xFFFFFFB0  }
0x28: {  	[spmem:s2] =	stream.indirect.scatter.add.f32 [tilespmem:s17], [sflag:$0x2], $0x80, s19, s16, $0xb8;
	[tilespmem:$0x16180] =	vst v63  }
0x29: {  	_ =	swait.ge [sflag:s14], $0x2800  }
0x2a: {  	s22 =	simm.s32 $0x14;
	s21 =	simm.s32 $0xA;
	[sflag:s14] =	ssyncset.done $0x0  }
.LBB2_2:
0x2b: {  	s23 =	sadd.s32 s21, s12  }
0x2c: {  	[sflag:s14] =	ssyncadd.s32 $0xFFFFD800;
	s24 =	smov.u32 s22;
	s25 =	sadd.s32 $0xA, s22  }
0x2d: {  	[tilespmem:s3], [sflag:$0x2] =	stream.linear.gather [hbm4b:s23+s3], $0x50, $0x38;
	[tilespmem:$0x16180] =	vst v63  }
0x2e: {  	p1 =	sne.s32 s22, $0x4D8;
	_ =	swait.ge [sflag:s14], $0x50  }
0x2f: {  	[sflag:s14] =	ssyncset.done $0x0  }
0x30: {  	[sflag:s14] =	ssyncadd.s32 $0xFFFFFFB0  }
0x31: {  	[tilespmem:s17], [sflag:$0x1] =	stream.indirect.gather [hbm4b:s4+s16], $0x80, s3, s16, $0xb8;
	[tilespmem:$0x16180] =	vst v63  }
0x32: {  	_ =	swait.ge [sflag:s18], $0x2800  }
0x33: {  	[sflag:s18] =	ssyncset.done $0x0  }
0x34: {  	s22 =	sadd.s32 s21, s11;
	s21 =	smov.u32 s24;
	[sflag:s18] =	ssyncadd.s32 $0xFFFFD800  }
0x35: {  	[tilespmem:s19], [sflag:$0x2] =	stream.linear.gather [hbm4b:s22+s3], $0x50, $0x38;
	[tilespmem:$0x16180] =	vst v63  }
0x36: {  	_ =	swait.ge [sflag:s14], $0x50  }
.Ltmp0:
0x37: {  	[sflag:s14] =	ssyncset.done $0x0;
	(pc) =	sbr.rel @p1 .LBB2_2-.Ltmp0, $4  }
0x38: {  	[sflag:s14] =	ssyncadd.s32 $0xFFFFFFB0  }
0x39: {  	[spmem:s2] =	stream.indirect.scatter.add.f32 [tilespmem:s17], [sflag:$0x2], $0x80, s19, s16, $0xb8;
	[tilespmem:$0x16180] =	vst v63  }
0x3a: {  	_ =	swait.ge [sflag:s14], $0x2800  }
0x3b: {  	s22 =	smov.u32 s25;
	[sflag:s14] =	ssyncset.done $0x0  }
0x3c: {  	s22 =	sadd.s32 s21, s12;
	[sflag:s14] =	ssyncadd.s32 $0xFFFFD800  }
0x3d: {  	[tilespmem:s3], [sflag:$0x2] =	stream.linear.gather [hbm4b:s22+s3], $0x50, $0x38;
	[tilespmem:$0x16180] =	vst v63  }
0x3e: {  	_ =	swait.ge [sflag:s14], $0x50  }
0x3f: {  	[sflag:s14] =	ssyncset.done $0x0  }
0x40: {  	[sflag:s14] =	ssyncadd.s32 $0xFFFFFFB0  }
0x41: {  	[tilespmem:s17], [sflag:$0x1] =	stream.indirect.gather [hbm4b:s4+s16], $0x80, s3, s16, $0xb8;
	[tilespmem:$0x16180] =	vst v63  }
0x42: {  	_ =	swait.ge [sflag:s18], $0x2800  }
0x43: {  	[sflag:s18] =	ssyncset.done $0x0  }
0x44: {  	s31 =	sadd.s32 s21, s11;
	[sflag:s18] =	ssyncadd.s32 $0xFFFFD800  }
0x45: {  	[tilespmem:s19], [sflag:$0x2] =	stream.linear.gather [hbm4b:s31+s3], $0x50, $0x38;
	[tilespmem:$0x16180] =	vst v63  }
0x46: {  	_ =	swait.ge [sflag:s14], $0x50  }
0x47: {  	[sflag:s14] =	ssyncset.done $0x0  }
0x48: {  	[sflag:s14] =	ssyncadd.s32 $0xFFFFFFB0  }
0x49: {  	[spmem:s2] =	stream.indirect.scatter.add.f32 [tilespmem:s17], [sflag:$0x2], $0x80, s19, s16, $0xb8;
	[tilespmem:$0x16180] =	vst v63  }
0x4a: {  	_ =	swait.ge [sflag:s14], $0x2800  }
0x4b: {  	[sflag:s14] =	ssyncset.done $0x0  }
0x4c: {  	[sflag:s14] =	ssyncadd.s32 $0xFFFFD800  }
0x4d: {  	[bflag:$0x0] =	sbarrier.arrive $0xFFFF  }
0x4e: {  	[hbm:s8], [sflag:s6] =	dma.local [spmem:s13], $0x2700  }
0x4f: {  	s20 =	sadd.s32 $0x1, s20;
	_ =	swait.ge [sflag:s14], $0x2700  }
0x50: {  	p1 =	sne.s32 s20, s10;
	[sflag:s14] =	ssyncset.done $0x0  }
.Ltmp1:
0x51: {  	s21 =	simm.s32 @!p0 $0x2;
	[sflag:s14] =	ssyncadd.s32 $0xFFFFD900;
	(pc) =	sbr.rel @p1 .LBB2_1-.Ltmp1, $4  }
0x52: {  	[hbm:s9], [sflag:s6] =	dma.local @!p0 [spmem:s15], $0x100  }
0x53: {  	_ =	swait.ge @!p0 [sflag:s21], $0x100  }
0x54: {  	[sflag:s21] =	ssyncset.done @!p0 $0x0  }
0x55: {  	[sflag:s21] =	ssyncadd.s32 @!p0 $0xFFFFFF00  }
0x56: {  	_ =	sfence.sel $0x180000  }
0x57: {  	[bflag:$0x0] =	sbarrier.arrive $0xFFFF  }
0x58: {  	p0 =	sne.s32 s0, $0x0;
	_ =	strace $0x9000004A  }
0x59: {  	s0 =	sadd.s32 @!p0 $0x100000, s1;
	[bflag:$0x2] =	sbarrier.arrive $0xFFFF  }
0x5a: {  	[sflag:s0] =	ssyncadd.tile.s32 @!p0 $0x1;
	_ =	shalt  }
.Lfunc_end2:
_tile_overlayer_lowered:
.L_overlay_start_2:
0x5b: {  	(tag) =	ssettag $0x2  }
0x5c: {  	s0 =	rddreg [dreg:$0x0];
	s2 =	stileid.u32  }
0x5d: {  	s1 =	rddreg [dreg:$0x1];
	p0 =	sne.s32 s2, $0x0  }
0x5e: {  	s3 =	rddreg [dreg:$0x2];
	[bflag:$0x3] =	sbarrier.arrive $0xFFFF;
	s2 =	simm.s32 @!p0 $0x1C02  }
0x5f: {  	[timem:s3], [sflag:s2] =	dma.local @!p0 [hbm:s0], s1  }
0x60: {  	s0 =	simm.s32 @!p0 $0x2  }
0x61: {  	_ =	swait.ge @!p0 [sflag:s0], s1  }
0x62: {  	s1 =	ssub.s32 @!p0 $0x0, s1;
	[sflag:s0] =	ssyncset.done @!p0 $0x0  }
0x63: {  	[sflag:s0] =	ssyncadd.s32 @!p0 s1  }
0x64: {  	[bflag:$0x3] =	sbarrier.arrive $0xFFFF  }
0x65: {  	_ =	shalt  }

// kernel: kernel.8.cloned.1.call-start
scs
__scs_entry_jumppad:
0x0: {  	(pc) =	sbr.rel $0x88, $3  }
0x1: {  	(tag) =	ssettag $0x0;
	lr =	simm.s32 $0x1  }
0x2: {  	[smem:$0x3F95] =	sst lr;
	_ =	strace $0xD0000000  }
0x3: {  	_ = 	snop  }
0x4: {  	_ = 	snop  }
0x5: {  	_ = 	snop  }
0x6: {  	_ = 	snop  }
0x7: {  	_ = 	snop  }
__scs_overlays_trampoline_lowered:
0x8: {  	[smem:$0x3FA4] =	sst s0  }
0x9: {  	[smem:$0x3FA5] =	sst s1  }
0xa: {  	[smem:$0x3FA6] =	sst s2  }
0xb: {  	[smem:$0x3FA7] =	sst s3  }
0xc: {  	[smem:$0x3FA8] =	sst s4  }
0xd: {  	[smem:$0x3FA9] =	sst s5  }
0xe: {  	[smem:$0x3FAA] =	sst s6  }
0xf: {  	[smem:$0x3FAB] =	sst s7  }
0x10: {  	[smem:$0x3FAC] =	sst s8  }
0x11: {  	[smem:$0x3FAD] =	sst s9;
	s0 =	simm.s32 @!p0 $0x0  }
0x12: {  	s1 =	sld [smem:$0x3F93];
	s0 =	simm.s32 @p0 $0x1  }
0x13: {  	[smem:$0x3FAE] =	sst s0;
	s0 =	simm.s32 @!p1 $0x0  }
0x14: {  	s2 =	sld [smem:$0x3F92];
	s0 =	simm.s32 @p1 $0x1  }
0x15: {  	[smem:$0x3FAF] =	sst s0;
	s0 =	simm.s32 @!p2 $0x0  }
0x16: {  	s3 =	sld [smem:$0x3FDB];
	s0 =	simm.s32 @p2 $0x1  }
0x17: {  	s4 =	simm.s32 $0x1BF5;
	[smem:$0x3FB1] =	sst s0  }
0x18: {  	s0 =	sld [smem:$0x3F94];
	_ =	swait.ge [sflag:s4], $0x0  }
0x19: {  	s7 =	sld [smem:$0x3F95]  }
0x1a: {  	s8 =	sadd.s32 $0xFFFFE003, lr  }
0x1b: {  	s9 =	sadd.s32 $0xFFFFFEF7, lr;
	s5 =	simm.s32 $0xFFFFFFFF;
	p2 =	slt.u32 s8, $0xFFFFF086  }
0x1c: {  	p1 =	slt.u32 s9, $0xF7A;
	s5 =	simm.s32 @!p2 $0x0  }
0x1d: {  	s5 =	simm.s32 @p1 $0x1;
	p0 =	seq.s32 s7, s2  }
0x1e: {  	s7 =	smul.u32 @!p0 $0xF7A, s2;
	p2 =	seq.s32 @!p0 s5, $0x0  }
0x1f: {  	s9 =	smul.u32 $0xF7A, s1;
	s8 =	simm.s32 @!p0 $0x1BF5;
	p2 =	por !p2, p0  }
0x20: {  	[sflag:s8] =	ssyncset.s32 @!p0 $0xFFFFF086;
	s6 =	sadd.s32 @!p0 s3, s7;
	s7 =	simm.s32 @!p0 $0x108  }
0x21: {  	s3 =	sadd.s32 s3, s9;
	s6 =	sadd.s32 @!p0 $0x88, s6;
	s7 =	simm.s32 @p2 $0x1082  }
0x22: {  	[simem:s7], [sflag:s8] =	dma.local @!p0 [hbm:s6], $0xF7A  }
0x23: {  	s9 =	sor.u32 $0xD0000000, s2;
	s6 =	simm.s32 $0x108;
	_ =	swait.ge @!p0 [sflag:s8], $0x0  }
0x24: {  	s3 =	sadd.s32 $0x88, s3;
	s6 =	simm.s32 @!p1 $0x1082;
	[sflag:s4] =	ssyncset.s32 $0xFFFFF086  }
0x25: {  	[simem:s6], [sflag:s4] =	dma.local [hbm:s3], $0xF7A  }
0x26: {  	[smem:$0x3F95] =	sst s1;
	(tag) =	ssettag s2;
	_ =	strace s9  }
0x27: {  	s1 =	sld [smem:$0x3FA5]  }
0x28: {  	s2 =	sld [smem:$0x3FA6]  }
0x29: {  	s4 =	sld [smem:$0x3FA8]  }
0x2a: {  	p0 =	seq.s32 s5, $0x0;
	s5 =	sld [smem:$0x3FA9]  }
0x2b: {  	s6 =	sld [smem:$0x3FAA]  }
0x2c: {  	s7 =	sld [smem:$0x3FAB]  }
0x2d: {  	s3 =	simm.s32 $0x108;
	s8 =	sld [smem:$0x3FAC]  }
0x2e: {  	s3 =	simm.s32 @!p0 $0x1082;
	s9 =	sld [smem:$0x3FAD]  }
0x2f: {  	lr =	sadd.s32 s0, s3;
	s0 =	sld [smem:$0x3FA4]  }
0x30: {  	s3 =	sld [smem:$0x3FA7]  }
0x31: {  	[smem:$0x3FB0] =	sst s10  }
0x32: {  	s10 =	sld [smem:$0x3FAE];
	_ =	sdelay $0x3  }
0x33: {  	p0 =	seq.s32 s10, $0x1;
	s10 =	sld [smem:$0x3FB0];
	_ =	sdelay $0x3  }
0x34: {  	[smem:$0x3FB0] =	sst s10  }
0x35: {  	s10 =	sld [smem:$0x3FAF];
	_ =	sdelay $0x3  }
0x36: {  	p1 =	seq.s32 s10, $0x1;
	s10 =	sld [smem:$0x3FB0];
	_ =	sdelay $0x3  }
0x37: {  	[smem:$0x3FB0] =	sst s10  }
0x38: {  	s10 =	sld [smem:$0x3FB1]  }
0x39: {  	_ = 	snop;
	(pc) =	sbr.ind lr, $3  }
0x3a: {  	_ = 	snop  }
0x3b: {  	_ = 	snop  }
0x3c: {  	p2 =	seq.s32 s10, $0x1;
	s10 =	sld [smem:$0x3FB0]  }
0x3d: {  	_ =	shalt  }
0x3e: {  	_ =	shalt  }
0x3f: {  	_ =	shalt  }
0x40: {  	_ =	shalt  }
0x41: {  	_ =	shalt  }
0x42: {  	_ =	shalt  }
0x43: {  	_ =	shalt  }
0x44: {  	_ =	shalt  }
0x45: {  	_ =	shalt  }
0x46: {  	_ =	shalt  }
0x47: {  	_ =	shalt  }
0x48: {  	_ =	shalt  }
0x49: {  	_ =	shalt  }
0x4a: {  	_ =	shalt  }
0x4b: {  	_ =	shalt  }
0x4c: {  	_ =	shalt  }
0x4d: {  	_ =	shalt  }
0x4e: {  	_ =	shalt  }
0x4f: {  	_ =	shalt  }
0x50: {  	_ =	shalt  }
0x51: {  	_ =	shalt  }
0x52: {  	_ =	shalt  }
0x53: {  	_ =	shalt  }
0x54: {  	_ =	shalt  }
0x55: {  	_ =	shalt  }
0x56: {  	_ =	shalt  }
0x57: {  	_ =	shalt  }
0x58: {  	_ =	shalt  }
0x59: {  	_ =	shalt  }
0x5a: {  	_ =	shalt  }
0x5b: {  	_ =	shalt  }
0x5c: {  	_ =	shalt  }
0x5d: {  	_ =	shalt  }
0x5e: {  	_ =	shalt  }
0x5f: {  	_ =	shalt  }
0x60: {  	_ =	shalt  }
0x61: {  	_ =	shalt  }
0x62: {  	_ =	shalt  }
0x63: {  	_ =	shalt  }
0x64: {  	_ =	shalt  }
0x65: {  	_ =	shalt  }
0x66: {  	_ =	shalt  }
0x67: {  	_ =	shalt  }
0x68: {  	_ =	shalt  }
0x69: {  	_ =	shalt  }
0x6a: {  	_ =	shalt  }
0x6b: {  	_ =	shalt  }
0x6c: {  	_ =	shalt  }
0x6d: {  	_ =	shalt  }
0x6e: {  	_ =	shalt  }
0x6f: {  	_ =	shalt  }
0x70: {  	_ =	shalt  }
0x71: {  	_ =	shalt  }
0x72: {  	_ =	shalt  }
0x73: {  	_ =	shalt  }
0x74: {  	_ =	shalt  }
0x75: {  	_ =	shalt  }
0x76: {  	_ =	shalt  }
0x77: {  	_ =	shalt  }
0x78: {  	_ =	shalt  }
0x79: {  	_ =	shalt  }
0x7a: {  	_ =	shalt  }
0x7b: {  	_ =	shalt  }
0x7c: {  	_ =	shalt  }
0x7d: {  	_ =	shalt  }
0x7e: {  	_ =	shalt  }
0x7f: {  	_ =	shalt  }
0x80: {  	_ =	shalt  }
0x81: {  	_ =	shalt  }
0x82: {  	_ =	shalt  }
0x83: {  	_ =	shalt  }
0x84: {  	_ =	shalt  }
0x85: {  	_ =	shalt  }
0x86: {  	_ =	shalt  }
0x87: {  	_ =	shalt  }
.Lfunc_end0:
.L_simem_size_0:
called_computation_lowered:
.L_overlay_start_0:
0x88: {  	s2 =	sld [smem:$0x3FD9]  }
0x89: {  	s3 =	sld [smem:$0x3FFE];
	_ =	sdelay $0x1  }
0x8a: {  	s1 =	srdreg.scid  }
0x8b: {  	s0 =	sand.u32 $0x1, s1  }
0x8c: {  	s17 =	sshll.u32 s0, $0xA;
	s2 =	sadd.s32 s3, s2  }
0x8d: {  	s2 =	sadd.s32 s2, s17  }
0x8e: {  	[smem:$0x3FBC] =	sst s2  }
0x8f: {  	_ = 	snop  }
0x90: {  	s2 =	sld [smem:$0x3FC9]  }
0x91: {  	s18 =	sld [smem:$0x3FD0];
	(tm) =	ssettm $0x1  }
0x92: {  	s4 =	sld [smem:$0x3FFB];
	_ =	sdelay $0x3  }
0x93: {  	_ =	strace s4  }
0x94: {  	s4 =	sld [smem:$0x3FFC];
	_ =	sdelay $0x3  }
0x95: {  	_ =	strace s4  }
0x96: {  	s4 =	sld [smem:$0x3FFD];
	_ =	sdelay $0x3  }
0x97: {  	_ =	strace s4  }
0x98: {  	_ =	strace $0x8FFFFFFF  }
0x99: {  	s19 =	sld [smem:$0x3FDB];
	_ =	sdelay $0x1  }
0x9a: {  	s5 =	simm.s32 $_scs_section_size  }
0x9b: {  	s6 =	simm.s32 $_size__tile_overlayer_lowered;
	s7 =	simm.s32 $_tile_overlayer_lowered  }
0x9c: {  	s22 =	simm.s32 $0x1BFF;
	s21 =	sshll.u32 s7, $0x1;
	s4 =	sadd.s32 s5, s19  }
0x9d: {  	s8 =	simm.s32 $0x0;
	s20 =	sshll.u32 s6, $0x1;
	s6 =	sadd.s32 s21, s4  }
0x9e: {  	[timem:s8], [sflag:s22] =	dma.local [hbm:s6], s20  }
0x9f: {  	_ =	swait.ge [sflag:s22], s20  }
0xa0: {  	s5 =	ssub.s32 $0x0, s20;
	[sflag:s22] =	ssyncset.done $0x0  }
0xa1: {  	[sflag:s22] =	ssyncadd.s32 s5;
	_ =	sdelay $0x1  }
0xa2: {  	s23 =	simm.s32 $0x1B8B  }
0xa3: {  	_ =	swait.ge [sflag:s23], $0x1  }
0xa4: {  	[sflag:s23] =	ssyncset.done $0x0  }
0xa5: {  	s25 =	simm.s32 $0x1B8E;
	s24 =	sld [smem:$0x3FFE];
	[sflag:s23] =	ssyncadd.s32 $0xFFFFFFFF  }
0xa6: {  	s26 =	simm.s32 $execute0_lowered;
	[smem:$0x3FD2] =	sst s25  }
0xa7: {  	s6 =	sshll.u32 s26, $0x1;
	_ =	strace $0x80000046;
	[dreg:$0x1] =	wrdreg $0xFFFFFFFF  }
0xa8: {  	s28 =	simm.s32 $_size_execute0_lowered;
	s4 =	sadd.s32 s4, s6;
	[dreg:$0x0] =	wrdreg $0x0  }
0xa9: {  	s6 =	sshll.u32 s28, $0x1;
	[dreg:$0x2] =	wrdreg s4  }
0xaa: {  	[dreg:$0x3] =	wrdreg s6  }
0xab: {  	[dreg:$0x4] =	wrdreg $0xC0  }
0xac: {  	_ =	task [dreg:s8], $0x5FFFF  }
0xad: {  	[dreg:$0x1] =	wrdreg $0xFFFFFFFF  }
0xae: {  	[dreg:$0x0] =	wrdreg $0x60  }
0xaf: {  	[dreg:$0x2] =	wrdreg s2  }
0xb0: {  	[dreg:$0x3] =	wrdreg s24  }
0xb1: {  	[dreg:$0x4] =	wrdreg s18  }
0xb2: {  	[dreg:$0x5] =	wrdreg $0x29000  }
0xb3: {  	[dreg:$0x6] =	wrdreg $0x9  }
0xb4: {  	_ =	task.clear_ibuf [dreg:s8], $0x7FFFF;
	_ =	strace $0x90000046  }
0xb5: {  	s29 =	simm.s32 $0x9;
	_ =	strace $0x80000048  }
0xb6: {  	_ =	swait.ge [sflag:s29], $0x1  }
0xb7: {  	[sflag:s29] =	ssyncadd.s32 $0xFFFFFFFF  }
0xb8: {  	_ =	strace $0x90000048  }
0xb9: {  	_ =	sfence  }
0xba: {  	s30 =	sld [smem:$0x0];
	_ =	sdelay $0x2  }
0xbb: {  	s31 =	sshll.u32 s1, $0xD;
	s1 =	sshrl.u32 s1, $0x2  }
0xbc: {  	s3 =	sand.u32 $0x4000, s31;
	s1 =	sadd.s32 s1, s30  }
0xbd: {  	s0 =	sor.u32 s3, s0;
	s1 =	sshll.u32 s1, $0x11  }
0xbe: {  	s0 =	sor.u32 s1, s0  }
0xbf: {  	s0 =	sadd.s32 $0x8F2B, s0  }
0xc0: {  	[sflag:s0] =	ssyncadd.remote.s32 $0x1  }
0xc1: {  	_ =	sfence.sel $0xFFFF  }
0xc2: {  	[dreg:$0x0] =	wrdreg $0xFFFFFFFF;
	(pc) =	sbr.abs _section_cstart, $3  }
0xc3: {  	[dreg:$0x1] =	wrdreg $0xFFFFFFFF  }
0xc4: {  	_ =	task.clear_ibuf [dreg:s8], $0x2FFFF;
	_ =	strace $0x9FFFFFFF  }
0xc5: {  	(tm) =	ssettm $0x7FFFFFFF  }
tec
execute0_lowered:
.L_overlay_start_1:
0x0: {  	(tag) =	ssettag $0x1  }
0x1: {  	s1 =	rddreg [dreg:$0x0]  }
0x2: {  	s2 =	srdreg.scid;
	s7 =	rddreg [dreg:$0x1]  }
0x3: {  	s0 =	stileid.u32;
	s11 =	rddreg [dreg:$0x2]  }
0x4: {  	s3 =	rddreg [dreg:$0x3];
	s4 =	simm.s32 $0x0;
	s18 =	simm.s32 $0x1  }
0x5: {  	s19 =	simm.s32 $0x80;
	s20 =	simm.s32 $0x0;
	s6 =	smul.u32 $0x4E20, s0  }
0x6: {  	s5 =	sand.u32 $0x1, s2;
	s2 =	rddreg [dreg:$0x4];
	s25 =	smul.u32 $0x13800, s0  }
0x7: {  	[smem:$0x7FF] =	sst s4;
	s10 =	smul.u32 $0x4E000, s0;
	s14 =	sadd.s32 $0x33800, s7  }
0x8: {  	s30 =	sshll.u32 s0, $0x6;
	s17 =	sadd.s32 $0x138000, s3;
	p0 =	sne.s32 s0, $0xF  }
0x9: {  	s8 =	smul.u32 $0x2710, s5;
	_ =	strace $0x80000047;
	s9 =	ssub.s32 $0x2, s5  }
0xa: {  	s29 =	smul.u32 $0x138800, s5;
	s26 =	sshrl.u32 s25, $0x3;
	s15 =	sshrl.u32 s9, $0x1  }
0xb: {  	s28 =	sshrl.u32 s10, $0x2;
	s6 =	sadd.s32 s8, s6;
	s15 =	ssub.s32 s9, s15  }
0xc: {  	s16 =	sadd.s32 s28, s3;
	s8 =	sadd.s32 s25, s29;
	s31 =	sshrl.u32 s29, $0x3  }
0xd: {  	s12 =	sshrl.u32 s6, $0x3;
	s6 =	sadd.s32 s26, s7;
	s8 =	sshrl.u32 s8, $0x3  }
0xe: {  	s9 =	sadd.s32 s14, s31;
	s10 =	smax.u32 s15, $0x1;
	s15 =	sshrl.u32 @!p0 s17, $0x3  }
0xf: {  	s17 =	simm.s32 $0x100;
	s13 =	sadd.s32 s12, s7;
	s5 =	sadd.s32 $0xC600, s6  }
0x10: {  	s6 =	sor.u32 $0x1C02, s30;
	s7 =	sadd.s32 $0x33600, s7;
	s8 =	sadd.s32 s14, s8  }
0x11: {  	s9 =	sadd.s32 $0x27000, s9;
	s11 =	sadd.s32 s12, s11;
	s14 =	simm.s32 $0x2  }
0x12: {  	s12 =	sadd.s32 $0x2800, s13;
	s13 =	sshrl.u32 s16, $0x3;
	s16 =	simm.s32 $0x50  }
.LBB2_1:
0x13: {  	[spmem:s13], [sflag:s6] =	dma.local [hbm:s5], $0x2700  }
0x14: {  	_ =	swait.ge [sflag:s14], $0x2700  }
0x15: {  	[sflag:s14] =	ssyncset.done $0x0  }
0x16: {  	s21 =	simm.s32 @!p0 $0x2;
	[sflag:s14] =	ssyncadd.s32 $0xFFFFD900  }
0x17: {  	[spmem:s15], [sflag:s6] =	dma.local @!p0 [hbm:s7], $0x100  }
0x18: {  	_ =	swait.ge @!p0 [sflag:s21], $0x100  }
0x19: {  	[sflag:s21] =	ssyncset.done @!p0 $0x0  }
0x1a: {  	[sflag:s21] =	ssyncadd.s32 @!p0 $0xFFFFFF00  }
0x1b: {  	s30 =	sadd.s32 $0x0, s12;
	[bflag:$0x0] =	sbarrier.arrive $0xFFFF  }
0x1c: {  	[tilespmem:s4], [sflag:$0x2] =	stream.linear.gather [hbm4b:s30+s4], $0x50, $0x38;
	[tilespmem:$0x16180] =	vst v63  }
0x1d: {  	_ =	swait.ge [sflag:s14], $0x50  }
0x1e: {  	[sflag:s14] =	ssyncset.done $0x0  }
0x1f: {  	[sflag:s14] =	ssyncadd.s32 $0xFFFFFFB0  }
0x20: {  	[tilespmem:s17], [sflag:$0x1] =	stream.indirect.gather [hbm4b:s1+s16], $0x80, s4, s16, $0xb8;
	[tilespmem:$0x16180] =	vst v63  }
0x21: {  	_ =	swait.ge [sflag:s18], $0x2800  }
0x22: {  	[sflag:s18] =	ssyncset.done $0x0  }
0x23: {  	s31 =	sadd.s32 $0x0, s11;
	[sflag:s18] =	ssyncadd.s32 $0xFFFFD800  }
0x24: {  	[tilespmem:s19], [sflag:$0x2] =	stream.linear.gather [hbm4b:s31+s4], $0x50, $0x38;
	[tilespmem:$0x16180] =	vst v63  }
0x25: {  	_ =	swait.ge [sflag:s14], $0x50  }
0x26: {  	[sflag:s14] =	ssyncset.done $0x0  }
0x27: {  	[sflag:s14] =	ssyncadd.s32 $0xFFFFFFB0  }
0x28: {  	[spmem:s3] =	stream.indirect.scatter.add.f32 [tilespmem:s17], [sflag:$0x2], $0x80, s19, s16, $0xb8;
	[tilespmem:$0x16180] =	vst v63  }
0x29: {  	_ =	swait.ge [sflag:s14], $0x2800  }
0x2a: {  	s22 =	simm.s32 $0x14;
	s21 =	simm.s32 $0xA;
	[sflag:s14] =	ssyncset.done $0x0  }
.LBB2_2:
0x2b: {  	s23 =	sadd.s32 s21, s12  }
0x2c: {  	[sflag:s14] =	ssyncadd.s32 $0xFFFFD800;
	s24 =	smov.u32 s22;
	s25 =	sadd.s32 $0xA, s22  }
0x2d: {  	[tilespmem:s4], [sflag:$0x2] =	stream.linear.gather [hbm4b:s23+s4], $0x50, $0x38;
	[tilespmem:$0x16180] =	vst v63  }
0x2e: {  	p1 =	sne.s32 s22, $0x4D8;
	_ =	swait.ge [sflag:s14], $0x50  }
0x2f: {  	[sflag:s14] =	ssyncset.done $0x0  }
0x30: {  	[sflag:s14] =	ssyncadd.s32 $0xFFFFFFB0  }
0x31: {  	[tilespmem:s17], [sflag:$0x1] =	stream.indirect.gather [hbm4b:s1+s16], $0x80, s4, s16, $0xb8;
	[tilespmem:$0x16180] =	vst v63  }
0x32: {  	_ =	swait.ge [sflag:s18], $0x2800  }
0x33: {  	[sflag:s18] =	ssyncset.done $0x0  }
0x34: {  	s22 =	sadd.s32 s21, s11;
	s21 =	smov.u32 s24;
	[sflag:s18] =	ssyncadd.s32 $0xFFFFD800  }
0x35: {  	[tilespmem:s19], [sflag:$0x2] =	stream.linear.gather [hbm4b:s22+s4], $0x50, $0x38;
	[tilespmem:$0x16180] =	vst v63  }
0x36: {  	_ =	swait.ge [sflag:s14], $0x50  }
.Ltmp0:
0x37: {  	[sflag:s14] =	ssyncset.done $0x0;
	(pc) =	sbr.rel @p1 .LBB2_2-.Ltmp0, $4  }
0x38: {  	[sflag:s14] =	ssyncadd.s32 $0xFFFFFFB0  }
0x39: {  	[spmem:s3] =	stream.indirect.scatter.add.f32 [tilespmem:s17], [sflag:$0x2], $0x80, s19, s16, $0xb8;
	[tilespmem:$0x16180] =	vst v63  }
0x3a: {  	_ =	swait.ge [sflag:s14], $0x2800  }
0x3b: {  	s22 =	smov.u32 s25;
	[sflag:s14] =	ssyncset.done $0x0  }
0x3c: {  	s22 =	sadd.s32 s21, s12;
	[sflag:s14] =	ssyncadd.s32 $0xFFFFD800  }
0x3d: {  	[tilespmem:s4], [sflag:$0x2] =	stream.linear.gather [hbm4b:s22+s4], $0x50, $0x38;
	[tilespmem:$0x16180] =	vst v63  }
0x3e: {  	_ =	swait.ge [sflag:s14], $0x50  }
0x3f: {  	[sflag:s14] =	ssyncset.done $0x0  }
0x40: {  	[sflag:s14] =	ssyncadd.s32 $0xFFFFFFB0  }
0x41: {  	[tilespmem:s17], [sflag:$0x1] =	stream.indirect.gather [hbm4b:s1+s16], $0x80, s4, s16, $0xb8;
	[tilespmem:$0x16180] =	vst v63  }
0x42: {  	_ =	swait.ge [sflag:s18], $0x2800  }
0x43: {  	[sflag:s18] =	ssyncset.done $0x0  }
0x44: {  	s31 =	sadd.s32 s21, s11;
	[sflag:s18] =	ssyncadd.s32 $0xFFFFD800  }
0x45: {  	[tilespmem:s19], [sflag:$0x2] =	stream.linear.gather [hbm4b:s31+s4], $0x50, $0x38;
	[tilespmem:$0x16180] =	vst v63  }
0x46: {  	_ =	swait.ge [sflag:s14], $0x50  }
0x47: {  	[sflag:s14] =	ssyncset.done $0x0  }
0x48: {  	[sflag:s14] =	ssyncadd.s32 $0xFFFFFFB0  }
0x49: {  	[spmem:s3] =	stream.indirect.scatter.add.f32 [tilespmem:s17], [sflag:$0x2], $0x80, s19, s16, $0xb8;
	[tilespmem:$0x16180] =	vst v63  }
0x4a: {  	_ =	swait.ge [sflag:s14], $0x2800  }
0x4b: {  	[sflag:s14] =	ssyncset.done $0x0  }
0x4c: {  	[sflag:s14] =	ssyncadd.s32 $0xFFFFD800  }
0x4d: {  	[bflag:$0x0] =	sbarrier.arrive $0xFFFF  }
0x4e: {  	[hbm:s8], [sflag:s6] =	dma.local [spmem:s13], $0x2700  }
0x4f: {  	s20 =	sadd.s32 $0x1, s20;
	_ =	swait.ge [sflag:s14], $0x2700  }
0x50: {  	p1 =	sne.s32 s20, s10;
	[sflag:s14] =	ssyncset.done $0x0  }
.Ltmp1:
0x51: {  	s21 =	simm.s32 @!p0 $0x2;
	[sflag:s14] =	ssyncadd.s32 $0xFFFFD900;
	(pc) =	sbr.rel @p1 .LBB2_1-.Ltmp1, $4  }
0x52: {  	[hbm:s9], [sflag:s6] =	dma.local @!p0 [spmem:s15], $0x100  }
0x53: {  	_ =	swait.ge @!p0 [sflag:s21], $0x100  }
0x54: {  	[sflag:s21] =	ssyncset.done @!p0 $0x0  }
0x55: {  	[sflag:s21] =	ssyncadd.s32 @!p0 $0xFFFFFF00  }
0x56: {  	_ =	sfence.sel $0x180000  }
0x57: {  	[bflag:$0x0] =	sbarrier.arrive $0xFFFF  }
0x58: {  	p0 =	sne.s32 s0, $0x0;
	_ =	strace $0x90000047  }
0x59: {  	s0 =	sadd.s32 @!p0 $0x100000, s2;
	[bflag:$0x2] =	sbarrier.arrive $0xFFFF  }
0x5a: {  	[sflag:s0] =	ssyncadd.tile.s32 @!p0 $0x1;
	_ =	shalt  }
.Lfunc_end2:
_tile_overlayer_lowered:
.L_overlay_start_2:
0x5b: {  	(tag) =	ssettag $0x2  }
0x5c: {  	s0 =	rddreg [dreg:$0x0];
	s2 =	stileid.u32  }
0x5d: {  	s1 =	rddreg [dreg:$0x1];
	p0 =	sne.s32 s2, $0x0  }
0x5e: {  	s3 =	rddreg [dreg:$0x2];
	[bflag:$0x3] =	sbarrier.arrive $0xFFFF;
	s2 =	simm.s32 @!p0 $0x1C02  }
0x5f: {  	[timem:s3], [sflag:s2] =	dma.local @!p0 [hbm:s0], s1  }
0x60: {  	s0 =	simm.s32 @!p0 $0x2  }
0x61: {  	_ =	swait.ge @!p0 [sflag:s0], s1  }
0x62: {  	s1 =	ssub.s32 @!p0 $0x0, s1;
	[sflag:s0] =	ssyncset.done @!p0 $0x0  }
0x63: {  	[sflag:s0] =	ssyncadd.s32 @!p0 s1  }
0x64: {  	[bflag:$0x3] =	sbarrier.arrive $0xFFFF  }
0x65: {  	_ =	shalt  }

</sc_bundles>
